<compile_context>
chip_gen: v7x
topology: tpu7x:2x2x1
jax: 0.10.2.dev20260603
libtpu: 0.0.44.dev20260713+nightly
codegen_flags: <defaults>
</compile_context>

<pallas_src>
import functools

import jax
import jax.numpy as jnp
from jax import lax
from jax.experimental import pallas as pl
from jax.experimental.pallas import tpu as pltpu
from jax.experimental.pallas import tpu_sc as plsc

E = 64
K = 2
D = 1024
F = 512
N = 4096
NFLAT = N * K
TBLK = 128
NT = NFLAT // TBLK
NSEG = NT + E
RBLK = 256

NW = 32
SC_SCAT_CHUNK = 32
SC_GATH_CHUNK = 32



def _rmeta_body(x_ref, wg_ref, sc_ref, dest_ref, exp_ref, hi_ref):
    xb = x_ref[...]
    logits = lax.dot_general(xb, wg_ref[...], (((1,), (1,)), ((), ())),
                             preferred_element_type=jnp.float32)
    m = jnp.max(logits, axis=1, keepdims=True)
    ex = jnp.exp(logits - m)
    p = ex / jnp.sum(ex, axis=1, keepdims=True)
    lane = lax.broadcasted_iota(jnp.int32, (N, E), 1)
    m1 = jnp.max(p, axis=1, keepdims=True)
    i1 = jnp.min(jnp.where(p == m1, lane, E), axis=1, keepdims=True)
    p2 = jnp.where(lane == i1, -1.0, p)
    m2 = jnp.max(p2, axis=1, keepdims=True)
    i2 = jnp.min(jnp.where(p2 == m2, lane, E), axis=1, keepdims=True)
    lane128 = lax.broadcasted_iota(jnp.int32, (N, 128), 1)
    sc_ref[...] = jnp.where(lane128 == 0, m1, jnp.where(lane128 == 1, m2, 0.0))

    oh1 = (lane == i1).astype(jnp.float32)
    oh2 = (lane == i2).astype(jnp.float32)
    t1 = jnp.transpose(oh1)
    t2 = jnp.transpose(oh2)
    A = jnp.concatenate([t1.reshape(E, 32, 128),
                         t2.reshape(E, 32, 128)], axis=1)

    r_i = lax.broadcasted_iota(jnp.int32, (128, 128), 0)
    c_i = lax.broadcasted_iota(jnp.int32, (128, 128), 1)
    Tinc = (r_i <= c_i).astype(jnp.float32)
    B = lax.dot_general(A, Tinc, (((2,), (0,)), ((), ())),
                        preferred_element_type=jnp.float32)
    R = B[:, :, 127]
    r64 = lax.broadcasted_iota(jnp.int32, (64, 64), 0)
    c64 = lax.broadcasted_iota(jnp.int32, (64, 64), 1)
    SL = (r64 < c64).astype(jnp.float32)
    S = lax.dot_general(R, SL, (((1,), (0,)), ((), ())),
                        preferred_element_type=jnp.float32)
    P = B + S[:, :, None]
    cnt_col = jnp.sum(R, axis=1, keepdims=True)
    SLT = (c64 < r64).astype(jnp.float32)

    tcnt_col = jnp.floor((cnt_col + float(TBLK - 1)) / float(TBLK))
    ptile_col = lax.dot_general(SLT, tcnt_col, (((1,), (0,)), ((), ())),
                                preferred_element_type=jnp.float32)
    pstart_col = ptile_col * float(TBLK)

    rank_incl = jnp.sum(A * P, axis=0)
    base = jnp.sum(A * pstart_col[:, :, None], axis=0)
    dest_ref[...] = (base + rank_incl - 1.0).astype(jnp.int32)

    g_row = lax.broadcasted_iota(jnp.int32, (1, 128), 1).astype(jnp.float32)
    expert_row = jnp.clip(
        jnp.sum((ptile_col <= g_row).astype(jnp.float32), axis=0,
                keepdims=True) - 1.0, 0.0, float(E - 1))
    e_col = lax.broadcasted_iota(jnp.int32, (E, 128), 0).astype(jnp.float32)
    ohg = (e_col == expert_row).astype(jnp.float32)
    ps_g = jnp.sum(ohg * ptile_col, axis=0, keepdims=True)
    cnt_g = jnp.sum(ohg * cnt_col, axis=0, keepdims=True)
    hi = jnp.clip(cnt_g - float(TBLK) * (g_row - ps_g), 0.0,
                  float(TBLK)).astype(jnp.int32)

    exp_ref[...] = jnp.broadcast_to(expert_row.astype(jnp.int32), (8, 128))
    hi_ref[...] = jnp.broadcast_to(hi, (8, 128))


def _rmeta(x, wg, *, interpret=False):
    return pl.pallas_call(
        _rmeta_body,
        out_shape=[
            jax.ShapeDtypeStruct((N, 128), jnp.float32),
            jax.ShapeDtypeStruct((64, 128), jnp.int32),
            jax.ShapeDtypeStruct((8, 128), jnp.int32),
            jax.ShapeDtypeStruct((8, 128), jnp.int32),
        ],
        interpret=interpret,
    )(x, wg)



def _sc_scatter_body(x_hbm, dest_hbm, perm_hbm, idx_v, rows_v, sem):
    c = lax.axis_index("c")
    s = lax.axis_index("s")
    wid = s * 2 + c
    base = wid * (NFLAT // NW)
    for k in range(NFLAT // NW // SC_SCAT_CHUNK):
        off = base + k * SC_SCAT_CHUNK
        pltpu.sync_copy(dest_hbm.at[pl.ds(off, SC_SCAT_CHUNK)], idx_v)
        pltpu.sync_copy(x_hbm.at[pl.ds(off % N, SC_SCAT_CHUNK)], rows_v)
        pltpu.async_copy(rows_v, perm_hbm.at[idx_v], sem).wait()


def _sc_scatter(x, dest):
    mesh = plsc.VectorSubcoreMesh(core_axis_name="c", subcore_axis_name="s")
    f = pl.kernel(
        _sc_scatter_body,
        out_type=jax.ShapeDtypeStruct((NSEG * TBLK, D), jnp.float32),
        mesh=mesh,
        scratch_types=[
            pltpu.VMEM((SC_SCAT_CHUNK,), jnp.int32),
            pltpu.VMEM((SC_SCAT_CHUNK, D), jnp.float32),
            pltpu.SemaphoreType.DMA,
        ],
    )
    return f(x, dest)



def _gemm_body(exp_r, hi_r, p_ref, w1_ref, w3_ref, w2_ref, y_ref):
    g = pl.program_id(0)

    @pl.when(hi_r[g] > 0)
    def _():
        xb = p_ref[...].astype(jnp.bfloat16)
        w1b = w1_ref[0].astype(jnp.bfloat16)
        w3b = w3_ref[0].astype(jnp.bfloat16)
        w2b = w2_ref[0].astype(jnp.bfloat16)
        h1 = lax.dot_general(xb, w1b, (((1,), (1,)), ((), ())),
                             preferred_element_type=jnp.float32)
        h3 = lax.dot_general(xb, w3b, (((1,), (1,)), ((), ())),
                             preferred_element_type=jnp.float32)
        h = (h1 * jax.nn.sigmoid(h1)) * h3
        o = lax.dot_general(h.astype(jnp.bfloat16), w2b,
                            (((1,), (1,)), ((), ())),
                            preferred_element_type=jnp.float32)
        rows = lax.broadcasted_iota(jnp.int32, (TBLK, D), 0)
        y_ref[...] = jnp.where(rows < hi_r[g], o, 0.0)


def _gemm(exp, hi, perm, w1b, w3b, w2b, *, interpret=False):
    grid_spec = pltpu.PrefetchScalarGridSpec(
        num_scalar_prefetch=2,
        grid=(NSEG,),
        in_specs=[
            pl.BlockSpec((TBLK, D),
                         lambda g, e, h: (jnp.where(h[g] > 0, g, 0), 0)),
            pl.BlockSpec((1, F, D), lambda g, e, h: (e[g], 0, 0)),
            pl.BlockSpec((1, F, D), lambda g, e, h: (e[g], 0, 0)),
            pl.BlockSpec((1, D, F), lambda g, e, h: (e[g], 0, 0)),
        ],
        out_specs=pl.BlockSpec((TBLK, D), lambda g, e, h: (g, 0)),
    )
    return pl.pallas_call(
        _gemm_body,
        grid_spec=grid_spec,
        out_shape=jax.ShapeDtypeStruct((NSEG * TBLK, D), jnp.float32),
        interpret=interpret,
    )(exp, hi, perm, w1b, w3b, w2b)



def _sc_gather_body(y_hbm, ia_hbm, ib_hbm, ya_hbm, yb_hbm,
                    idx_a, idx_b, rows_a, rows_b, sem_a, sem_b):
    c = lax.axis_index("c")
    s = lax.axis_index("s")
    wid = s * 2 + c
    base = wid * (N // NW)
    for k in range(N // NW // SC_GATH_CHUNK):
        off = base + k * SC_GATH_CHUNK
        pltpu.sync_copy(ia_hbm.at[pl.ds(off, SC_GATH_CHUNK)], idx_a)
        pltpu.sync_copy(ib_hbm.at[pl.ds(off, SC_GATH_CHUNK)], idx_b)
        ha = pltpu.async_copy(y_hbm.at[idx_a], rows_a, sem_a)
        hb = pltpu.async_copy(y_hbm.at[idx_b], rows_b, sem_b)
        ha.wait()
        pltpu.sync_copy(rows_a, ya_hbm.at[pl.ds(off, SC_GATH_CHUNK)])
        hb.wait()
        pltpu.sync_copy(rows_b, yb_hbm.at[pl.ds(off, SC_GATH_CHUNK)])


def _sc_gather(y, ia, ib):
    mesh = plsc.VectorSubcoreMesh(core_axis_name="c", subcore_axis_name="s")
    f = pl.kernel(
        _sc_gather_body,
        out_type=[
            jax.ShapeDtypeStruct((N, D), jnp.float32),
            jax.ShapeDtypeStruct((N, D), jnp.float32),
        ],
        mesh=mesh,
        scratch_types=[
            pltpu.VMEM((SC_GATH_CHUNK,), jnp.int32),
            pltpu.VMEM((SC_GATH_CHUNK,), jnp.int32),
            pltpu.VMEM((SC_GATH_CHUNK, D), jnp.float32),
            pltpu.VMEM((SC_GATH_CHUNK, D), jnp.float32),
            pltpu.SemaphoreType.DMA,
            pltpu.SemaphoreType.DMA,
        ],
    )
    return f(y, ia, ib)



def _comb_body(ya_ref, yb_ref, s_ref, o_ref):
    s1 = s_ref[:, 0:1]
    s2 = s_ref[:, 1:2]
    o_ref[...] = ya_ref[...] * s1 + yb_ref[...] * s2


def _combine(ya, yb, scores, *, interpret=False):
    return pl.pallas_call(
        _comb_body,
        grid=(N // RBLK,),
        in_specs=[
            pl.BlockSpec((RBLK, D), lambda i: (i, 0)),
            pl.BlockSpec((RBLK, D), lambda i: (i, 0)),
            pl.BlockSpec((RBLK, 128), lambda i: (i, 0)),
        ],
        out_specs=pl.BlockSpec((RBLK, D), lambda i: (i, 0)),
        out_shape=jax.ShapeDtypeStruct((N, D), jnp.float32),
        interpret=interpret,
    )(ya, yb, scores)



def kernel(x, wg, w1, w2, w3):
    sc128, dest2d, exp8, hi8 = _rmeta(x, wg)
    dest = dest2d.reshape(NFLAT)
    exp, hi = exp8[0], hi8[0]

    perm = _sc_scatter(x, dest)

    y = _gemm(exp, hi, perm, w1, w3, w2)

    ya, yb = _sc_gather(y, dest[:N], dest[N:])
    return _combine(ya, yb, sc128)

# --- scband reference (transcript-rebuilt; emitter-appended) ---
"""Pipeline reference for scband-transformer-89790586290425 (READ-ONLY COPY).

The authoritative reference and input builder live on the scoring server;
editing this copy changes nothing except your own understanding.
"""

import jax, jax.numpy as jnp
import numpy as np

E = 64
TOPK = 2
D_MODEL = 1024
D_FF = 512
N_TOK = 4096


def setup_inputs(seed: int = 0) -> dict:
    key = jax.random.key(seed)
    ks = jax.random.split(key, 5)
    x = jax.random.normal(ks[0], (N_TOK, D_MODEL), dtype=jnp.float32)
    wg = jax.random.normal(ks[1], (E, D_MODEL), dtype=jnp.float32) * 0.02
    w1 = jax.random.normal(ks[2], (E, D_FF, D_MODEL), dtype=jnp.float32) * 0.02
    w2 = jax.random.normal(ks[3], (E, D_MODEL, D_FF), dtype=jnp.float32) * 0.02
    w3 = jax.random.normal(ks[4], (E, D_FF, D_MODEL), dtype=jnp.float32) * 0.02
    return {"x": x, "wg": wg, "w1": w1, "w2": w2, "w3": w3}


def reference(x, wg, w1, w2, w3):
    topk = TOPK
    n_exp = w1.shape[0]
    # router
    logits = x @ wg.T
    probs = jax.nn.softmax(logits, axis=-1)
    scores, indices = jax.lax.top_k(probs, topk)
    # TokenDispatcher.token_permutation: stable argsort of flattened expert ids
    flat = indices.reshape(-1)
    order = jnp.argsort(flat)  # jax sort is stable
    permuted = jnp.take(x, order // topk, axis=0)
    # expert id of each permuted row (sorted expert ids)
    sorted_ids = jnp.take(flat, order)
    # sequential_gemm over experts with SwiGLU (ConditionalFeedForward)
    def body(e, acc):
        h = jax.nn.silu(permuted @ w1[e].T) * (permuted @ w3[e].T)
        o = h @ w2[e].T
        mask = (sorted_ids == e)[:, None]
        return acc + jnp.where(mask, o, jnp.zeros_like(o))
    permuted_out = jax.lax.fori_loop(
        0, n_exp, body, jnp.zeros((flat.shape[0], x.shape[1]), dtype=x.dtype)
    )
    # TokenDispatcher.token_unpermutation: inverse permutation + score-weighted combine
    unperm = jnp.zeros((flat.shape[0], x.shape[1]), dtype=x.dtype).at[order].set(permuted_out)
    out = (unperm.reshape(-1, topk, x.shape[1]) * scores[..., None]).sum(axis=1)
    return out

if __name__ == "__main__":
    import jax
    _d = setup_inputs()
    print(jax.jit(kernel)(*tuple(_d.values())))

</pallas_src>

<mosaic_0001>
#map = affine_map<(d0, d1) -> (0, 0)>
#map1 = affine_map<(d0, d1) -> (0)>
module attributes {stable_mosaic.version = 14 : i64} {
  func.func @_sc_scatter_body(%arg0: i32, %arg1: i32, %arg2: memref<4096x1024xf32, #tpu.memory_space<hbm>>, %arg3: memref<8192xi32, #tpu.memory_space<hbm>>, %arg4: memref<16384x1024xf32, #tpu.memory_space<hbm>>, %arg5: memref<32xi32, #tpu.memory_space<vmem>>, %arg6: memref<32x1024xf32, #tpu.memory_space<vmem>>, %arg7: memref<!tpu.dma_semaphore, #tpu.memory_space<semaphore_mem>>) attributes {dimension_semantics = [#tpu.dimension_semantics<core_parallel>, #tpu.dimension_semantics<subcore_parallel>], iteration_bounds = array<i64: 2, 16>, scalar_prefetch = 0 : i64, scratch_operands = 3 : i64, tpu.core_type = #tpu.core_type<sc_vector_subcore>, window_params = [{transform_indices = #map}, {transform_indices = #map1}, {transform_indices = #map}]} {
    %mul3A = arith.constant 2 : i32
    %mul3A_0 = arith.muli %arg1, %mul3A : i32
    %add3A = arith.addi %mul3A_0, %arg0 : i32
    %mul3A_1 = arith.constant 256 : i32
    %mul3A_2 = arith.muli %add3A, %mul3A_1 : i32
    %add3A_3 = arith.constant 0 : i32
    %add3A_4 = arith.addi %mul3A_2, %add3A_3 : i32
    "tpu.region"() ({
      %run_scoped3A = tpu.sem_alloc : memref<!tpu.dma_semaphore, #tpu.memory_space<semaphore_mem>>
      %dma_start3A_186 = tpu.memref_slice %arg3[%add3A_4] : memref<8192xi32, #tpu.memory_space<hbm>> -> memref<32xi32, #tpu.memory_space<hbm>>
      %dma_start3A_187 = tpu.memref_slice %arg3[%add3A_4] : memref<8192xi32, #tpu.memory_space<hbm>> -> memref<32xi32, #tpu.memory_space<hbm>>
      tpu.enqueue_dma source(%dma_start3A_187 : memref<32xi32, #tpu.memory_space<hbm>>) target(%arg5 : memref<32xi32, #tpu.memory_space<vmem>>) target_semaphore(%run_scoped3A : memref<!tpu.dma_semaphore, #tpu.memory_space<semaphore_mem>>)
      %dma_wait3A_188 = tpu.memref_slice %arg3[%add3A_4] : memref<8192xi32, #tpu.memory_space<hbm>> -> memref<32xi32, #tpu.memory_space<hbm>>
      %dma_wait3A_189 = tpu.memref_slice %arg3[%add3A_4] : memref<8192xi32, #tpu.memory_space<hbm>> -> memref<32xi32, #tpu.memory_space<hbm>>
      tpu.wait_dma2 semaphore(%run_scoped3A : memref<!tpu.dma_semaphore, #tpu.memory_space<semaphore_mem>>) src(%dma_wait3A_189 : memref<32xi32, #tpu.memory_space<hbm>>) dst(%arg5 : memref<32xi32, #tpu.memory_space<vmem>>)
      tpu.yield
    }) : () -> ()
    %jit3A = arith.constant 4096 : i32
    %eq3A = arith.constant 0 : i32
    %eq3A_5 = arith.cmpi eq, %jit3A, %eq3A : i32
    %jit3A_6 = arith.constant 1 : i32
    %select_n3A = arith.select %eq3A_5, %jit3A_6, %jit3A : i32
    %rem3A = arith.remsi %add3A_4, %select_n3A : i32
    %ne3A = arith.constant 0 : i32
    %ne3A_7 = arith.cmpi ne, %rem3A, %ne3A : i32
    %lt3A = arith.constant 0 : i32
    %lt3A_8 = arith.cmpi slt, %rem3A, %lt3A : i32
    %lt3A_9 = arith.constant 0 : i32
    %lt3A_10 = arith.cmpi slt, %select_n3A, %lt3A_9 : i32
    %ne3A_11 = arith.xori %lt3A_8, %lt3A_10 : i1
    %and3A = arith.andi %ne3A_11, %ne3A_7 : i1
    %add3A_12 = arith.addi %rem3A, %select_n3A : i32
    %select_n3A_13 = arith.select %and3A, %add3A_12, %rem3A : i32
    "tpu.region"() ({
      %run_scoped3A = tpu.sem_alloc : memref<!tpu.dma_semaphore, #tpu.memory_space<semaphore_mem>>
      %dma_start3A_186 = arith.constant 0 : i32
      %dma_start3A_187 = tpu.memref_slice %arg2[%select_n3A_13, %dma_start3A_186] : memref<4096x1024xf32, #tpu.memory_space<hbm>> -> memref<32x1024xf32, #tpu.memory_space<hbm>>
      %dma_start3A_188 = arith.constant 0 : i32
      %dma_start3A_189 = tpu.memref_slice %arg2[%select_n3A_13, %dma_start3A_188] : memref<4096x1024xf32, #tpu.memory_space<hbm>> -> memref<32x1024xf32, #tpu.memory_space<hbm>>
      tpu.enqueue_dma source(%dma_start3A_189 : memref<32x1024xf32, #tpu.memory_space<hbm>>) target(%arg6 : memref<32x1024xf32, #tpu.memory_space<vmem>>) target_semaphore(%run_scoped3A : memref<!tpu.dma_semaphore, #tpu.memory_space<semaphore_mem>>)
      %dma_wait3A_190 = arith.constant 0 : i32
      %dma_wait3A_191 = tpu.memref_slice %arg2[%select_n3A_13, %dma_wait3A_190] : memref<4096x1024xf32, #tpu.memory_space<hbm>> -> memref<32x1024xf32, #tpu.memory_space<hbm>>
      %dma_wait3A_192 = arith.constant 0 : i32
      %dma_wait3A_193 = tpu.memref_slice %arg2[%select_n3A_13, %dma_wait3A_192] : memref<4096x1024xf32, #tpu.memory_space<hbm>> -> memref<32x1024xf32, #tpu.memory_space<hbm>>
      tpu.wait_dma2 semaphore(%run_scoped3A : memref<!tpu.dma_semaphore, #tpu.memory_space<semaphore_mem>>) src(%dma_wait3A_193 : memref<32x1024xf32, #tpu.memory_space<hbm>>) dst(%arg6 : memref<32x1024xf32, #tpu.memory_space<vmem>>)
      tpu.yield
    }) : () -> ()
    %dma_start3A = arith.constant 0 : i32
    %dma_start3A_14 = arith.constant 0 : i32
    %dma_start3A_15 = tpu.memref_slice %arg4[%dma_start3A, %dma_start3A_14] : memref<16384x1024xf32, #tpu.memory_space<hbm>> -> memref<16384x1024xf32, #tpu.memory_space<hbm>>
    tpu.enqueue_indirect_dma source(%arg6 : memref<32x1024xf32, #tpu.memory_space<vmem>>) target(%dma_start3A_15 : memref<16384x1024xf32, #tpu.memory_space<hbm>>) offsets(%arg5 : memref<32xi32, #tpu.memory_space<vmem>>) semaphore(%arg7 : memref<!tpu.dma_semaphore, #tpu.memory_space<semaphore_mem>>)
    %dma_wait3A = arith.constant 0 : i32
    %dma_wait3A_16 = arith.constant 0 : i32
    %dma_wait3A_17 = tpu.memref_slice %arg4[%dma_wait3A, %dma_wait3A_16] : memref<16384x1024xf32, #tpu.memory_space<hbm>> -> memref<16384x1024xf32, #tpu.memory_space<hbm>>
    tpu.wait_indirect_dma semaphore(%arg7 : memref<!tpu.dma_semaphore, #tpu.memory_space<semaphore_mem>>) src(%arg6 : memref<32x1024xf32, #tpu.memory_space<vmem>>) dst(%dma_wait3A_17 : memref<16384x1024xf32, #tpu.memory_space<hbm>>)
    %add3A_18 = arith.constant 32 : i32
    %add3A_19 = arith.addi %mul3A_2, %add3A_18 : i32
    "tpu.region"() ({
      %run_scoped3A = tpu.sem_alloc : memref<!tpu.dma_semaphore, #tpu.memory_space<semaphore_mem>>
      %dma_start3A_186 = tpu.memref_slice %arg3[%add3A_19] : memref<8192xi32, #tpu.memory_space<hbm>> -> memref<32xi32, #tpu.memory_space<hbm>>
      %dma_start3A_187 = tpu.memref_slice %arg3[%add3A_19] : memref<8192xi32, #tpu.memory_space<hbm>> -> memref<32xi32, #tpu.memory_space<hbm>>
      tpu.enqueue_dma source(%dma_start3A_187 : memref<32xi32, #tpu.memory_space<hbm>>) target(%arg5 : memref<32xi32, #tpu.memory_space<vmem>>) target_semaphore(%run_scoped3A : memref<!tpu.dma_semaphore, #tpu.memory_space<semaphore_mem>>)
      %dma_wait3A_188 = tpu.memref_slice %arg3[%add3A_19] : memref<8192xi32, #tpu.memory_space<hbm>> -> memref<32xi32, #tpu.memory_space<hbm>>
      %dma_wait3A_189 = tpu.memref_slice %arg3[%add3A_19] : memref<8192xi32, #tpu.memory_space<hbm>> -> memref<32xi32, #tpu.memory_space<hbm>>
      tpu.wait_dma2 semaphore(%run_scoped3A : memref<!tpu.dma_semaphore, #tpu.memory_space<semaphore_mem>>) src(%dma_wait3A_189 : memref<32xi32, #tpu.memory_space<hbm>>) dst(%arg5 : memref<32xi32, #tpu.memory_space<vmem>>)
      tpu.yield
    }) : () -> ()
    %jit3A_20 = arith.constant 4096 : i32
    %eq3A_21 = arith.constant 0 : i32
    %eq3A_22 = arith.cmpi eq, %jit3A_20, %eq3A_21 : i32
    %jit3A_23 = arith.constant 1 : i32
    %select_n3A_24 = arith.select %eq3A_22, %jit3A_23, %jit3A_20 : i32
    %rem3A_25 = arith.remsi %add3A_19, %select_n3A_24 : i32
    %ne3A_26 = arith.constant 0 : i32
    %ne3A_27 = arith.cmpi ne, %rem3A_25, %ne3A_26 : i32
    %lt3A_28 = arith.constant 0 : i32
    %lt3A_29 = arith.cmpi slt, %rem3A_25, %lt3A_28 : i32
    %lt3A_30 = arith.constant 0 : i32
    %lt3A_31 = arith.cmpi slt, %select_n3A_24, %lt3A_30 : i32
    %ne3A_32 = arith.xori %lt3A_29, %lt3A_31 : i1
    %and3A_33 = arith.andi %ne3A_32, %ne3A_27 : i1
    %add3A_34 = arith.addi %rem3A_25, %select_n3A_24 : i32
    %select_n3A_35 = arith.select %and3A_33, %add3A_34, %rem3A_25 : i32
    "tpu.region"() ({
      %run_scoped3A = tpu.sem_alloc : memref<!tpu.dma_semaphore, #tpu.memory_space<semaphore_mem>>
      %dma_start3A_186 = arith.constant 0 : i32
      %dma_start3A_187 = tpu.memref_slice %arg2[%select_n3A_35, %dma_start3A_186] : memref<4096x1024xf32, #tpu.memory_space<hbm>> -> memref<32x1024xf32, #tpu.memory_space<hbm>>
      %dma_start3A_188 = arith.constant 0 : i32
      %dma_start3A_189 = tpu.memref_slice %arg2[%select_n3A_35, %dma_start3A_188] : memref<4096x1024xf32, #tpu.memory_space<hbm>> -> memref<32x1024xf32, #tpu.memory_space<hbm>>
      tpu.enqueue_dma source(%dma_start3A_189 : memref<32x1024xf32, #tpu.memory_space<hbm>>) target(%arg6 : memref<32x1024xf32, #tpu.memory_space<vmem>>) target_semaphore(%run_scoped3A : memref<!tpu.dma_semaphore, #tpu.memory_space<semaphore_mem>>)
      %dma_wait3A_190 = arith.constant 0 : i32
      %dma_wait3A_191 = tpu.memref_slice %arg2[%select_n3A_35, %dma_wait3A_190] : memref<4096x1024xf32, #tpu.memory_space<hbm>> -> memref<32x1024xf32, #tpu.memory_space<hbm>>
      %dma_wait3A_192 = arith.constant 0 : i32
      %dma_wait3A_193 = tpu.memref_slice %arg2[%select_n3A_35, %dma_wait3A_192] : memref<4096x1024xf32, #tpu.memory_space<hbm>> -> memref<32x1024xf32, #tpu.memory_space<hbm>>
      tpu.wait_dma2 semaphore(%run_scoped3A : memref<!tpu.dma_semaphore, #tpu.memory_space<semaphore_mem>>) src(%dma_wait3A_193 : memref<32x1024xf32, #tpu.memory_space<hbm>>) dst(%arg6 : memref<32x1024xf32, #tpu.memory_space<vmem>>)
      tpu.yield
    }) : () -> ()
    %dma_start3A_36 = arith.constant 0 : i32
    %dma_start3A_37 = arith.constant 0 : i32
    %dma_start3A_38 = tpu.memref_slice %arg4[%dma_start3A_36, %dma_start3A_37] : memref<16384x1024xf32, #tpu.memory_space<hbm>> -> memref<16384x1024xf32, #tpu.memory_space<hbm>>
    tpu.enqueue_indirect_dma source(%arg6 : memref<32x1024xf32, #tpu.memory_space<vmem>>) target(%dma_start3A_38 : memref<16384x1024xf32, #tpu.memory_space<hbm>>) offsets(%arg5 : memref<32xi32, #tpu.memory_space<vmem>>) semaphore(%arg7 : memref<!tpu.dma_semaphore, #tpu.memory_space<semaphore_mem>>)
    %dma_wait3A_39 = arith.constant 0 : i32
    %dma_wait3A_40 = arith.constant 0 : i32
    %dma_wait3A_41 = tpu.memref_slice %arg4[%dma_wait3A_39, %dma_wait3A_40] : memref<16384x1024xf32, #tpu.memory_space<hbm>> -> memref<16384x1024xf32, #tpu.memory_space<hbm>>
    tpu.wait_indirect_dma semaphore(%arg7 : memref<!tpu.dma_semaphore, #tpu.memory_space<semaphore_mem>>) src(%arg6 : memref<32x1024xf32, #tpu.memory_space<vmem>>) dst(%dma_wait3A_41 : memref<16384x1024xf32, #tpu.memory_space<hbm>>)
    %add3A_42 = arith.constant 64 : i32
    %add3A_43 = arith.addi %mul3A_2, %add3A_42 : i32
    "tpu.region"() ({
      %run_scoped3A = tpu.sem_alloc : memref<!tpu.dma_semaphore, #tpu.memory_space<semaphore_mem>>
      %dma_start3A_186 = tpu.memref_slice %arg3[%add3A_43] : memref<8192xi32, #tpu.memory_space<hbm>> -> memref<32xi32, #tpu.memory_space<hbm>>
      %dma_start3A_187 = tpu.memref_slice %arg3[%add3A_43] : memref<8192xi32, #tpu.memory_space<hbm>> -> memref<32xi32, #tpu.memory_space<hbm>>
      tpu.enqueue_dma source(%dma_start3A_187 : memref<32xi32, #tpu.memory_space<hbm>>) target(%arg5 : memref<32xi32, #tpu.memory_space<vmem>>) target_semaphore(%run_scoped3A : memref<!tpu.dma_semaphore, #tpu.memory_space<semaphore_mem>>)
      %dma_wait3A_188 = tpu.memref_slice %arg3[%add3A_43] : memref<8192xi32, #tpu.memory_space<hbm>> -> memref<32xi32, #tpu.memory_space<hbm>>
      %dma_wait3A_189 = tpu.memref_slice %arg3[%add3A_43] : memref<8192xi32, #tpu.memory_space<hbm>> -> memref<32xi32, #tpu.memory_space<hbm>>
      tpu.wait_dma2 semaphore(%run_scoped3A : memref<!tpu.dma_semaphore, #tpu.memory_space<semaphore_mem>>) src(%dma_wait3A_189 : memref<32xi32, #tpu.memory_space<hbm>>) dst(%arg5 : memref<32xi32, #tpu.memory_space<vmem>>)
      tpu.yield
    }) : () -> ()
    %jit3A_44 = arith.constant 4096 : i32
    %eq3A_45 = arith.constant 0 : i32
    %eq3A_46 = arith.cmpi eq, %jit3A_44, %eq3A_45 : i32
    %jit3A_47 = arith.constant 1 : i32
    %select_n3A_48 = arith.select %eq3A_46, %jit3A_47, %jit3A_44 : i32
    %rem3A_49 = arith.remsi %add3A_43, %select_n3A_48 : i32
    %ne3A_50 = arith.constant 0 : i32
    %ne3A_51 = arith.cmpi ne, %rem3A_49, %ne3A_50 : i32
    %lt3A_52 = arith.constant 0 : i32
    %lt3A_53 = arith.cmpi slt, %rem3A_49, %lt3A_52 : i32
    %lt3A_54 = arith.constant 0 : i32
    %lt3A_55 = arith.cmpi slt, %select_n3A_48, %lt3A_54 : i32
    %ne3A_56 = arith.xori %lt3A_53, %lt3A_55 : i1
    %and3A_57 = arith.andi %ne3A_56, %ne3A_51 : i1
    %add3A_58 = arith.addi %rem3A_49, %select_n3A_48 : i32
    %select_n3A_59 = arith.select %and3A_57, %add3A_58, %rem3A_49 : i32
    "tpu.region"() ({
      %run_scoped3A = tpu.sem_alloc : memref<!tpu.dma_semaphore, #tpu.memory_space<semaphore_mem>>
      %dma_start3A_186 = arith.constant 0 : i32
      %dma_start3A_187 = tpu.memref_slice %arg2[%select_n3A_59, %dma_start3A_186] : memref<4096x1024xf32, #tpu.memory_space<hbm>> -> memref<32x1024xf32, #tpu.memory_space<hbm>>
      %dma_start3A_188 = arith.constant 0 : i32
      %dma_start3A_189 = tpu.memref_slice %arg2[%select_n3A_59, %dma_start3A_188] : memref<4096x1024xf32, #tpu.memory_space<hbm>> -> memref<32x1024xf32, #tpu.memory_space<hbm>>
      tpu.enqueue_dma source(%dma_start3A_189 : memref<32x1024xf32, #tpu.memory_space<hbm>>) target(%arg6 : memref<32x1024xf32, #tpu.memory_space<vmem>>) target_semaphore(%run_scoped3A : memref<!tpu.dma_semaphore, #tpu.memory_space<semaphore_mem>>)
      %dma_wait3A_190 = arith.constant 0 : i32
      %dma_wait3A_191 = tpu.memref_slice %arg2[%select_n3A_59, %dma_wait3A_190] : memref<4096x1024xf32, #tpu.memory_space<hbm>> -> memref<32x1024xf32, #tpu.memory_space<hbm>>
      %dma_wait3A_192 = arith.constant 0 : i32
      %dma_wait3A_193 = tpu.memref_slice %arg2[%select_n3A_59, %dma_wait3A_192] : memref<4096x1024xf32, #tpu.memory_space<hbm>> -> memref<32x1024xf32, #tpu.memory_space<hbm>>
      tpu.wait_dma2 semaphore(%run_scoped3A : memref<!tpu.dma_semaphore, #tpu.memory_space<semaphore_mem>>) src(%dma_wait3A_193 : memref<32x1024xf32, #tpu.memory_space<hbm>>) dst(%arg6 : memref<32x1024xf32, #tpu.memory_space<vmem>>)
      tpu.yield
    }) : () -> ()
    %dma_start3A_60 = arith.constant 0 : i32
    %dma_start3A_61 = arith.constant 0 : i32
    %dma_start3A_62 = tpu.memref_slice %arg4[%dma_start3A_60, %dma_start3A_61] : memref<16384x1024xf32, #tpu.memory_space<hbm>> -> memref<16384x1024xf32, #tpu.memory_space<hbm>>
    tpu.enqueue_indirect_dma source(%arg6 : memref<32x1024xf32, #tpu.memory_space<vmem>>) target(%dma_start3A_62 : memref<16384x1024xf32, #tpu.memory_space<hbm>>) offsets(%arg5 : memref<32xi32, #tpu.memory_space<vmem>>) semaphore(%arg7 : memref<!tpu.dma_semaphore, #tpu.memory_space<semaphore_mem>>)
    %dma_wait3A_63 = arith.constant 0 : i32
    %dma_wait3A_64 = arith.constant 0 : i32
    %dma_wait3A_65 = tpu.memref_slice %arg4[%dma_wait3A_63, %dma_wait3A_64] : memref<16384x1024xf32, #tpu.memory_space<hbm>> -> memref<16384x1024xf32, #tpu.memory_space<hbm>>
    tpu.wait_indirect_dma semaphore(%arg7 : memref<!tpu.dma_semaphore, #tpu.memory_space<semaphore_mem>>) src(%arg6 : memref<32x1024xf32, #tpu.memory_space<vmem>>) dst(%dma_wait3A_65 : memref<16384x1024xf32, #tpu.memory_space<hbm>>)
    %add3A_66 = arith.constant 96 : i32
    %add3A_67 = arith.addi %mul3A_2, %add3A_66 : i32
    "tpu.region"() ({
      %run_scoped3A = tpu.sem_alloc : memref<!tpu.dma_semaphore, #tpu.memory_space<semaphore_mem>>
      %dma_start3A_186 = tpu.memref_slice %arg3[%add3A_67] : memref<8192xi32, #tpu.memory_space<hbm>> -> memref<32xi32, #tpu.memory_space<hbm>>
      %dma_start3A_187 = tpu.memref_slice %arg3[%add3A_67] : memref<8192xi32, #tpu.memory_space<hbm>> -> memref<32xi32, #tpu.memory_space<hbm>>
      tpu.enqueue_dma source(%dma_start3A_187 : memref<32xi32, #tpu.memory_space<hbm>>) target(%arg5 : memref<32xi32, #tpu.memory_space<vmem>>) target_semaphore(%run_scoped3A : memref<!tpu.dma_semaphore, #tpu.memory_space<semaphore_mem>>)
      %dma_wait3A_188 = tpu.memref_slice %arg3[%add3A_67] : memref<8192xi32, #tpu.memory_space<hbm>> -> memref<32xi32, #tpu.memory_space<hbm>>
      %dma_wait3A_189 = tpu.memref_slice %arg3[%add3A_67] : memref<8192xi32, #tpu.memory_space<hbm>> -> memref<32xi32, #tpu.memory_space<hbm>>
      tpu.wait_dma2 semaphore(%run_scoped3A : memref<!tpu.dma_semaphore, #tpu.memory_space<semaphore_mem>>) src(%dma_wait3A_189 : memref<32xi32, #tpu.memory_space<hbm>>) dst(%arg5 : memref<32xi32, #tpu.memory_space<vmem>>)
      tpu.yield
    }) : () -> ()
    %jit3A_68 = arith.constant 4096 : i32
    %eq3A_69 = arith.constant 0 : i32
    %eq3A_70 = arith.cmpi eq, %jit3A_68, %eq3A_69 : i32
    %jit3A_71 = arith.constant 1 : i32
    %select_n3A_72 = arith.select %eq3A_70, %jit3A_71, %jit3A_68 : i32
    %rem3A_73 = arith.remsi %add3A_67, %select_n3A_72 : i32
    %ne3A_74 = arith.constant 0 : i32
    %ne3A_75 = arith.cmpi ne, %rem3A_73, %ne3A_74 : i32
    %lt3A_76 = arith.constant 0 : i32
    %lt3A_77 = arith.cmpi slt, %rem3A_73, %lt3A_76 : i32
    %lt3A_78 = arith.constant 0 : i32
    %lt3A_79 = arith.cmpi slt, %select_n3A_72, %lt3A_78 : i32
    %ne3A_80 = arith.xori %lt3A_77, %lt3A_79 : i1
    %and3A_81 = arith.andi %ne3A_80, %ne3A_75 : i1
    %add3A_82 = arith.addi %rem3A_73, %select_n3A_72 : i32
    %select_n3A_83 = arith.select %and3A_81, %add3A_82, %rem3A_73 : i32
    "tpu.region"() ({
      %run_scoped3A = tpu.sem_alloc : memref<!tpu.dma_semaphore, #tpu.memory_space<semaphore_mem>>
      %dma_start3A_186 = arith.constant 0 : i32
      %dma_start3A_187 = tpu.memref_slice %arg2[%select_n3A_83, %dma_start3A_186] : memref<4096x1024xf32, #tpu.memory_space<hbm>> -> memref<32x1024xf32, #tpu.memory_space<hbm>>
      %dma_start3A_188 = arith.constant 0 : i32
      %dma_start3A_189 = tpu.memref_slice %arg2[%select_n3A_83, %dma_start3A_188] : memref<4096x1024xf32, #tpu.memory_space<hbm>> -> memref<32x1024xf32, #tpu.memory_space<hbm>>
      tpu.enqueue_dma source(%dma_start3A_189 : memref<32x1024xf32, #tpu.memory_space<hbm>>) target(%arg6 : memref<32x1024xf32, #tpu.memory_space<vmem>>) target_semaphore(%run_scoped3A : memref<!tpu.dma_semaphore, #tpu.memory_space<semaphore_mem>>)
      %dma_wait3A_190 = arith.constant 0 : i32
      %dma_wait3A_191 = tpu.memref_slice %arg2[%select_n3A_83, %dma_wait3A_190] : memref<4096x1024xf32, #tpu.memory_space<hbm>> -> memref<32x1024xf32, #tpu.memory_space<hbm>>
      %dma_wait3A_192 = arith.constant 0 : i32
      %dma_wait3A_193 = tpu.memref_slice %arg2[%select_n3A_83, %dma_wait3A_192] : memref<4096x1024xf32, #tpu.memory_space<hbm>> -> memref<32x1024xf32, #tpu.memory_space<hbm>>
      tpu.wait_dma2 semaphore(%run_scoped3A : memref<!tpu.dma_semaphore, #tpu.memory_space<semaphore_mem>>) src(%dma_wait3A_193 : memref<32x1024xf32, #tpu.memory_space<hbm>>) dst(%arg6 : memref<32x1024xf32, #tpu.memory_space<vmem>>)
      tpu.yield
    }) : () -> ()
    %dma_start3A_84 = arith.constant 0 : i32
    %dma_start3A_85 = arith.constant 0 : i32
    %dma_start3A_86 = tpu.memref_slice %arg4[%dma_start3A_84, %dma_start3A_85] : memref<16384x1024xf32, #tpu.memory_space<hbm>> -> memref<16384x1024xf32, #tpu.memory_space<hbm>>
    tpu.enqueue_indirect_dma source(%arg6 : memref<32x1024xf32, #tpu.memory_space<vmem>>) target(%dma_start3A_86 : memref<16384x1024xf32, #tpu.memory_space<hbm>>) offsets(%arg5 : memref<32xi32, #tpu.memory_space<vmem>>) semaphore(%arg7 : memref<!tpu.dma_semaphore, #tpu.memory_space<semaphore_mem>>)
    %dma_wait3A_87 = arith.constant 0 : i32
    %dma_wait3A_88 = arith.constant 0 : i32
    %dma_wait3A_89 = tpu.memref_slice %arg4[%dma_wait3A_87, %dma_wait3A_88] : memref<16384x1024xf32, #tpu.memory_space<hbm>> -> memref<16384x1024xf32, #tpu.memory_space<hbm>>
    tpu.wait_indirect_dma semaphore(%arg7 : memref<!tpu.dma_semaphore, #tpu.memory_space<semaphore_mem>>) src(%arg6 : memref<32x1024xf32, #tpu.memory_space<vmem>>) dst(%dma_wait3A_89 : memref<16384x1024xf32, #tpu.memory_space<hbm>>)
    %add3A_90 = arith.constant 128 : i32
    %add3A_91 = arith.addi %mul3A_2, %add3A_90 : i32
    "tpu.region"() ({
      %run_scoped3A = tpu.sem_alloc : memref<!tpu.dma_semaphore, #tpu.memory_space<semaphore_mem>>
      %dma_start3A_186 = tpu.memref_slice %arg3[%add3A_91] : memref<8192xi32, #tpu.memory_space<hbm>> -> memref<32xi32, #tpu.memory_space<hbm>>
      %dma_start3A_187 = tpu.memref_slice %arg3[%add3A_91] : memref<8192xi32, #tpu.memory_space<hbm>> -> memref<32xi32, #tpu.memory_space<hbm>>
      tpu.enqueue_dma source(%dma_start3A_187 : memref<32xi32, #tpu.memory_space<hbm>>) target(%arg5 : memref<32xi32, #tpu.memory_space<vmem>>) target_semaphore(%run_scoped3A : memref<!tpu.dma_semaphore, #tpu.memory_space<semaphore_mem>>)
      %dma_wait3A_188 = tpu.memref_slice %arg3[%add3A_91] : memref<8192xi32, #tpu.memory_space<hbm>> -> memref<32xi32, #tpu.memory_space<hbm>>
      %dma_wait3A_189 = tpu.memref_slice %arg3[%add3A_91] : memref<8192xi32, #tpu.memory_space<hbm>> -> memref<32xi32, #tpu.memory_space<hbm>>
      tpu.wait_dma2 semaphore(%run_scoped3A : memref<!tpu.dma_semaphore, #tpu.memory_space<semaphore_mem>>) src(%dma_wait3A_189 : memref<32xi32, #tpu.memory_space<hbm>>) dst(%arg5 : memref<32xi32, #tpu.memory_space<vmem>>)
      tpu.yield
    }) : () -> ()
    %jit3A_92 = arith.constant 4096 : i32
    %eq3A_93 = arith.constant 0 : i32
    %eq3A_94 = arith.cmpi eq, %jit3A_92, %eq3A_93 : i32
    %jit3A_95 = arith.constant 1 : i32
    %select_n3A_96 = arith.select %eq3A_94, %jit3A_95, %jit3A_92 : i32
    %rem3A_97 = arith.remsi %add3A_91, %select_n3A_96 : i32
    %ne3A_98 = arith.constant 0 : i32
    %ne3A_99 = arith.cmpi ne, %rem3A_97, %ne3A_98 : i32
    %lt3A_100 = arith.constant 0 : i32
    %lt3A_101 = arith.cmpi slt, %rem3A_97, %lt3A_100 : i32
    %lt3A_102 = arith.constant 0 : i32
    %lt3A_103 = arith.cmpi slt, %select_n3A_96, %lt3A_102 : i32
    %ne3A_104 = arith.xori %lt3A_101, %lt3A_103 : i1
    %and3A_105 = arith.andi %ne3A_104, %ne3A_99 : i1
    %add3A_106 = arith.addi %rem3A_97, %select_n3A_96 : i32
    %select_n3A_107 = arith.select %and3A_105, %add3A_106, %rem3A_97 : i32
    "tpu.region"() ({
      %run_scoped3A = tpu.sem_alloc : memref<!tpu.dma_semaphore, #tpu.memory_space<semaphore_mem>>
      %dma_start3A_186 = arith.constant 0 : i32
      %dma_start3A_187 = tpu.memref_slice %arg2[%select_n3A_107, %dma_start3A_186] : memref<4096x1024xf32, #tpu.memory_space<hbm>> -> memref<32x1024xf32, #tpu.memory_space<hbm>>
      %dma_start3A_188 = arith.constant 0 : i32
      %dma_start3A_189 = tpu.memref_slice %arg2[%select_n3A_107, %dma_start3A_188] : memref<4096x1024xf32, #tpu.memory_space<hbm>> -> memref<32x1024xf32, #tpu.memory_space<hbm>>
      tpu.enqueue_dma source(%dma_start3A_189 : memref<32x1024xf32, #tpu.memory_space<hbm>>) target(%arg6 : memref<32x1024xf32, #tpu.memory_space<vmem>>) target_semaphore(%run_scoped3A : memref<!tpu.dma_semaphore, #tpu.memory_space<semaphore_mem>>)
      %dma_wait3A_190 = arith.constant 0 : i32
      %dma_wait3A_191 = tpu.memref_slice %arg2[%select_n3A_107, %dma_wait3A_190] : memref<4096x1024xf32, #tpu.memory_space<hbm>> -> memref<32x1024xf32, #tpu.memory_space<hbm>>
      %dma_wait3A_192 = arith.constant 0 : i32
      %dma_wait3A_193 = tpu.memref_slice %arg2[%select_n3A_107, %dma_wait3A_192] : memref<4096x1024xf32, #tpu.memory_space<hbm>> -> memref<32x1024xf32, #tpu.memory_space<hbm>>
      tpu.wait_dma2 semaphore(%run_scoped3A : memref<!tpu.dma_semaphore, #tpu.memory_space<semaphore_mem>>) src(%dma_wait3A_193 : memref<32x1024xf32, #tpu.memory_space<hbm>>) dst(%arg6 : memref<32x1024xf32, #tpu.memory_space<vmem>>)
      tpu.yield
    }) : () -> ()
    %dma_start3A_108 = arith.constant 0 : i32
    %dma_start3A_109 = arith.constant 0 : i32
    %dma_start3A_110 = tpu.memref_slice %arg4[%dma_start3A_108, %dma_start3A_109] : memref<16384x1024xf32, #tpu.memory_space<hbm>> -> memref<16384x1024xf32, #tpu.memory_space<hbm>>
    tpu.enqueue_indirect_dma source(%arg6 : memref<32x1024xf32, #tpu.memory_space<vmem>>) target(%dma_start3A_110 : memref<16384x1024xf32, #tpu.memory_space<hbm>>) offsets(%arg5 : memref<32xi32, #tpu.memory_space<vmem>>) semaphore(%arg7 : memref<!tpu.dma_semaphore, #tpu.memory_space<semaphore_mem>>)
    %dma_wait3A_111 = arith.constant 0 : i32
    %dma_wait3A_112 = arith.constant 0 : i32
    %dma_wait3A_113 = tpu.memref_slice %arg4[%dma_wait3A_111, %dma_wait3A_112] : memref<16384x1024xf32, #tpu.memory_space<hbm>> -> memref<16384x1024xf32, #tpu.memory_space<hbm>>
    tpu.wait_indirect_dma semaphore(%arg7 : memref<!tpu.dma_semaphore, #tpu.memory_space<semaphore_mem>>) src(%arg6 : memref<32x1024xf32, #tpu.memory_space<vmem>>) dst(%dma_wait3A_113 : memref<16384x1024xf32, #tpu.memory_space<hbm>>)
    %add3A_114 = arith.constant 160 : i32
    %add3A_115 = arith.addi %mul3A_2, %add3A_114 : i32
    "tpu.region"() ({
      %run_scoped3A = tpu.sem_alloc : memref<!tpu.dma_semaphore, #tpu.memory_space<semaphore_mem>>
      %dma_start3A_186 = tpu.memref_slice %arg3[%add3A_115] : memref<8192xi32, #tpu.memory_space<hbm>> -> memref<32xi32, #tpu.memory_space<hbm>>
      %dma_start3A_187 = tpu.memref_slice %arg3[%add3A_115] : memref<8192xi32, #tpu.memory_space<hbm>> -> memref<32xi32, #tpu.memory_space<hbm>>
      tpu.enqueue_dma source(%dma_start3A_187 : memref<32xi32, #tpu.memory_space<hbm>>) target(%arg5 : memref<32xi32, #tpu.memory_space<vmem>>) target_semaphore(%run_scoped3A : memref<!tpu.dma_semaphore, #tpu.memory_space<semaphore_mem>>)
      %dma_wait3A_188 = tpu.memref_slice %arg3[%add3A_115] : memref<8192xi32, #tpu.memory_space<hbm>> -> memref<32xi32, #tpu.memory_space<hbm>>
      %dma_wait3A_189 = tpu.memref_slice %arg3[%add3A_115] : memref<8192xi32, #tpu.memory_space<hbm>> -> memref<32xi32, #tpu.memory_space<hbm>>
      tpu.wait_dma2 semaphore(%run_scoped3A : memref<!tpu.dma_semaphore, #tpu.memory_space<semaphore_mem>>) src(%dma_wait3A_189 : memref<32xi32, #tpu.memory_space<hbm>>) dst(%arg5 : memref<32xi32, #tpu.memory_space<vmem>>)
      tpu.yield
    }) : () -> ()
    %jit3A_116 = arith.constant 4096 : i32
    %eq3A_117 = arith.constant 0 : i32
    %eq3A_118 = arith.cmpi eq, %jit3A_116, %eq3A_117 : i32
    %jit3A_119 = arith.constant 1 : i32
    %select_n3A_120 = arith.select %eq3A_118, %jit3A_119, %jit3A_116 : i32
    %rem3A_121 = arith.remsi %add3A_115, %select_n3A_120 : i32
    %ne3A_122 = arith.constant 0 : i32
    %ne3A_123 = arith.cmpi ne, %rem3A_121, %ne3A_122 : i32
    %lt3A_124 = arith.constant 0 : i32
    %lt3A_125 = arith.cmpi slt, %rem3A_121, %lt3A_124 : i32
    %lt3A_126 = arith.constant 0 : i32
    %lt3A_127 = arith.cmpi slt, %select_n3A_120, %lt3A_126 : i32
    %ne3A_128 = arith.xori %lt3A_125, %lt3A_127 : i1
    %and3A_129 = arith.andi %ne3A_128, %ne3A_123 : i1
    %add3A_130 = arith.addi %rem3A_121, %select_n3A_120 : i32
    %select_n3A_131 = arith.select %and3A_129, %add3A_130, %rem3A_121 : i32
    "tpu.region"() ({
      %run_scoped3A = tpu.sem_alloc : memref<!tpu.dma_semaphore, #tpu.memory_space<semaphore_mem>>
      %dma_start3A_186 = arith.constant 0 : i32
      %dma_start3A_187 = tpu.memref_slice %arg2[%select_n3A_131, %dma_start3A_186] : memref<4096x1024xf32, #tpu.memory_space<hbm>> -> memref<32x1024xf32, #tpu.memory_space<hbm>>
      %dma_start3A_188 = arith.constant 0 : i32
      %dma_start3A_189 = tpu.memref_slice %arg2[%select_n3A_131, %dma_start3A_188] : memref<4096x1024xf32, #tpu.memory_space<hbm>> -> memref<32x1024xf32, #tpu.memory_space<hbm>>
      tpu.enqueue_dma source(%dma_start3A_189 : memref<32x1024xf32, #tpu.memory_space<hbm>>) target(%arg6 : memref<32x1024xf32, #tpu.memory_space<vmem>>) target_semaphore(%run_scoped3A : memref<!tpu.dma_semaphore, #tpu.memory_space<semaphore_mem>>)
      %dma_wait3A_190 = arith.constant 0 : i32
      %dma_wait3A_191 = tpu.memref_slice %arg2[%select_n3A_131, %dma_wait3A_190] : memref<4096x1024xf32, #tpu.memory_space<hbm>> -> memref<32x1024xf32, #tpu.memory_space<hbm>>
      %dma_wait3A_192 = arith.constant 0 : i32
      %dma_wait3A_193 = tpu.memref_slice %arg2[%select_n3A_131, %dma_wait3A_192] : memref<4096x1024xf32, #tpu.memory_space<hbm>> -> memref<32x1024xf32, #tpu.memory_space<hbm>>
      tpu.wait_dma2 semaphore(%run_scoped3A : memref<!tpu.dma_semaphore, #tpu.memory_space<semaphore_mem>>) src(%dma_wait3A_193 : memref<32x1024xf32, #tpu.memory_space<hbm>>) dst(%arg6 : memref<32x1024xf32, #tpu.memory_space<vmem>>)
      tpu.yield
    }) : () -> ()
    %dma_start3A_132 = arith.constant 0 : i32
    %dma_start3A_133 = arith.constant 0 : i32
    %dma_start3A_134 = tpu.memref_slice %arg4[%dma_start3A_132, %dma_start3A_133] : memref<16384x1024xf32, #tpu.memory_space<hbm>> -> memref<16384x1024xf32, #tpu.memory_space<hbm>>
    tpu.enqueue_indirect_dma source(%arg6 : memref<32x1024xf32, #tpu.memory_space<vmem>>) target(%dma_start3A_134 : memref<16384x1024xf32, #tpu.memory_space<hbm>>) offsets(%arg5 : memref<32xi32, #tpu.memory_space<vmem>>) semaphore(%arg7 : memref<!tpu.dma_semaphore, #tpu.memory_space<semaphore_mem>>)
    %dma_wait3A_135 = arith.constant 0 : i32
    %dma_wait3A_136 = arith.constant 0 : i32
    %dma_wait3A_137 = tpu.memref_slice %arg4[%dma_wait3A_135, %dma_wait3A_136] : memref<16384x1024xf32, #tpu.memory_space<hbm>> -> memref<16384x1024xf32, #tpu.memory_space<hbm>>
    tpu.wait_indirect_dma semaphore(%arg7 : memref<!tpu.dma_semaphore, #tpu.memory_space<semaphore_mem>>) src(%arg6 : memref<32x1024xf32, #tpu.memory_space<vmem>>) dst(%dma_wait3A_137 : memref<16384x1024xf32, #tpu.memory_space<hbm>>)
    %add3A_138 = arith.constant 192 : i32
    %add3A_139 = arith.addi %mul3A_2, %add3A_138 : i32
    "tpu.region"() ({
      %run_scoped3A = tpu.sem_alloc : memref<!tpu.dma_semaphore, #tpu.memory_space<semaphore_mem>>
      %dma_start3A_186 = tpu.memref_slice %arg3[%add3A_139] : memref<8192xi32, #tpu.memory_space<hbm>> -> memref<32xi32, #tpu.memory_space<hbm>>
      %dma_start3A_187 = tpu.memref_slice %arg3[%add3A_139] : memref<8192xi32, #tpu.memory_space<hbm>> -> memref<32xi32, #tpu.memory_space<hbm>>
      tpu.enqueue_dma source(%dma_start3A_187 : memref<32xi32, #tpu.memory_space<hbm>>) target(%arg5 : memref<32xi32, #tpu.memory_space<vmem>>) target_semaphore(%run_scoped3A : memref<!tpu.dma_semaphore, #tpu.memory_space<semaphore_mem>>)
      %dma_wait3A_188 = tpu.memref_slice %arg3[%add3A_139] : memref<8192xi32, #tpu.memory_space<hbm>> -> memref<32xi32, #tpu.memory_space<hbm>>
      %dma_wait3A_189 = tpu.memref_slice %arg3[%add3A_139] : memref<8192xi32, #tpu.memory_space<hbm>> -> memref<32xi32, #tpu.memory_space<hbm>>
      tpu.wait_dma2 semaphore(%run_scoped3A : memref<!tpu.dma_semaphore, #tpu.memory_space<semaphore_mem>>) src(%dma_wait3A_189 : memref<32xi32, #tpu.memory_space<hbm>>) dst(%arg5 : memref<32xi32, #tpu.memory_space<vmem>>)
      tpu.yield
    }) : () -> ()
    %jit3A_140 = arith.constant 4096 : i32
    %eq3A_141 = arith.constant 0 : i32
    %eq3A_142 = arith.cmpi eq, %jit3A_140, %eq3A_141 : i32
    %jit3A_143 = arith.constant 1 : i32
    %select_n3A_144 = arith.select %eq3A_142, %jit3A_143, %jit3A_140 : i32
    %rem3A_145 = arith.remsi %add3A_139, %select_n3A_144 : i32
    %ne3A_146 = arith.constant 0 : i32
    %ne3A_147 = arith.cmpi ne, %rem3A_145, %ne3A_146 : i32
    %lt3A_148 = arith.constant 0 : i32
    %lt3A_149 = arith.cmpi slt, %rem3A_145, %lt3A_148 : i32
    %lt3A_150 = arith.constant 0 : i32
    %lt3A_151 = arith.cmpi slt, %select_n3A_144, %lt3A_150 : i32
    %ne3A_152 = arith.xori %lt3A_149, %lt3A_151 : i1
    %and3A_153 = arith.andi %ne3A_152, %ne3A_147 : i1
    %add3A_154 = arith.addi %rem3A_145, %select_n3A_144 : i32
    %select_n3A_155 = arith.select %and3A_153, %add3A_154, %rem3A_145 : i32
    "tpu.region"() ({
      %run_scoped3A = tpu.sem_alloc : memref<!tpu.dma_semaphore, #tpu.memory_space<semaphore_mem>>
      %dma_start3A_186 = arith.constant 0 : i32
      %dma_start3A_187 = tpu.memref_slice %arg2[%select_n3A_155, %dma_start3A_186] : memref<4096x1024xf32, #tpu.memory_space<hbm>> -> memref<32x1024xf32, #tpu.memory_space<hbm>>
      %dma_start3A_188 = arith.constant 0 : i32
      %dma_start3A_189 = tpu.memref_slice %arg2[%select_n3A_155, %dma_start3A_188] : memref<4096x1024xf32, #tpu.memory_space<hbm>> -> memref<32x1024xf32, #tpu.memory_space<hbm>>
      tpu.enqueue_dma source(%dma_start3A_189 : memref<32x1024xf32, #tpu.memory_space<hbm>>) target(%arg6 : memref<32x1024xf32, #tpu.memory_space<vmem>>) target_semaphore(%run_scoped3A : memref<!tpu.dma_semaphore, #tpu.memory_space<semaphore_mem>>)
      %dma_wait3A_190 = arith.constant 0 : i32
      %dma_wait3A_191 = tpu.memref_slice %arg2[%select_n3A_155, %dma_wait3A_190] : memref<4096x1024xf32, #tpu.memory_space<hbm>> -> memref<32x1024xf32, #tpu.memory_space<hbm>>
      %dma_wait3A_192 = arith.constant 0 : i32
      %dma_wait3A_193 = tpu.memref_slice %arg2[%select_n3A_155, %dma_wait3A_192] : memref<4096x1024xf32, #tpu.memory_space<hbm>> -> memref<32x1024xf32, #tpu.memory_space<hbm>>
      tpu.wait_dma2 semaphore(%run_scoped3A : memref<!tpu.dma_semaphore, #tpu.memory_space<semaphore_mem>>) src(%dma_wait3A_193 : memref<32x1024xf32, #tpu.memory_space<hbm>>) dst(%arg6 : memref<32x1024xf32, #tpu.memory_space<vmem>>)
      tpu.yield
    }) : () -> ()
    %dma_start3A_156 = arith.constant 0 : i32
    %dma_start3A_157 = arith.constant 0 : i32
    %dma_start3A_158 = tpu.memref_slice %arg4[%dma_start3A_156, %dma_start3A_157] : memref<16384x1024xf32, #tpu.memory_space<hbm>> -> memref<16384x1024xf32, #tpu.memory_space<hbm>>
    tpu.enqueue_indirect_dma source(%arg6 : memref<32x1024xf32, #tpu.memory_space<vmem>>) target(%dma_start3A_158 : memref<16384x1024xf32, #tpu.memory_space<hbm>>) offsets(%arg5 : memref<32xi32, #tpu.memory_space<vmem>>) semaphore(%arg7 : memref<!tpu.dma_semaphore, #tpu.memory_space<semaphore_mem>>)
    %dma_wait3A_159 = arith.constant 0 : i32
    %dma_wait3A_160 = arith.constant 0 : i32
    %dma_wait3A_161 = tpu.memref_slice %arg4[%dma_wait3A_159, %dma_wait3A_160] : memref<16384x1024xf32, #tpu.memory_space<hbm>> -> memref<16384x1024xf32, #tpu.memory_space<hbm>>
    tpu.wait_indirect_dma semaphore(%arg7 : memref<!tpu.dma_semaphore, #tpu.memory_space<semaphore_mem>>) src(%arg6 : memref<32x1024xf32, #tpu.memory_space<vmem>>) dst(%dma_wait3A_161 : memref<16384x1024xf32, #tpu.memory_space<hbm>>)
    %add3A_162 = arith.constant 224 : i32
    %add3A_163 = arith.addi %mul3A_2, %add3A_162 : i32
    "tpu.region"() ({
      %run_scoped3A = tpu.sem_alloc : memref<!tpu.dma_semaphore, #tpu.memory_space<semaphore_mem>>
      %dma_start3A_186 = tpu.memref_slice %arg3[%add3A_163] : memref<8192xi32, #tpu.memory_space<hbm>> -> memref<32xi32, #tpu.memory_space<hbm>>
      %dma_start3A_187 = tpu.memref_slice %arg3[%add3A_163] : memref<8192xi32, #tpu.memory_space<hbm>> -> memref<32xi32, #tpu.memory_space<hbm>>
      tpu.enqueue_dma source(%dma_start3A_187 : memref<32xi32, #tpu.memory_space<hbm>>) target(%arg5 : memref<32xi32, #tpu.memory_space<vmem>>) target_semaphore(%run_scoped3A : memref<!tpu.dma_semaphore, #tpu.memory_space<semaphore_mem>>)
      %dma_wait3A_188 = tpu.memref_slice %arg3[%add3A_163] : memref<8192xi32, #tpu.memory_space<hbm>> -> memref<32xi32, #tpu.memory_space<hbm>>
      %dma_wait3A_189 = tpu.memref_slice %arg3[%add3A_163] : memref<8192xi32, #tpu.memory_space<hbm>> -> memref<32xi32, #tpu.memory_space<hbm>>
      tpu.wait_dma2 semaphore(%run_scoped3A : memref<!tpu.dma_semaphore, #tpu.memory_space<semaphore_mem>>) src(%dma_wait3A_189 : memref<32xi32, #tpu.memory_space<hbm>>) dst(%arg5 : memref<32xi32, #tpu.memory_space<vmem>>)
      tpu.yield
    }) : () -> ()
    %jit3A_164 = arith.constant 4096 : i32
    %eq3A_165 = arith.constant 0 : i32
    %eq3A_166 = arith.cmpi eq, %jit3A_164, %eq3A_165 : i32
    %jit3A_167 = arith.constant 1 : i32
    %select_n3A_168 = arith.select %eq3A_166, %jit3A_167, %jit3A_164 : i32
    %rem3A_169 = arith.remsi %add3A_163, %select_n3A_168 : i32
    %ne3A_170 = arith.constant 0 : i32
    %ne3A_171 = arith.cmpi ne, %rem3A_169, %ne3A_170 : i32
    %lt3A_172 = arith.constant 0 : i32
    %lt3A_173 = arith.cmpi slt, %rem3A_169, %lt3A_172 : i32
    %lt3A_174 = arith.constant 0 : i32
    %lt3A_175 = arith.cmpi slt, %select_n3A_168, %lt3A_174 : i32
    %ne3A_176 = arith.xori %lt3A_173, %lt3A_175 : i1
    %and3A_177 = arith.andi %ne3A_176, %ne3A_171 : i1
    %add3A_178 = arith.addi %rem3A_169, %select_n3A_168 : i32
    %select_n3A_179 = arith.select %and3A_177, %add3A_178, %rem3A_169 : i32
    "tpu.region"() ({
      %run_scoped3A = tpu.sem_alloc : memref<!tpu.dma_semaphore, #tpu.memory_space<semaphore_mem>>
      %dma_start3A_186 = arith.constant 0 : i32
      %dma_start3A_187 = tpu.memref_slice %arg2[%select_n3A_179, %dma_start3A_186] : memref<4096x1024xf32, #tpu.memory_space<hbm>> -> memref<32x1024xf32, #tpu.memory_space<hbm>>
      %dma_start3A_188 = arith.constant 0 : i32
      %dma_start3A_189 = tpu.memref_slice %arg2[%select_n3A_179, %dma_start3A_188] : memref<4096x1024xf32, #tpu.memory_space<hbm>> -> memref<32x1024xf32, #tpu.memory_space<hbm>>
      tpu.enqueue_dma source(%dma_start3A_189 : memref<32x1024xf32, #tpu.memory_space<hbm>>) target(%arg6 : memref<32x1024xf32, #tpu.memory_space<vmem>>) target_semaphore(%run_scoped3A : memref<!tpu.dma_semaphore, #tpu.memory_space<semaphore_mem>>)
      %dma_wait3A_190 = arith.constant 0 : i32
      %dma_wait3A_191 = tpu.memref_slice %arg2[%select_n3A_179, %dma_wait3A_190] : memref<4096x1024xf32, #tpu.memory_space<hbm>> -> memref<32x1024xf32, #tpu.memory_space<hbm>>
      %dma_wait3A_192 = arith.constant 0 : i32
      %dma_wait3A_193 = tpu.memref_slice %arg2[%select_n3A_179, %dma_wait3A_192] : memref<4096x1024xf32, #tpu.memory_space<hbm>> -> memref<32x1024xf32, #tpu.memory_space<hbm>>
      tpu.wait_dma2 semaphore(%run_scoped3A : memref<!tpu.dma_semaphore, #tpu.memory_space<semaphore_mem>>) src(%dma_wait3A_193 : memref<32x1024xf32, #tpu.memory_space<hbm>>) dst(%arg6 : memref<32x1024xf32, #tpu.memory_space<vmem>>)
      tpu.yield
    }) : () -> ()
    %dma_start3A_180 = arith.constant 0 : i32
    %dma_start3A_181 = arith.constant 0 : i32
    %dma_start3A_182 = tpu.memref_slice %arg4[%dma_start3A_180, %dma_start3A_181] : memref<16384x1024xf32, #tpu.memory_space<hbm>> -> memref<16384x1024xf32, #tpu.memory_space<hbm>>
    tpu.enqueue_indirect_dma source(%arg6 : memref<32x1024xf32, #tpu.memory_space<vmem>>) target(%dma_start3A_182 : memref<16384x1024xf32, #tpu.memory_space<hbm>>) offsets(%arg5 : memref<32xi32, #tpu.memory_space<vmem>>) semaphore(%arg7 : memref<!tpu.dma_semaphore, #tpu.memory_space<semaphore_mem>>)
    %dma_wait3A_183 = arith.constant 0 : i32
    %dma_wait3A_184 = arith.constant 0 : i32
    %dma_wait3A_185 = tpu.memref_slice %arg4[%dma_wait3A_183, %dma_wait3A_184] : memref<16384x1024xf32, #tpu.memory_space<hbm>> -> memref<16384x1024xf32, #tpu.memory_space<hbm>>
    tpu.wait_indirect_dma semaphore(%arg7 : memref<!tpu.dma_semaphore, #tpu.memory_space<semaphore_mem>>) src(%arg6 : memref<32x1024xf32, #tpu.memory_space<vmem>>) dst(%dma_wait3A_185 : memref<16384x1024xf32, #tpu.memory_space<hbm>>)
    return
  }
}

#map = affine_map<(d0, d1) -> (0, 0)>
#map1 = affine_map<(d0, d1) -> (0)>
module attributes {stable_mosaic.version = 14 : i64} {
  func.func @_sc_gather_body(%arg0: i32, %arg1: i32, %arg2: memref<16384x1024xf32, #tpu.memory_space<hbm>>, %arg3: memref<4096xi32, #tpu.memory_space<hbm>>, %arg4: memref<4096xi32, #tpu.memory_space<hbm>>, %arg5: memref<4096x1024xf32, #tpu.memory_space<hbm>>, %arg6: memref<4096x1024xf32, #tpu.memory_space<hbm>>, %arg7: memref<32xi32, #tpu.memory_space<vmem>>, %arg8: memref<32xi32, #tpu.memory_space<vmem>>, %arg9: memref<32x1024xf32, #tpu.memory_space<vmem>>, %arg10: memref<32x1024xf32, #tpu.memory_space<vmem>>, %arg11: memref<!tpu.dma_semaphore, #tpu.memory_space<semaphore_mem>>, %arg12: memref<!tpu.dma_semaphore, #tpu.memory_space<semaphore_mem>>) attributes {dimension_semantics = [#tpu.dimension_semantics<core_parallel>, #tpu.dimension_semantics<subcore_parallel>], iteration_bounds = array<i64: 2, 16>, scalar_prefetch = 0 : i64, scratch_operands = 6 : i64, tpu.core_type = #tpu.core_type<sc_vector_subcore>, window_params = [{transform_indices = #map}, {transform_indices = #map1}, {transform_indices = #map1}, {transform_indices = #map}, {transform_indices = #map}]} {
    %mul3A = arith.constant 2 : i32
    %mul3A_0 = arith.muli %arg1, %mul3A : i32
    %add3A = arith.addi %mul3A_0, %arg0 : i32
    %mul3A_1 = arith.constant 128 : i32
    %mul3A_2 = arith.muli %add3A, %mul3A_1 : i32
    %add3A_3 = arith.constant 0 : i32
    %add3A_4 = arith.addi %mul3A_2, %add3A_3 : i32
    "tpu.region"() ({
      %run_scoped3A = tpu.sem_alloc : memref<!tpu.dma_semaphore, #tpu.memory_space<semaphore_mem>>
      %dma_start3A_57 = tpu.memref_slice %arg3[%add3A_4] : memref<4096xi32, #tpu.memory_space<hbm>> -> memref<32xi32, #tpu.memory_space<hbm>>
      %dma_start3A_58 = tpu.memref_slice %arg3[%add3A_4] : memref<4096xi32, #tpu.memory_space<hbm>> -> memref<32xi32, #tpu.memory_space<hbm>>
      tpu.enqueue_dma source(%dma_start3A_58 : memref<32xi32, #tpu.memory_space<hbm>>) target(%arg7 : memref<32xi32, #tpu.memory_space<vmem>>) target_semaphore(%run_scoped3A : memref<!tpu.dma_semaphore, #tpu.memory_space<semaphore_mem>>)
      %dma_wait3A_59 = tpu.memref_slice %arg3[%add3A_4] : memref<4096xi32, #tpu.memory_space<hbm>> -> memref<32xi32, #tpu.memory_space<hbm>>
      %dma_wait3A_60 = tpu.memref_slice %arg3[%add3A_4] : memref<4096xi32, #tpu.memory_space<hbm>> -> memref<32xi32, #tpu.memory_space<hbm>>
      tpu.wait_dma2 semaphore(%run_scoped3A : memref<!tpu.dma_semaphore, #tpu.memory_space<semaphore_mem>>) src(%dma_wait3A_60 : memref<32xi32, #tpu.memory_space<hbm>>) dst(%arg7 : memref<32xi32, #tpu.memory_space<vmem>>)
      tpu.yield
    }) : () -> ()
    "tpu.region"() ({
      %run_scoped3A = tpu.sem_alloc : memref<!tpu.dma_semaphore, #tpu.memory_space<semaphore_mem>>
      %dma_start3A_57 = tpu.memref_slice %arg4[%add3A_4] : memref<4096xi32, #tpu.memory_space<hbm>> -> memref<32xi32, #tpu.memory_space<hbm>>
      %dma_start3A_58 = tpu.memref_slice %arg4[%add3A_4] : memref<4096xi32, #tpu.memory_space<hbm>> -> memref<32xi32, #tpu.memory_space<hbm>>
      tpu.enqueue_dma source(%dma_start3A_58 : memref<32xi32, #tpu.memory_space<hbm>>) target(%arg8 : memref<32xi32, #tpu.memory_space<vmem>>) target_semaphore(%run_scoped3A : memref<!tpu.dma_semaphore, #tpu.memory_space<semaphore_mem>>)
      %dma_wait3A_59 = tpu.memref_slice %arg4[%add3A_4] : memref<4096xi32, #tpu.memory_space<hbm>> -> memref<32xi32, #tpu.memory_space<hbm>>
      %dma_wait3A_60 = tpu.memref_slice %arg4[%add3A_4] : memref<4096xi32, #tpu.memory_space<hbm>> -> memref<32xi32, #tpu.memory_space<hbm>>
      tpu.wait_dma2 semaphore(%run_scoped3A : memref<!tpu.dma_semaphore, #tpu.memory_space<semaphore_mem>>) src(%dma_wait3A_60 : memref<32xi32, #tpu.memory_space<hbm>>) dst(%arg8 : memref<32xi32, #tpu.memory_space<vmem>>)
      tpu.yield
    }) : () -> ()
    %dma_start3A = arith.constant 0 : i32
    %dma_start3A_5 = arith.constant 0 : i32
    %dma_start3A_6 = tpu.memref_slice %arg2[%dma_start3A, %dma_start3A_5] : memref<16384x1024xf32, #tpu.memory_space<hbm>> -> memref<16384x1024xf32, #tpu.memory_space<hbm>>
    tpu.enqueue_indirect_dma source(%dma_start3A_6 : memref<16384x1024xf32, #tpu.memory_space<hbm>>) target(%arg9 : memref<32x1024xf32, #tpu.memory_space<vmem>>) offsets(%arg7 : memref<32xi32, #tpu.memory_space<vmem>>) semaphore(%arg11 : memref<!tpu.dma_semaphore, #tpu.memory_space<semaphore_mem>>)
    %dma_start3A_7 = arith.constant 0 : i32
    %dma_start3A_8 = arith.constant 0 : i32
    %dma_start3A_9 = tpu.memref_slice %arg2[%dma_start3A_7, %dma_start3A_8] : memref<16384x1024xf32, #tpu.memory_space<hbm>> -> memref<16384x1024xf32, #tpu.memory_space<hbm>>
    tpu.enqueue_indirect_dma source(%dma_start3A_9 : memref<16384x1024xf32, #tpu.memory_space<hbm>>) target(%arg10 : memref<32x1024xf32, #tpu.memory_space<vmem>>) offsets(%arg8 : memref<32xi32, #tpu.memory_space<vmem>>) semaphore(%arg12 : memref<!tpu.dma_semaphore, #tpu.memory_space<semaphore_mem>>)
    %dma_wait3A = arith.constant 0 : i32
    %dma_wait3A_10 = arith.constant 0 : i32
    %dma_wait3A_11 = tpu.memref_slice %arg2[%dma_wait3A, %dma_wait3A_10] : memref<16384x1024xf32, #tpu.memory_space<hbm>> -> memref<16384x1024xf32, #tpu.memory_space<hbm>>
    tpu.wait_indirect_dma semaphore(%arg11 : memref<!tpu.dma_semaphore, #tpu.memory_space<semaphore_mem>>) src(%dma_wait3A_11 : memref<16384x1024xf32, #tpu.memory_space<hbm>>) dst(%arg9 : memref<32x1024xf32, #tpu.memory_space<vmem>>)
    "tpu.region"() ({
      %run_scoped3A = tpu.sem_alloc : memref<!tpu.dma_semaphore, #tpu.memory_space<semaphore_mem>>
      %dma_start3A_57 = arith.constant 0 : i32
      %dma_start3A_58 = tpu.memref_slice %arg5[%add3A_4, %dma_start3A_57] : memref<4096x1024xf32, #tpu.memory_space<hbm>> -> memref<32x1024xf32, #tpu.memory_space<hbm>>
      %dma_start3A_59 = arith.constant 0 : i32
      %dma_start3A_60 = tpu.memref_slice %arg5[%add3A_4, %dma_start3A_59] : memref<4096x1024xf32, #tpu.memory_space<hbm>> -> memref<32x1024xf32, #tpu.memory_space<hbm>>
      tpu.enqueue_dma source(%arg9 : memref<32x1024xf32, #tpu.memory_space<vmem>>) target(%dma_start3A_60 : memref<32x1024xf32, #tpu.memory_space<hbm>>) target_semaphore(%run_scoped3A : memref<!tpu.dma_semaphore, #tpu.memory_space<semaphore_mem>>)
      %dma_wait3A_61 = arith.constant 0 : i32
      %dma_wait3A_62 = tpu.memref_slice %arg5[%add3A_4, %dma_wait3A_61] : memref<4096x1024xf32, #tpu.memory_space<hbm>> -> memref<32x1024xf32, #tpu.memory_space<hbm>>
      %dma_wait3A_63 = arith.constant 0 : i32
      %dma_wait3A_64 = tpu.memref_slice %arg5[%add3A_4, %dma_wait3A_63] : memref<4096x1024xf32, #tpu.memory_space<hbm>> -> memref<32x1024xf32, #tpu.memory_space<hbm>>
      tpu.wait_dma2 semaphore(%run_scoped3A : memref<!tpu.dma_semaphore, #tpu.memory_space<semaphore_mem>>) src(%arg9 : memref<32x1024xf32, #tpu.memory_space<vmem>>) dst(%dma_wait3A_64 : memref<32x1024xf32, #tpu.memory_space<hbm>>)
      tpu.yield
    }) : () -> ()
    %dma_wait3A_12 = arith.constant 0 : i32
    %dma_wait3A_13 = arith.constant 0 : i32
    %dma_wait3A_14 = tpu.memref_slice %arg2[%dma_wait3A_12, %dma_wait3A_13] : memref<16384x1024xf32, #tpu.memory_space<hbm>> -> memref<16384x1024xf32, #tpu.memory_space<hbm>>
    tpu.wait_indirect_dma semaphore(%arg12 : memref<!tpu.dma_semaphore, #tpu.memory_space<semaphore_mem>>) src(%dma_wait3A_14 : memref<16384x1024xf32, #tpu.memory_space<hbm>>) dst(%arg10 : memref<32x1024xf32, #tpu.memory_space<vmem>>)
    "tpu.region"() ({
      %run_scoped3A = tpu.sem_alloc : memref<!tpu.dma_semaphore, #tpu.memory_space<semaphore_mem>>
      %dma_start3A_57 = arith.constant 0 : i32
      %dma_start3A_58 = tpu.memref_slice %arg6[%add3A_4, %dma_start3A_57] : memref<4096x1024xf32, #tpu.memory_space<hbm>> -> memref<32x1024xf32, #tpu.memory_space<hbm>>
      %dma_start3A_59 = arith.constant 0 : i32
      %dma_start3A_60 = tpu.memref_slice %arg6[%add3A_4, %dma_start3A_59] : memref<4096x1024xf32, #tpu.memory_space<hbm>> -> memref<32x1024xf32, #tpu.memory_space<hbm>>
      tpu.enqueue_dma source(%arg10 : memref<32x1024xf32, #tpu.memory_space<vmem>>) target(%dma_start3A_60 : memref<32x1024xf32, #tpu.memory_space<hbm>>) target_semaphore(%run_scoped3A : memref<!tpu.dma_semaphore, #tpu.memory_space<semaphore_mem>>)
      %dma_wait3A_61 = arith.constant 0 : i32
      %dma_wait3A_62 = tpu.memref_slice %arg6[%add3A_4, %dma_wait3A_61] : memref<4096x1024xf32, #tpu.memory_space<hbm>> -> memref<32x1024xf32, #tpu.memory_space<hbm>>
      %dma_wait3A_63 = arith.constant 0 : i32
      %dma_wait3A_64 = tpu.memref_slice %arg6[%add3A_4, %dma_wait3A_63] : memref<4096x1024xf32, #tpu.memory_space<hbm>> -> memref<32x1024xf32, #tpu.memory_space<hbm>>
      tpu.wait_dma2 semaphore(%run_scoped3A : memref<!tpu.dma_semaphore, #tpu.memory_space<semaphore_mem>>) src(%arg10 : memref<32x1024xf32, #tpu.memory_space<vmem>>) dst(%dma_wait3A_64 : memref<32x1024xf32, #tpu.memory_space<hbm>>)
      tpu.yield
    }) : () -> ()
    %add3A_15 = arith.constant 32 : i32
    %add3A_16 = arith.addi %mul3A_2, %add3A_15 : i32
    "tpu.region"() ({
      %run_scoped3A = tpu.sem_alloc : memref<!tpu.dma_semaphore, #tpu.memory_space<semaphore_mem>>
      %dma_start3A_57 = tpu.memref_slice %arg3[%add3A_16] : memref<4096xi32, #tpu.memory_space<hbm>> -> memref<32xi32, #tpu.memory_space<hbm>>
      %dma_start3A_58 = tpu.memref_slice %arg3[%add3A_16] : memref<4096xi32, #tpu.memory_space<hbm>> -> memref<32xi32, #tpu.memory_space<hbm>>
      tpu.enqueue_dma source(%dma_start3A_58 : memref<32xi32, #tpu.memory_space<hbm>>) target(%arg7 : memref<32xi32, #tpu.memory_space<vmem>>) target_semaphore(%run_scoped3A : memref<!tpu.dma_semaphore, #tpu.memory_space<semaphore_mem>>)
      %dma_wait3A_59 = tpu.memref_slice %arg3[%add3A_16] : memref<4096xi32, #tpu.memory_space<hbm>> -> memref<32xi32, #tpu.memory_space<hbm>>
      %dma_wait3A_60 = tpu.memref_slice %arg3[%add3A_16] : memref<4096xi32, #tpu.memory_space<hbm>> -> memref<32xi32, #tpu.memory_space<hbm>>
      tpu.wait_dma2 semaphore(%run_scoped3A : memref<!tpu.dma_semaphore, #tpu.memory_space<semaphore_mem>>) src(%dma_wait3A_60 : memref<32xi32, #tpu.memory_space<hbm>>) dst(%arg7 : memref<32xi32, #tpu.memory_space<vmem>>)
      tpu.yield
    }) : () -> ()
    "tpu.region"() ({
      %run_scoped3A = tpu.sem_alloc : memref<!tpu.dma_semaphore, #tpu.memory_space<semaphore_mem>>
      %dma_start3A_57 = tpu.memref_slice %arg4[%add3A_16] : memref<4096xi32, #tpu.memory_space<hbm>> -> memref<32xi32, #tpu.memory_space<hbm>>
      %dma_start3A_58 = tpu.memref_slice %arg4[%add3A_16] : memref<4096xi32, #tpu.memory_space<hbm>> -> memref<32xi32, #tpu.memory_space<hbm>>
      tpu.enqueue_dma source(%dma_start3A_58 : memref<32xi32, #tpu.memory_space<hbm>>) target(%arg8 : memref<32xi32, #tpu.memory_space<vmem>>) target_semaphore(%run_scoped3A : memref<!tpu.dma_semaphore, #tpu.memory_space<semaphore_mem>>)
      %dma_wait3A_59 = tpu.memref_slice %arg4[%add3A_16] : memref<4096xi32, #tpu.memory_space<hbm>> -> memref<32xi32, #tpu.memory_space<hbm>>
      %dma_wait3A_60 = tpu.memref_slice %arg4[%add3A_16] : memref<4096xi32, #tpu.memory_space<hbm>> -> memref<32xi32, #tpu.memory_space<hbm>>
      tpu.wait_dma2 semaphore(%run_scoped3A : memref<!tpu.dma_semaphore, #tpu.memory_space<semaphore_mem>>) src(%dma_wait3A_60 : memref<32xi32, #tpu.memory_space<hbm>>) dst(%arg8 : memref<32xi32, #tpu.memory_space<vmem>>)
      tpu.yield
    }) : () -> ()
    %dma_start3A_17 = arith.constant 0 : i32
    %dma_start3A_18 = arith.constant 0 : i32
    %dma_start3A_19 = tpu.memref_slice %arg2[%dma_start3A_17, %dma_start3A_18] : memref<16384x1024xf32, #tpu.memory_space<hbm>> -> memref<16384x1024xf32, #tpu.memory_space<hbm>>
    tpu.enqueue_indirect_dma source(%dma_start3A_19 : memref<16384x1024xf32, #tpu.memory_space<hbm>>) target(%arg9 : memref<32x1024xf32, #tpu.memory_space<vmem>>) offsets(%arg7 : memref<32xi32, #tpu.memory_space<vmem>>) semaphore(%arg11 : memref<!tpu.dma_semaphore, #tpu.memory_space<semaphore_mem>>)
    %dma_start3A_20 = arith.constant 0 : i32
    %dma_start3A_21 = arith.constant 0 : i32
    %dma_start3A_22 = tpu.memref_slice %arg2[%dma_start3A_20, %dma_start3A_21] : memref<16384x1024xf32, #tpu.memory_space<hbm>> -> memref<16384x1024xf32, #tpu.memory_space<hbm>>
    tpu.enqueue_indirect_dma source(%dma_start3A_22 : memref<16384x1024xf32, #tpu.memory_space<hbm>>) target(%arg10 : memref<32x1024xf32, #tpu.memory_space<vmem>>) offsets(%arg8 : memref<32xi32, #tpu.memory_space<vmem>>) semaphore(%arg12 : memref<!tpu.dma_semaphore, #tpu.memory_space<semaphore_mem>>)
    %dma_wait3A_23 = arith.constant 0 : i32
    %dma_wait3A_24 = arith.constant 0 : i32
    %dma_wait3A_25 = tpu.memref_slice %arg2[%dma_wait3A_23, %dma_wait3A_24] : memref<16384x1024xf32, #tpu.memory_space<hbm>> -> memref<16384x1024xf32, #tpu.memory_space<hbm>>
    tpu.wait_indirect_dma semaphore(%arg11 : memref<!tpu.dma_semaphore, #tpu.memory_space<semaphore_mem>>) src(%dma_wait3A_25 : memref<16384x1024xf32, #tpu.memory_space<hbm>>) dst(%arg9 : memref<32x1024xf32, #tpu.memory_space<vmem>>)
    "tpu.region"() ({
      %run_scoped3A = tpu.sem_alloc : memref<!tpu.dma_semaphore, #tpu.memory_space<semaphore_mem>>
      %dma_start3A_57 = arith.constant 0 : i32
      %dma_start3A_58 = tpu.memref_slice %arg5[%add3A_16, %dma_start3A_57] : memref<4096x1024xf32, #tpu.memory_space<hbm>> -> memref<32x1024xf32, #tpu.memory_space<hbm>>
      %dma_start3A_59 = arith.constant 0 : i32
      %dma_start3A_60 = tpu.memref_slice %arg5[%add3A_16, %dma_start3A_59] : memref<4096x1024xf32, #tpu.memory_space<hbm>> -> memref<32x1024xf32, #tpu.memory_space<hbm>>
      tpu.enqueue_dma source(%arg9 : memref<32x1024xf32, #tpu.memory_space<vmem>>) target(%dma_start3A_60 : memref<32x1024xf32, #tpu.memory_space<hbm>>) target_semaphore(%run_scoped3A : memref<!tpu.dma_semaphore, #tpu.memory_space<semaphore_mem>>)
      %dma_wait3A_61 = arith.constant 0 : i32
      %dma_wait3A_62 = tpu.memref_slice %arg5[%add3A_16, %dma_wait3A_61] : memref<4096x1024xf32, #tpu.memory_space<hbm>> -> memref<32x1024xf32, #tpu.memory_space<hbm>>
      %dma_wait3A_63 = arith.constant 0 : i32
      %dma_wait3A_64 = tpu.memref_slice %arg5[%add3A_16, %dma_wait3A_63] : memref<4096x1024xf32, #tpu.memory_space<hbm>> -> memref<32x1024xf32, #tpu.memory_space<hbm>>
      tpu.wait_dma2 semaphore(%run_scoped3A : memref<!tpu.dma_semaphore, #tpu.memory_space<semaphore_mem>>) src(%arg9 : memref<32x1024xf32, #tpu.memory_space<vmem>>) dst(%dma_wait3A_64 : memref<32x1024xf32, #tpu.memory_space<hbm>>)
      tpu.yield
    }) : () -> ()
    %dma_wait3A_26 = arith.constant 0 : i32
    %dma_wait3A_27 = arith.constant 0 : i32
    %dma_wait3A_28 = tpu.memref_slice %arg2[%dma_wait3A_26, %dma_wait3A_27] : memref<16384x1024xf32, #tpu.memory_space<hbm>> -> memref<16384x1024xf32, #tpu.memory_space<hbm>>
    tpu.wait_indirect_dma semaphore(%arg12 : memref<!tpu.dma_semaphore, #tpu.memory_space<semaphore_mem>>) src(%dma_wait3A_28 : memref<16384x1024xf32, #tpu.memory_space<hbm>>) dst(%arg10 : memref<32x1024xf32, #tpu.memory_space<vmem>>)
    "tpu.region"() ({
      %run_scoped3A = tpu.sem_alloc : memref<!tpu.dma_semaphore, #tpu.memory_space<semaphore_mem>>
      %dma_start3A_57 = arith.constant 0 : i32
      %dma_start3A_58 = tpu.memref_slice %arg6[%add3A_16, %dma_start3A_57] : memref<4096x1024xf32, #tpu.memory_space<hbm>> -> memref<32x1024xf32, #tpu.memory_space<hbm>>
      %dma_start3A_59 = arith.constant 0 : i32
      %dma_start3A_60 = tpu.memref_slice %arg6[%add3A_16, %dma_start3A_59] : memref<4096x1024xf32, #tpu.memory_space<hbm>> -> memref<32x1024xf32, #tpu.memory_space<hbm>>
      tpu.enqueue_dma source(%arg10 : memref<32x1024xf32, #tpu.memory_space<vmem>>) target(%dma_start3A_60 : memref<32x1024xf32, #tpu.memory_space<hbm>>) target_semaphore(%run_scoped3A : memref<!tpu.dma_semaphore, #tpu.memory_space<semaphore_mem>>)
      %dma_wait3A_61 = arith.constant 0 : i32
      %dma_wait3A_62 = tpu.memref_slice %arg6[%add3A_16, %dma_wait3A_61] : memref<4096x1024xf32, #tpu.memory_space<hbm>> -> memref<32x1024xf32, #tpu.memory_space<hbm>>
      %dma_wait3A_63 = arith.constant 0 : i32
      %dma_wait3A_64 = tpu.memref_slice %arg6[%add3A_16, %dma_wait3A_63] : memref<4096x1024xf32, #tpu.memory_space<hbm>> -> memref<32x1024xf32, #tpu.memory_space<hbm>>
      tpu.wait_dma2 semaphore(%run_scoped3A : memref<!tpu.dma_semaphore, #tpu.memory_space<semaphore_mem>>) src(%arg10 : memref<32x1024xf32, #tpu.memory_space<vmem>>) dst(%dma_wait3A_64 : memref<32x1024xf32, #tpu.memory_space<hbm>>)
      tpu.yield
    }) : () -> ()
    %add3A_29 = arith.constant 64 : i32
    %add3A_30 = arith.addi %mul3A_2, %add3A_29 : i32
    "tpu.region"() ({
      %run_scoped3A = tpu.sem_alloc : memref<!tpu.dma_semaphore, #tpu.memory_space<semaphore_mem>>
      %dma_start3A_57 = tpu.memref_slice %arg3[%add3A_30] : memref<4096xi32, #tpu.memory_space<hbm>> -> memref<32xi32, #tpu.memory_space<hbm>>
      %dma_start3A_58 = tpu.memref_slice %arg3[%add3A_30] : memref<4096xi32, #tpu.memory_space<hbm>> -> memref<32xi32, #tpu.memory_space<hbm>>
      tpu.enqueue_dma source(%dma_start3A_58 : memref<32xi32, #tpu.memory_space<hbm>>) target(%arg7 : memref<32xi32, #tpu.memory_space<vmem>>) target_semaphore(%run_scoped3A : memref<!tpu.dma_semaphore, #tpu.memory_space<semaphore_mem>>)
      %dma_wait3A_59 = tpu.memref_slice %arg3[%add3A_30] : memref<4096xi32, #tpu.memory_space<hbm>> -> memref<32xi32, #tpu.memory_space<hbm>>
      %dma_wait3A_60 = tpu.memref_slice %arg3[%add3A_30] : memref<4096xi32, #tpu.memory_space<hbm>> -> memref<32xi32, #tpu.memory_space<hbm>>
      tpu.wait_dma2 semaphore(%run_scoped3A : memref<!tpu.dma_semaphore, #tpu.memory_space<semaphore_mem>>) src(%dma_wait3A_60 : memref<32xi32, #tpu.memory_space<hbm>>) dst(%arg7 : memref<32xi32, #tpu.memory_space<vmem>>)
      tpu.yield
    }) : () -> ()
    "tpu.region"() ({
      %run_scoped3A = tpu.sem_alloc : memref<!tpu.dma_semaphore, #tpu.memory_space<semaphore_mem>>
      %dma_start3A_57 = tpu.memref_slice %arg4[%add3A_30] : memref<4096xi32, #tpu.memory_space<hbm>> -> memref<32xi32, #tpu.memory_space<hbm>>
      %dma_start3A_58 = tpu.memref_slice %arg4[%add3A_30] : memref<4096xi32, #tpu.memory_space<hbm>> -> memref<32xi32, #tpu.memory_space<hbm>>
      tpu.enqueue_dma source(%dma_start3A_58 : memref<32xi32, #tpu.memory_space<hbm>>) target(%arg8 : memref<32xi32, #tpu.memory_space<vmem>>) target_semaphore(%run_scoped3A : memref<!tpu.dma_semaphore, #tpu.memory_space<semaphore_mem>>)
      %dma_wait3A_59 = tpu.memref_slice %arg4[%add3A_30] : memref<4096xi32, #tpu.memory_space<hbm>> -> memref<32xi32, #tpu.memory_space<hbm>>
      %dma_wait3A_60 = tpu.memref_slice %arg4[%add3A_30] : memref<4096xi32, #tpu.memory_space<hbm>> -> memref<32xi32, #tpu.memory_space<hbm>>
      tpu.wait_dma2 semaphore(%run_scoped3A : memref<!tpu.dma_semaphore, #tpu.memory_space<semaphore_mem>>) src(%dma_wait3A_60 : memref<32xi32, #tpu.memory_space<hbm>>) dst(%arg8 : memref<32xi32, #tpu.memory_space<vmem>>)
      tpu.yield
    }) : () -> ()
    %dma_start3A_31 = arith.constant 0 : i32
    %dma_start3A_32 = arith.constant 0 : i32
    %dma_start3A_33 = tpu.memref_slice %arg2[%dma_start3A_31, %dma_start3A_32] : memref<16384x1024xf32, #tpu.memory_space<hbm>> -> memref<16384x1024xf32, #tpu.memory_space<hbm>>
    tpu.enqueue_indirect_dma source(%dma_start3A_33 : memref<16384x1024xf32, #tpu.memory_space<hbm>>) target(%arg9 : memref<32x1024xf32, #tpu.memory_space<vmem>>) offsets(%arg7 : memref<32xi32, #tpu.memory_space<vmem>>) semaphore(%arg11 : memref<!tpu.dma_semaphore, #tpu.memory_space<semaphore_mem>>)
    %dma_start3A_34 = arith.constant 0 : i32
    %dma_start3A_35 = arith.constant 0 : i32
    %dma_start3A_36 = tpu.memref_slice %arg2[%dma_start3A_34, %dma_start3A_35] : memref<16384x1024xf32, #tpu.memory_space<hbm>> -> memref<16384x1024xf32, #tpu.memory_space<hbm>>
    tpu.enqueue_indirect_dma source(%dma_start3A_36 : memref<16384x1024xf32, #tpu.memory_space<hbm>>) target(%arg10 : memref<32x1024xf32, #tpu.memory_space<vmem>>) offsets(%arg8 : memref<32xi32, #tpu.memory_space<vmem>>) semaphore(%arg12 : memref<!tpu.dma_semaphore, #tpu.memory_space<semaphore_mem>>)
    %dma_wait3A_37 = arith.constant 0 : i32
    %dma_wait3A_38 = arith.constant 0 : i32
    %dma_wait3A_39 = tpu.memref_slice %arg2[%dma_wait3A_37, %dma_wait3A_38] : memref<16384x1024xf32, #tpu.memory_space<hbm>> -> memref<16384x1024xf32, #tpu.memory_space<hbm>>
    tpu.wait_indirect_dma semaphore(%arg11 : memref<!tpu.dma_semaphore, #tpu.memory_space<semaphore_mem>>) src(%dma_wait3A_39 : memref<16384x1024xf32, #tpu.memory_space<hbm>>) dst(%arg9 : memref<32x1024xf32, #tpu.memory_space<vmem>>)
    "tpu.region"() ({
      %run_scoped3A = tpu.sem_alloc : memref<!tpu.dma_semaphore, #tpu.memory_space<semaphore_mem>>
      %dma_start3A_57 = arith.constant 0 : i32
      %dma_start3A_58 = tpu.memref_slice %arg5[%add3A_30, %dma_start3A_57] : memref<4096x1024xf32, #tpu.memory_space<hbm>> -> memref<32x1024xf32, #tpu.memory_space<hbm>>
      %dma_start3A_59 = arith.constant 0 : i32
      %dma_start3A_60 = tpu.memref_slice %arg5[%add3A_30, %dma_start3A_59] : memref<4096x1024xf32, #tpu.memory_space<hbm>> -> memref<32x1024xf32, #tpu.memory_space<hbm>>
      tpu.enqueue_dma source(%arg9 : memref<32x1024xf32, #tpu.memory_space<vmem>>) target(%dma_start3A_60 : memref<32x1024xf32, #tpu.memory_space<hbm>>) target_semaphore(%run_scoped3A : memref<!tpu.dma_semaphore, #tpu.memory_space<semaphore_mem>>)
      %dma_wait3A_61 = arith.constant 0 : i32
      %dma_wait3A_62 = tpu.memref_slice %arg5[%add3A_30, %dma_wait3A_61] : memref<4096x1024xf32, #tpu.memory_space<hbm>> -> memref<32x1024xf32, #tpu.memory_space<hbm>>
      %dma_wait3A_63 = arith.constant 0 : i32
      %dma_wait3A_64 = tpu.memref_slice %arg5[%add3A_30, %dma_wait3A_63] : memref<4096x1024xf32, #tpu.memory_space<hbm>> -> memref<32x1024xf32, #tpu.memory_space<hbm>>
      tpu.wait_dma2 semaphore(%run_scoped3A : memref<!tpu.dma_semaphore, #tpu.memory_space<semaphore_mem>>) src(%arg9 : memref<32x1024xf32, #tpu.memory_space<vmem>>) dst(%dma_wait3A_64 : memref<32x1024xf32, #tpu.memory_space<hbm>>)
      tpu.yield
    }) : () -> ()
    %dma_wait3A_40 = arith.constant 0 : i32
    %dma_wait3A_41 = arith.constant 0 : i32
    %dma_wait3A_42 = tpu.memref_slice %arg2[%dma_wait3A_40, %dma_wait3A_41] : memref<16384x1024xf32, #tpu.memory_space<hbm>> -> memref<16384x1024xf32, #tpu.memory_space<hbm>>
    tpu.wait_indirect_dma semaphore(%arg12 : memref<!tpu.dma_semaphore, #tpu.memory_space<semaphore_mem>>) src(%dma_wait3A_42 : memref<16384x1024xf32, #tpu.memory_space<hbm>>) dst(%arg10 : memref<32x1024xf32, #tpu.memory_space<vmem>>)
    "tpu.region"() ({
      %run_scoped3A = tpu.sem_alloc : memref<!tpu.dma_semaphore, #tpu.memory_space<semaphore_mem>>
      %dma_start3A_57 = arith.constant 0 : i32
      %dma_start3A_58 = tpu.memref_slice %arg6[%add3A_30, %dma_start3A_57] : memref<4096x1024xf32, #tpu.memory_space<hbm>> -> memref<32x1024xf32, #tpu.memory_space<hbm>>
      %dma_start3A_59 = arith.constant 0 : i32
      %dma_start3A_60 = tpu.memref_slice %arg6[%add3A_30, %dma_start3A_59] : memref<4096x1024xf32, #tpu.memory_space<hbm>> -> memref<32x1024xf32, #tpu.memory_space<hbm>>
      tpu.enqueue_dma source(%arg10 : memref<32x1024xf32, #tpu.memory_space<vmem>>) target(%dma_start3A_60 : memref<32x1024xf32, #tpu.memory_space<hbm>>) target_semaphore(%run_scoped3A : memref<!tpu.dma_semaphore, #tpu.memory_space<semaphore_mem>>)
      %dma_wait3A_61 = arith.constant 0 : i32
      %dma_wait3A_62 = tpu.memref_slice %arg6[%add3A_30, %dma_wait3A_61] : memref<4096x1024xf32, #tpu.memory_space<hbm>> -> memref<32x1024xf32, #tpu.memory_space<hbm>>
      %dma_wait3A_63 = arith.constant 0 : i32
      %dma_wait3A_64 = tpu.memref_slice %arg6[%add3A_30, %dma_wait3A_63] : memref<4096x1024xf32, #tpu.memory_space<hbm>> -> memref<32x1024xf32, #tpu.memory_space<hbm>>
      tpu.wait_dma2 semaphore(%run_scoped3A : memref<!tpu.dma_semaphore, #tpu.memory_space<semaphore_mem>>) src(%arg10 : memref<32x1024xf32, #tpu.memory_space<vmem>>) dst(%dma_wait3A_64 : memref<32x1024xf32, #tpu.memory_space<hbm>>)
      tpu.yield
    }) : () -> ()
    %add3A_43 = arith.constant 96 : i32
    %add3A_44 = arith.addi %mul3A_2, %add3A_43 : i32
    "tpu.region"() ({
      %run_scoped3A = tpu.sem_alloc : memref<!tpu.dma_semaphore, #tpu.memory_space<semaphore_mem>>
      %dma_start3A_57 = tpu.memref_slice %arg3[%add3A_44] : memref<4096xi32, #tpu.memory_space<hbm>> -> memref<32xi32, #tpu.memory_space<hbm>>
      %dma_start3A_58 = tpu.memref_slice %arg3[%add3A_44] : memref<4096xi32, #tpu.memory_space<hbm>> -> memref<32xi32, #tpu.memory_space<hbm>>
      tpu.enqueue_dma source(%dma_start3A_58 : memref<32xi32, #tpu.memory_space<hbm>>) target(%arg7 : memref<32xi32, #tpu.memory_space<vmem>>) target_semaphore(%run_scoped3A : memref<!tpu.dma_semaphore, #tpu.memory_space<semaphore_mem>>)
      %dma_wait3A_59 = tpu.memref_slice %arg3[%add3A_44] : memref<4096xi32, #tpu.memory_space<hbm>> -> memref<32xi32, #tpu.memory_space<hbm>>
      %dma_wait3A_60 = tpu.memref_slice %arg3[%add3A_44] : memref<4096xi32, #tpu.memory_space<hbm>> -> memref<32xi32, #tpu.memory_space<hbm>>
      tpu.wait_dma2 semaphore(%run_scoped3A : memref<!tpu.dma_semaphore, #tpu.memory_space<semaphore_mem>>) src(%dma_wait3A_60 : memref<32xi32, #tpu.memory_space<hbm>>) dst(%arg7 : memref<32xi32, #tpu.memory_space<vmem>>)
      tpu.yield
    }) : () -> ()
    "tpu.region"() ({
      %run_scoped3A = tpu.sem_alloc : memref<!tpu.dma_semaphore, #tpu.memory_space<semaphore_mem>>
      %dma_start3A_57 = tpu.memref_slice %arg4[%add3A_44] : memref<4096xi32, #tpu.memory_space<hbm>> -> memref<32xi32, #tpu.memory_space<hbm>>
      %dma_start3A_58 = tpu.memref_slice %arg4[%add3A_44] : memref<4096xi32, #tpu.memory_space<hbm>> -> memref<32xi32, #tpu.memory_space<hbm>>
      tpu.enqueue_dma source(%dma_start3A_58 : memref<32xi32, #tpu.memory_space<hbm>>) target(%arg8 : memref<32xi32, #tpu.memory_space<vmem>>) target_semaphore(%run_scoped3A : memref<!tpu.dma_semaphore, #tpu.memory_space<semaphore_mem>>)
      %dma_wait3A_59 = tpu.memref_slice %arg4[%add3A_44] : memref<4096xi32, #tpu.memory_space<hbm>> -> memref<32xi32, #tpu.memory_space<hbm>>
      %dma_wait3A_60 = tpu.memref_slice %arg4[%add3A_44] : memref<4096xi32, #tpu.memory_space<hbm>> -> memref<32xi32, #tpu.memory_space<hbm>>
      tpu.wait_dma2 semaphore(%run_scoped3A : memref<!tpu.dma_semaphore, #tpu.memory_space<semaphore_mem>>) src(%dma_wait3A_60 : memref<32xi32, #tpu.memory_space<hbm>>) dst(%arg8 : memref<32xi32, #tpu.memory_space<vmem>>)
      tpu.yield
    }) : () -> ()
    %dma_start3A_45 = arith.constant 0 : i32
    %dma_start3A_46 = arith.constant 0 : i32
    %dma_start3A_47 = tpu.memref_slice %arg2[%dma_start3A_45, %dma_start3A_46] : memref<16384x1024xf32, #tpu.memory_space<hbm>> -> memref<16384x1024xf32, #tpu.memory_space<hbm>>
    tpu.enqueue_indirect_dma source(%dma_start3A_47 : memref<16384x1024xf32, #tpu.memory_space<hbm>>) target(%arg9 : memref<32x1024xf32, #tpu.memory_space<vmem>>) offsets(%arg7 : memref<32xi32, #tpu.memory_space<vmem>>) semaphore(%arg11 : memref<!tpu.dma_semaphore, #tpu.memory_space<semaphore_mem>>)
    %dma_start3A_48 = arith.constant 0 : i32
    %dma_start3A_49 = arith.constant 0 : i32
    %dma_start3A_50 = tpu.memref_slice %arg2[%dma_start3A_48, %dma_start3A_49] : memref<16384x1024xf32, #tpu.memory_space<hbm>> -> memref<16384x1024xf32, #tpu.memory_space<hbm>>
    tpu.enqueue_indirect_dma source(%dma_start3A_50 : memref<16384x1024xf32, #tpu.memory_space<hbm>>) target(%arg10 : memref<32x1024xf32, #tpu.memory_space<vmem>>) offsets(%arg8 : memref<32xi32, #tpu.memory_space<vmem>>) semaphore(%arg12 : memref<!tpu.dma_semaphore, #tpu.memory_space<semaphore_mem>>)
    %dma_wait3A_51 = arith.constant 0 : i32
    %dma_wait3A_52 = arith.constant 0 : i32
    %dma_wait3A_53 = tpu.memref_slice %arg2[%dma_wait3A_51, %dma_wait3A_52] : memref<16384x1024xf32, #tpu.memory_space<hbm>> -> memref<16384x1024xf32, #tpu.memory_space<hbm>>
    tpu.wait_indirect_dma semaphore(%arg11 : memref<!tpu.dma_semaphore, #tpu.memory_space<semaphore_mem>>) src(%dma_wait3A_53 : memref<16384x1024xf32, #tpu.memory_space<hbm>>) dst(%arg9 : memref<32x1024xf32, #tpu.memory_space<vmem>>)
    "tpu.region"() ({
      %run_scoped3A = tpu.sem_alloc : memref<!tpu.dma_semaphore, #tpu.memory_space<semaphore_mem>>
      %dma_start3A_57 = arith.constant 0 : i32
      %dma_start3A_58 = tpu.memref_slice %arg5[%add3A_44, %dma_start3A_57] : memref<4096x1024xf32, #tpu.memory_space<hbm>> -> memref<32x1024xf32, #tpu.memory_space<hbm>>
      %dma_start3A_59 = arith.constant 0 : i32
      %dma_start3A_60 = tpu.memref_slice %arg5[%add3A_44, %dma_start3A_59] : memref<4096x1024xf32, #tpu.memory_space<hbm>> -> memref<32x1024xf32, #tpu.memory_space<hbm>>
      tpu.enqueue_dma source(%arg9 : memref<32x1024xf32, #tpu.memory_space<vmem>>) target(%dma_start3A_60 : memref<32x1024xf32, #tpu.memory_space<hbm>>) target_semaphore(%run_scoped3A : memref<!tpu.dma_semaphore, #tpu.memory_space<semaphore_mem>>)
      %dma_wait3A_61 = arith.constant 0 : i32
      %dma_wait3A_62 = tpu.memref_slice %arg5[%add3A_44, %dma_wait3A_61] : memref<4096x1024xf32, #tpu.memory_space<hbm>> -> memref<32x1024xf32, #tpu.memory_space<hbm>>
      %dma_wait3A_63 = arith.constant 0 : i32
      %dma_wait3A_64 = tpu.memref_slice %arg5[%add3A_44, %dma_wait3A_63] : memref<4096x1024xf32, #tpu.memory_space<hbm>> -> memref<32x1024xf32, #tpu.memory_space<hbm>>
      tpu.wait_dma2 semaphore(%run_scoped3A : memref<!tpu.dma_semaphore, #tpu.memory_space<semaphore_mem>>) src(%arg9 : memref<32x1024xf32, #tpu.memory_space<vmem>>) dst(%dma_wait3A_64 : memref<32x1024xf32, #tpu.memory_space<hbm>>)
      tpu.yield
    }) : () -> ()
    %dma_wait3A_54 = arith.constant 0 : i32
    %dma_wait3A_55 = arith.constant 0 : i32
    %dma_wait3A_56 = tpu.memref_slice %arg2[%dma_wait3A_54, %dma_wait3A_55] : memref<16384x1024xf32, #tpu.memory_space<hbm>> -> memref<16384x1024xf32, #tpu.memory_space<hbm>>
    tpu.wait_indirect_dma semaphore(%arg12 : memref<!tpu.dma_semaphore, #tpu.memory_space<semaphore_mem>>) src(%dma_wait3A_56 : memref<16384x1024xf32, #tpu.memory_space<hbm>>) dst(%arg10 : memref<32x1024xf32, #tpu.memory_space<vmem>>)
    "tpu.region"() ({
      %run_scoped3A = tpu.sem_alloc : memref<!tpu.dma_semaphore, #tpu.memory_space<semaphore_mem>>
      %dma_start3A_57 = arith.constant 0 : i32
      %dma_start3A_58 = tpu.memref_slice %arg6[%add3A_44, %dma_start3A_57] : memref<4096x1024xf32, #tpu.memory_space<hbm>> -> memref<32x1024xf32, #tpu.memory_space<hbm>>
      %dma_start3A_59 = arith.constant 0 : i32
      %dma_start3A_60 = tpu.memref_slice %arg6[%add3A_44, %dma_start3A_59] : memref<4096x1024xf32, #tpu.memory_space<hbm>> -> memref<32x1024xf32, #tpu.memory_space<hbm>>
      tpu.enqueue_dma source(%arg10 : memref<32x1024xf32, #tpu.memory_space<vmem>>) target(%dma_start3A_60 : memref<32x1024xf32, #tpu.memory_space<hbm>>) target_semaphore(%run_scoped3A : memref<!tpu.dma_semaphore, #tpu.memory_space<semaphore_mem>>)
      %dma_wait3A_61 = arith.constant 0 : i32
      %dma_wait3A_62 = tpu.memref_slice %arg6[%add3A_44, %dma_wait3A_61] : memref<4096x1024xf32, #tpu.memory_space<hbm>> -> memref<32x1024xf32, #tpu.memory_space<hbm>>
      %dma_wait3A_63 = arith.constant 0 : i32
      %dma_wait3A_64 = tpu.memref_slice %arg6[%add3A_44, %dma_wait3A_63] : memref<4096x1024xf32, #tpu.memory_space<hbm>> -> memref<32x1024xf32, #tpu.memory_space<hbm>>
      tpu.wait_dma2 semaphore(%run_scoped3A : memref<!tpu.dma_semaphore, #tpu.memory_space<semaphore_mem>>) src(%arg10 : memref<32x1024xf32, #tpu.memory_space<vmem>>) dst(%dma_wait3A_64 : memref<32x1024xf32, #tpu.memory_space<hbm>>)
      tpu.yield
    }) : () -> ()
    return
  }
}

module attributes {stable_mosaic.version = 14 : i64} {
  func.func @_rmeta_body(%arg0: memref<4096x1024xf32, #tpu.memory_space<vmem>>, %arg1: memref<64x1024xf32, #tpu.memory_space<vmem>>, %arg2: memref<4096x128xf32, #tpu.memory_space<vmem>>, %arg3: memref<64x128xi32, #tpu.memory_space<vmem>>, %arg4: memref<8x128xi32, #tpu.memory_space<vmem>>, %arg5: memref<8x128xi32, #tpu.memory_space<vmem>>) attributes {dimension_semantics = [], scalar_prefetch = 0 : i64, scratch_operands = 0 : i64, tpu.core_type = #tpu.core_type<tc>} {
    %get3A = arith.constant 0 : index
    %get3A_0 = arith.constant 0 : index
    %get3A_1 = vector.load %arg0[%get3A, %get3A_0] : memref<4096x1024xf32, #tpu.memory_space<vmem>>, vector<4096x1024xf32>
    %get3A_2 = arith.constant 0 : index
    %get3A_3 = arith.constant 0 : index
    %get3A_4 = vector.load %arg1[%get3A_2, %get3A_3] : memref<64x1024xf32, #tpu.memory_space<vmem>>, vector<64x1024xf32>
    %dot_general3A = arith.constant dense<0.000000e+00> : vector<4096x64xf32>
    %dot_general3A_5 = tpu.matmul %get3A_1, %get3A_4, %dot_general3A {dimension_numbers = #tpu.dot_dimension_numbers<[1], [1], [0], [0], [0, 0, 1, 0], [], []>, transpose_lhs_hint = false} : vector<4096x1024xf32>, vector<64x1024xf32>, vector<4096x64xf32> -> vector<4096x64xf32>
    %reduce_max3A = arith.constant dense<0xFF800000> : vector<4096xf32>
    %reduce_max3A_6 = vector.multi_reduction <maximumf>, %dot_general3A_5, %reduce_max3A [1] : vector<4096x64xf32> to vector<4096xf32>
    %broadcast_in_dim3A = vector.shape_cast %reduce_max3A_6 : vector<4096xf32> to vector<4096x1xf32>
    %sub3A = vector.broadcast %broadcast_in_dim3A : vector<4096x1xf32> to vector<4096x64xf32>
    %sub3A_7 = arith.subf %dot_general3A_5, %sub3A : vector<4096x64xf32>
    %exp3A = math.exp %sub3A_7 : vector<4096x64xf32>
    %reduce_sum3A = arith.constant dense<0.000000e+00> : vector<4096xf32>
    %reduce_sum3A_8 = vector.multi_reduction <add>, %exp3A, %reduce_sum3A [1] : vector<4096x64xf32> to vector<4096xf32>
    %broadcast_in_dim3A_9 = vector.shape_cast %reduce_sum3A_8 : vector<4096xf32> to vector<4096x1xf32>
    %div3A = vector.broadcast %broadcast_in_dim3A_9 : vector<4096x1xf32> to vector<4096x64xf32>
    %div3A_10 = arith.divf %exp3A, %div3A : vector<4096x64xf32>
    %iota3A = tpu.iota {dimensions = array<i32: 1>} : vector<4096x64xi32>
    %reduce_max3A_11 = arith.constant dense<0xFF800000> : vector<4096xf32>
    %reduce_max3A_12 = vector.multi_reduction <maximumf>, %div3A_10, %reduce_max3A_11 [1] : vector<4096x64xf32> to vector<4096xf32>
    %broadcast_in_dim3A_13 = vector.shape_cast %reduce_max3A_12 : vector<4096xf32> to vector<4096x1xf32>
    %eq3A = vector.broadcast %broadcast_in_dim3A_13 : vector<4096x1xf32> to vector<4096x64xf32>
    %eq3A_14 = arith.cmpf oeq, %div3A_10, %eq3A : vector<4096x64xf32>
    %jit3A = arith.constant 64 : i32
    %broadcast_in_dim3A_15 = vector.broadcast %jit3A : i32 to vector<4096x64xi32>
    %select_n3A = arith.select %eq3A_14, %iota3A, %broadcast_in_dim3A_15 : vector<4096x64xi1>, vector<4096x64xi32>
    %reduce_min3A = arith.constant dense<2147483647> : vector<4096xi32>
    %reduce_min3A_16 = vector.multi_reduction <minsi>, %select_n3A, %reduce_min3A [1] : vector<4096x64xi32> to vector<4096xi32>
    %broadcast_in_dim3A_17 = vector.shape_cast %reduce_min3A_16 : vector<4096xi32> to vector<4096x1xi32>
    %eq3A_18 = vector.broadcast %broadcast_in_dim3A_17 : vector<4096x1xi32> to vector<4096x64xi32>
    %eq3A_19 = arith.cmpi eq, %iota3A, %eq3A_18 : vector<4096x64xi32>
    %jit3A_20 = arith.constant -1.000000e+00 : f32
    %broadcast_in_dim3A_21 = vector.broadcast %jit3A_20 : f32 to vector<4096x64xf32>
    %select_n3A_22 = arith.select %eq3A_19, %broadcast_in_dim3A_21, %div3A_10 : vector<4096x64xi1>, vector<4096x64xf32>
    %reduce_max3A_23 = arith.constant dense<0xFF800000> : vector<4096xf32>
    %reduce_max3A_24 = vector.multi_reduction <maximumf>, %select_n3A_22, %reduce_max3A_23 [1] : vector<4096x64xf32> to vector<4096xf32>
    %broadcast_in_dim3A_25 = vector.shape_cast %reduce_max3A_24 : vector<4096xf32> to vector<4096x1xf32>
    %eq3A_26 = vector.broadcast %broadcast_in_dim3A_25 : vector<4096x1xf32> to vector<4096x64xf32>
    %eq3A_27 = arith.cmpf oeq, %select_n3A_22, %eq3A_26 : vector<4096x64xf32>
    %jit3A_28 = arith.constant 64 : i32
    %broadcast_in_dim3A_29 = vector.broadcast %jit3A_28 : i32 to vector<4096x64xi32>
    %select_n3A_30 = arith.select %eq3A_27, %iota3A, %broadcast_in_dim3A_29 : vector<4096x64xi1>, vector<4096x64xi32>
    %reduce_min3A_31 = arith.constant dense<2147483647> : vector<4096xi32>
    %reduce_min3A_32 = vector.multi_reduction <minsi>, %select_n3A_30, %reduce_min3A_31 [1] : vector<4096x64xi32> to vector<4096xi32>
    %broadcast_in_dim3A_33 = vector.shape_cast %reduce_min3A_32 : vector<4096xi32> to vector<4096x1xi32>
    %iota3A_34 = tpu.iota {dimensions = array<i32: 1>} : vector<4096x128xi32>
    %eq3A_35 = arith.constant 0 : i32
    %eq3A_36 = vector.broadcast %eq3A_35 : i32 to vector<4096x128xi32>
    %eq3A_37 = arith.cmpi eq, %iota3A_34, %eq3A_36 : vector<4096x128xi32>
    %eq3A_38 = arith.constant 1 : i32
    %eq3A_39 = vector.broadcast %eq3A_38 : i32 to vector<4096x128xi32>
    %eq3A_40 = arith.cmpi eq, %iota3A_34, %eq3A_39 : vector<4096x128xi32>
    %jit3A_41 = arith.constant 0.000000e+00 : f32
    %broadcast_in_dim3A_42 = vector.shape_cast %broadcast_in_dim3A_25 : vector<4096x1xf32> to vector<4096x1xf32>
    %broadcast_in_dim3A_43 = vector.broadcast %broadcast_in_dim3A_42 : vector<4096x1xf32> to vector<4096x128xf32>
    %broadcast_in_dim3A_44 = vector.broadcast %jit3A_41 : f32 to vector<4096x128xf32>
    %select_n3A_45 = arith.select %eq3A_40, %broadcast_in_dim3A_43, %broadcast_in_dim3A_44 : vector<4096x128xi1>, vector<4096x128xf32>
    %broadcast_in_dim3A_46 = vector.shape_cast %broadcast_in_dim3A_13 : vector<4096x1xf32> to vector<4096x1xf32>
    %broadcast_in_dim3A_47 = vector.broadcast %broadcast_in_dim3A_46 : vector<4096x1xf32> to vector<4096x128xf32>
    %select_n3A_48 = arith.select %eq3A_37, %broadcast_in_dim3A_47, %select_n3A_45 : vector<4096x128xi1>, vector<4096x128xf32>
    %swap3A = arith.constant 0 : index
    %swap3A_49 = arith.constant 0 : index
    %swap3A_50 = vector.load %arg2[%swap3A, %swap3A_49] : memref<4096x128xf32, #tpu.memory_space<vmem>>, vector<4096x128xf32>
    tpu.vector_store %arg2[%swap3A, %swap3A_49], %select_n3A_48 {strides = array<i32>} : memref<4096x128xf32, #tpu.memory_space<vmem>>, vector<4096x128xf32>,
    %eq3A_51 = vector.broadcast %broadcast_in_dim3A_17 : vector<4096x1xi32> to vector<4096x64xi32>
    %eq3A_52 = arith.cmpi eq, %iota3A, %eq3A_51 : vector<4096x64xi32>
    %convert_element_type3A = arith.extui %eq3A_52 : vector<4096x64xi1> to vector<4096x64xi32>
    %convert_element_type3A_53 = arith.sitofp %convert_element_type3A : vector<4096x64xi32> to vector<4096x64xf32>
    %eq3A_54 = vector.broadcast %broadcast_in_dim3A_33 : vector<4096x1xi32> to vector<4096x64xi32>
    %eq3A_55 = arith.cmpi eq, %iota3A, %eq3A_54 : vector<4096x64xi32>
    %convert_element_type3A_56 = arith.extui %eq3A_55 : vector<4096x64xi1> to vector<4096x64xi32>
    %convert_element_type3A_57 = arith.sitofp %convert_element_type3A_56 : vector<4096x64xi32> to vector<4096x64xf32>
    %transpose3A = tpu.transpose %convert_element_type3A_53, [1, 0] : vector<4096x64xf32> -> vector<64x4096xf32>
    %transpose3A_58 = tpu.transpose %convert_element_type3A_57, [1, 0] : vector<4096x64xf32> -> vector<64x4096xf32>
    %reshape3A = vector.shape_cast %transpose3A : vector<64x4096xf32> to vector<64x32x128xf32>
    %reshape3A_59 = vector.shape_cast %transpose3A_58 : vector<64x4096xf32> to vector<64x32x128xf32>
    %concatenate3A = tpu.concatenate %reshape3A, %reshape3A_59 in 1 : vector<64x32x128xf32>, vector<64x32x128xf32> -> vector<64x64x128xf32>
    %iota3A_60 = tpu.iota {dimensions = array<i32: 0>} : vector<128x128xi32>
    %iota3A_61 = tpu.iota {dimensions = array<i32: 1>} : vector<128x128xi32>
    %le3A = arith.cmpi sle, %iota3A_60, %iota3A_61 : vector<128x128xi32>
    %convert_element_type3A_62 = arith.extui %le3A : vector<128x128xi1> to vector<128x128xi32>
    %convert_element_type3A_63 = arith.sitofp %convert_element_type3A_62 : vector<128x128xi32> to vector<128x128xf32>
    %dot_general3A_64 = arith.constant dense<0.000000e+00> : vector<64x64x128xf32>
    %dot_general3A_65 = tpu.matmul %concatenate3A, %convert_element_type3A_63, %dot_general3A_64 {dimension_numbers = #tpu.dot_dimension_numbers<[2], [0], [0, 1], [1], [0, 0, 0, 1, 1, 1], [], []>, transpose_lhs_hint = false} : vector<64x64x128xf32>, vector<128x128xf32>, vector<64x64x128xf32> -> vector<64x64x128xf32>
    %slice3A = vector.extract_strided_slice %dot_general3A_65 {offsets = [0, 0, 127], sizes = [64, 64, 1], strides = [1, 1, 1]} : vector<64x64x128xf32> to vector<64x64x1xf32>
    %squeeze3A = vector.shape_cast %slice3A : vector<64x64x1xf32> to vector<64x64xf32>
    %iota3A_66 = tpu.iota {dimensions = array<i32: 0>} : vector<64x64xi32>
    %iota3A_67 = tpu.iota {dimensions = array<i32: 1>} : vector<64x64xi32>
    %lt3A = arith.cmpi slt, %iota3A_66, %iota3A_67 : vector<64x64xi32>
    %convert_element_type3A_68 = arith.extui %lt3A : vector<64x64xi1> to vector<64x64xi32>
    %convert_element_type3A_69 = arith.sitofp %convert_element_type3A_68 : vector<64x64xi32> to vector<64x64xf32>
    %dot_general3A_70 = arith.constant dense<0.000000e+00> : vector<64x64xf32>
    %dot_general3A_71 = tpu.matmul %squeeze3A, %convert_element_type3A_69, %dot_general3A_70 {dimension_numbers = #tpu.dot_dimension_numbers<[1], [0], [0], [1], [0, 0, 1, 1], [], []>, transpose_lhs_hint = false} : vector<64x64xf32>, vector<64x64xf32>, vector<64x64xf32> -> vector<64x64xf32>
    %broadcast_in_dim3A_72 = vector.shape_cast %dot_general3A_71 : vector<64x64xf32> to vector<64x64x1xf32>
    %add3A = vector.broadcast %broadcast_in_dim3A_72 : vector<64x64x1xf32> to vector<64x64x128xf32>
    %add3A_73 = arith.addf %dot_general3A_65, %add3A : vector<64x64x128xf32>
    %reduce_sum3A_74 = arith.constant dense<0.000000e+00> : vector<64xf32>
    %reduce_sum3A_75 = vector.multi_reduction <add>, %squeeze3A, %reduce_sum3A_74 [1] : vector<64x64xf32> to vector<64xf32>
    %broadcast_in_dim3A_76 = vector.shape_cast %reduce_sum3A_75 : vector<64xf32> to vector<64x1xf32>
    %lt3A_77 = arith.cmpi slt, %iota3A_67, %iota3A_66 : vector<64x64xi32>
    %convert_element_type3A_78 = arith.extui %lt3A_77 : vector<64x64xi1> to vector<64x64xi32>
    %convert_element_type3A_79 = arith.sitofp %convert_element_type3A_78 : vector<64x64xi32> to vector<64x64xf32>
    %add3A_80 = arith.constant 1.270000e+02 : f32
    %add3A_81 = vector.broadcast %add3A_80 : f32 to vector<64x1xf32>
    %add3A_82 = arith.addf %broadcast_in_dim3A_76, %add3A_81 : vector<64x1xf32>
    %div3A_83 = arith.constant 1.280000e+02 : f32
    %div3A_84 = vector.broadcast %div3A_83 : f32 to vector<64x1xf32>
    %div3A_85 = arith.divf %add3A_82, %div3A_84 : vector<64x1xf32>
    %floor3A = math.floor %div3A_85 : vector<64x1xf32>
    %dot_general3A_86 = arith.constant dense<0.000000e+00> : vector<64x1xf32>
    %dot_general3A_87 = tpu.matmul %convert_element_type3A_79, %floor3A, %dot_general3A_86 {dimension_numbers = #tpu.dot_dimension_numbers<[1], [0], [0], [1], [0, 0, 1, 1], [], []>, transpose_lhs_hint = false} : vector<64x64xf32>, vector<64x1xf32>, vector<64x1xf32> -> vector<64x1xf32>
    %mul3A = arith.constant 1.280000e+02 : f32
    %mul3A_88 = vector.broadcast %mul3A : f32 to vector<64x1xf32>
    %mul3A_89 = arith.mulf %dot_general3A_87, %mul3A_88 : vector<64x1xf32>
    %mul3A_90 = arith.mulf %concatenate3A, %add3A_73 : vector<64x64x128xf32>
    %reduce_sum3A_91 = arith.constant dense<0.000000e+00> : vector<64x128xf32>
    %reduce_sum3A_92 = vector.multi_reduction <add>, %mul3A_90, %reduce_sum3A_91 [0] : vector<64x64x128xf32> to vector<64x128xf32>
    %broadcast_in_dim3A_93 = vector.shape_cast %mul3A_89 : vector<64x1xf32> to vector<64x1x1xf32>
    %mul3A_94 = vector.broadcast %broadcast_in_dim3A_93 : vector<64x1x1xf32> to vector<64x64x128xf32>
    %mul3A_95 = arith.mulf %concatenate3A, %mul3A_94 : vector<64x64x128xf32>
    %reduce_sum3A_96 = arith.constant dense<0.000000e+00> : vector<64x128xf32>
    %reduce_sum3A_97 = vector.multi_reduction <add>, %mul3A_95, %reduce_sum3A_96 [0] : vector<64x64x128xf32> to vector<64x128xf32>
    %add3A_98 = arith.addf %reduce_sum3A_97, %reduce_sum3A_92 : vector<64x128xf32>
    %sub3A_99 = arith.constant 1.000000e+00 : f32
    %sub3A_100 = vector.broadcast %sub3A_99 : f32 to vector<64x128xf32>
    %sub3A_101 = arith.subf %add3A_98, %sub3A_100 : vector<64x128xf32>
    %convert_element_type3A_102 = arith.fptosi %sub3A_101 : vector<64x128xf32> to vector<64x128xi32>
    %swap3A_103 = arith.constant 0 : index
    %swap3A_104 = arith.constant 0 : index
    %swap3A_105 = vector.load %arg3[%swap3A_103, %swap3A_104] : memref<64x128xi32, #tpu.memory_space<vmem>>, vector<64x128xi32>
    tpu.vector_store %arg3[%swap3A_103, %swap3A_104], %convert_element_type3A_102 {strides = array<i32>} : memref<64x128xi32, #tpu.memory_space<vmem>>, vector<64x128xi32>,
    %iota3A_106 = tpu.iota {dimensions = array<i32: 1>} : vector<1x128xi32>
    %convert_element_type3A_107 = arith.sitofp %iota3A_106 : vector<1x128xi32> to vector<1x128xf32>
    %le3A_108 = vector.broadcast %dot_general3A_87 : vector<64x1xf32> to vector<64x128xf32>
    %le3A_109 = vector.broadcast %convert_element_type3A_107 : vector<1x128xf32> to vector<64x128xf32>
    %le3A_110 = arith.cmpf ole, %le3A_108, %le3A_109 : vector<64x128xf32>
    %convert_element_type3A_111 = arith.extui %le3A_110 : vector<64x128xi1> to vector<64x128xi32>
    %convert_element_type3A_112 = arith.sitofp %convert_element_type3A_111 : vector<64x128xi32> to vector<64x128xf32>
    %reduce_sum3A_113 = arith.constant dense<0.000000e+00> : vector<128xf32>
    %reduce_sum3A_114 = vector.multi_reduction <add>, %convert_element_type3A_112, %reduce_sum3A_113 [0] : vector<64x128xf32> to vector<128xf32>
    %broadcast_in_dim3A_115 = vector.shape_cast %reduce_sum3A_114 : vector<128xf32> to vector<1x128xf32>
    %sub3A_116 = arith.constant 1.000000e+00 : f32
    %sub3A_117 = vector.broadcast %sub3A_116 : f32 to vector<1x128xf32>
    %sub3A_118 = arith.subf %broadcast_in_dim3A_115, %sub3A_117 : vector<1x128xf32>
    %jit3A_119 = arith.constant 0.000000e+00 : f32
    %jit3A_120 = arith.constant 6.300000e+01 : f32
    %max3A = vector.broadcast %jit3A_119 : f32 to vector<1x128xf32>
    %max3A_121 = arith.maximumf %max3A, %sub3A_118 : vector<1x128xf32>
    %min3A = vector.broadcast %jit3A_120 : f32 to vector<1x128xf32>
    %min3A_122 = arith.minimumf %min3A, %max3A_121 : vector<1x128xf32>
    %iota3A_123 = tpu.iota {dimensions = array<i32: 0>} : vector<64x128xi32>
    %convert_element_type3A_124 = arith.sitofp %iota3A_123 : vector<64x128xi32> to vector<64x128xf32>
    %eq3A_125 = vector.broadcast %min3A_122 : vector<1x128xf32> to vector<64x128xf32>
    %eq3A_126 = arith.cmpf oeq, %convert_element_type3A_124, %eq3A_125 : vector<64x128xf32>
    %convert_element_type3A_127 = arith.extui %eq3A_126 : vector<64x128xi1> to vector<64x128xi32>
    %convert_element_type3A_128 = arith.sitofp %convert_element_type3A_127 : vector<64x128xi32> to vector<64x128xf32>
    %mul3A_129 = vector.broadcast %dot_general3A_87 : vector<64x1xf32> to vector<64x128xf32>
    %mul3A_130 = arith.mulf %convert_element_type3A_128, %mul3A_129 : vector<64x128xf32>
    %reduce_sum3A_131 = arith.constant dense<0.000000e+00> : vector<128xf32>
    %reduce_sum3A_132 = vector.multi_reduction <add>, %mul3A_130, %reduce_sum3A_131 [0] : vector<64x128xf32> to vector<128xf32>
    %broadcast_in_dim3A_133 = vector.shape_cast %reduce_sum3A_132 : vector<128xf32> to vector<1x128xf32>
    %mul3A_134 = vector.broadcast %broadcast_in_dim3A_76 : vector<64x1xf32> to vector<64x128xf32>
    %mul3A_135 = arith.mulf %convert_element_type3A_128, %mul3A_134 : vector<64x128xf32>
    %reduce_sum3A_136 = arith.constant dense<0.000000e+00> : vector<128xf32>
    %reduce_sum3A_137 = vector.multi_reduction <add>, %mul3A_135, %reduce_sum3A_136 [0] : vector<64x128xf32> to vector<128xf32>
    %broadcast_in_dim3A_138 = vector.shape_cast %reduce_sum3A_137 : vector<128xf32> to vector<1x128xf32>
    %sub3A_139 = arith.subf %convert_element_type3A_107, %broadcast_in_dim3A_133 : vector<1x128xf32>
    %mul3A_140 = arith.constant 1.280000e+02 : f32
    %mul3A_141 = vector.broadcast %mul3A_140 : f32 to vector<1x128xf32>
    %mul3A_142 = arith.mulf %mul3A_141, %sub3A_139 : vector<1x128xf32>
    %sub3A_143 = arith.subf %broadcast_in_dim3A_138, %mul3A_142 : vector<1x128xf32>
    %jit3A_144 = arith.constant 0.000000e+00 : f32
    %jit3A_145 = arith.constant 1.280000e+02 : f32
    %max3A_146 = vector.broadcast %jit3A_144 : f32 to vector<1x128xf32>
    %max3A_147 = arith.maximumf %max3A_146, %sub3A_143 : vector<1x128xf32>
    %min3A_148 = vector.broadcast %jit3A_145 : f32 to vector<1x128xf32>
    %min3A_149 = arith.minimumf %min3A_148, %max3A_147 : vector<1x128xf32>
    %convert_element_type3A_150 = arith.fptosi %min3A_149 : vector<1x128xf32> to vector<1x128xi32>
    %convert_element_type3A_151 = arith.fptosi %min3A_122 : vector<1x128xf32> to vector<1x128xi32>
    %broadcast_in_dim3A_152 = vector.shape_cast %convert_element_type3A_151 : vector<1x128xi32> to vector<1x128xi32>
    %broadcast_in_dim3A_153 = vector.broadcast %broadcast_in_dim3A_152 : vector<1x128xi32> to vector<8x128xi32>
    %swap3A_154 = arith.constant 0 : index
    %swap3A_155 = arith.constant 0 : index
    %swap3A_156 = vector.load %arg4[%swap3A_154, %swap3A_155] : memref<8x128xi32, #tpu.memory_space<vmem>>, vector<8x128xi32>
    tpu.vector_store %arg4[%swap3A_154, %swap3A_155], %broadcast_in_dim3A_153 {strides = array<i32>} : memref<8x128xi32, #tpu.memory_space<vmem>>, vector<8x128xi32>,
    %broadcast_in_dim3A_157 = vector.shape_cast %convert_element_type3A_150 : vector<1x128xi32> to vector<1x128xi32>
    %broadcast_in_dim3A_158 = vector.broadcast %broadcast_in_dim3A_157 : vector<1x128xi32> to vector<8x128xi32>
    %swap3A_159 = arith.constant 0 : index
    %swap3A_160 = arith.constant 0 : index
    %swap3A_161 = vector.load %arg5[%swap3A_159, %swap3A_160] : memref<8x128xi32, #tpu.memory_space<vmem>>, vector<8x128xi32>
    tpu.vector_store %arg5[%swap3A_159, %swap3A_160], %broadcast_in_dim3A_158 {strides = array<i32>} : memref<8x128xi32, #tpu.memory_space<vmem>>, vector<8x128xi32>,
    return
  }
}

module attributes {stable_mosaic.version = 14 : i64} {
  func.func @_gemm_body(%arg0: i32, %arg1: memref<128xi32, #tpu.memory_space<smem>>, %arg2: memref<128xi32, #tpu.memory_space<smem>>, %arg3: memref<128x1024xf32, #tpu.memory_space<vmem>>, %arg4: memref<1x512x1024xf32, #tpu.memory_space<vmem>>, %arg5: memref<1x512x1024xf32, #tpu.memory_space<vmem>>, %arg6: memref<1x1024x512xf32, #tpu.memory_space<vmem>>, %arg7: memref<128x1024xf32, #tpu.memory_space<vmem>>) attributes {dimension_semantics = [#tpu.dimension_semantics<arbitrary>], iteration_bounds = array<i64: 128>, scalar_prefetch = 2 : i64, scratch_operands = 0 : i64, tpu.core_type = #tpu.core_type<tc>, window_params = [{transform_indices = @transform_0, window_bounds = array<i64: 128, 1024>}, {transform_indices = @transform_1, window_bounds = array<i64: 1, 512, 1024>}, {transform_indices = @transform_2, window_bounds = array<i64: 1, 512, 1024>}, {transform_indices = @transform_3, window_bounds = array<i64: 1, 1024, 512>}, {transform_indices = @transform_4, window_bounds = array<i64: 128, 1024>}]} {
    %get3A = arith.index_cast %arg0 : i32 to index
    %get3A_0 = memref.load %arg2[%get3A] : memref<128xi32, #tpu.memory_space<smem>>
    %gt3A = arith.constant 0 : i32
    %gt3A_1 = arith.cmpi sgt, %get3A_0, %gt3A : i32
    %convert_element_type3A = arith.extui %gt3A_1 : i1 to i32
    %cond3A = arith.constant 0 : i32
    %cond3A_2 = arith.cmpi ne, %convert_element_type3A, %cond3A : i32
    scf.if %cond3A_2 {
      %get3A_3 = arith.constant 0 : index
      %get3A_4 = arith.constant 0 : index
      %get3A_5 = vector.load %arg3[%get3A_3, %get3A_4] : memref<128x1024xf32, #tpu.memory_space<vmem>>, vector<128x1024xf32>
      %convert_element_type3A_6 = arith.truncf %get3A_5 : vector<128x1024xf32> to vector<128x1024xbf16>
      %get3A_7 = arith.constant 0 : index
      %get3A_8 = arith.constant 0 : index
      %get3A_9 = arith.constant 0 : index
      %get3A_10 = vector.load %arg4[%get3A_7, %get3A_8, %get3A_9] : memref<1x512x1024xf32, #tpu.memory_space<vmem>>, vector<1x512x1024xf32>
      %get3A_11 = vector.shape_cast %get3A_10 : vector<1x512x1024xf32> to vector<512x1024xf32>
      %convert_element_type3A_12 = arith.truncf %get3A_11 : vector<512x1024xf32> to vector<512x1024xbf16>
      %get3A_13 = arith.constant 0 : index
      %get3A_14 = arith.constant 0 : index
      %get3A_15 = arith.constant 0 : index
      %get3A_16 = vector.load %arg5[%get3A_13, %get3A_14, %get3A_15] : memref<1x512x1024xf32, #tpu.memory_space<vmem>>, vector<1x512x1024xf32>
      %get3A_17 = vector.shape_cast %get3A_16 : vector<1x512x1024xf32> to vector<512x1024xf32>
      %convert_element_type3A_18 = arith.truncf %get3A_17 : vector<512x1024xf32> to vector<512x1024xbf16>
      %get3A_19 = arith.constant 0 : index
      %get3A_20 = arith.constant 0 : index
      %get3A_21 = arith.constant 0 : index
      %get3A_22 = vector.load %arg6[%get3A_19, %get3A_20, %get3A_21] : memref<1x1024x512xf32, #tpu.memory_space<vmem>>, vector<1x1024x512xf32>
      %get3A_23 = vector.shape_cast %get3A_22 : vector<1x1024x512xf32> to vector<1024x512xf32>
      %convert_element_type3A_24 = arith.truncf %get3A_23 : vector<1024x512xf32> to vector<1024x512xbf16>
      %dot_general3A = arith.constant dense<0.000000e+00> : vector<128x512xf32>
      %dot_general3A_25 = tpu.matmul %convert_element_type3A_6, %convert_element_type3A_12, %dot_general3A {dimension_numbers = #tpu.dot_dimension_numbers<[1], [1], [0], [0], [0, 0, 1, 0], [], []>, transpose_lhs_hint = false} : vector<128x1024xbf16>, vector<512x1024xbf16>, vector<128x512xf32> -> vector<128x512xf32>
      %dot_general3A_26 = arith.constant dense<0.000000e+00> : vector<128x512xf32>
      %dot_general3A_27 = tpu.matmul %convert_element_type3A_6, %convert_element_type3A_18, %dot_general3A_26 {dimension_numbers = #tpu.dot_dimension_numbers<[1], [1], [0], [0], [0, 0, 1, 0], [], []>, transpose_lhs_hint = false} : vector<128x1024xbf16>, vector<512x1024xbf16>, vector<128x512xf32> -> vector<128x512xf32>
      %logistic3A = arith.negf %dot_general3A_25 : vector<128x512xf32>
      %logistic3A_28 = math.exp %logistic3A : vector<128x512xf32>
      %logistic3A_29 = arith.constant 1.000000e+00 : f32
      %logistic3A_30 = vector.broadcast %logistic3A_29 : f32 to vector<128x512xf32>
      %logistic3A_31 = arith.addf %logistic3A_30, %logistic3A_28 : vector<128x512xf32>
      %logistic3A_32 = arith.divf %logistic3A_30, %logistic3A_31 : vector<128x512xf32>
      %mul3A = arith.mulf %dot_general3A_25, %logistic3A_32 : vector<128x512xf32>
      %mul3A_33 = arith.mulf %mul3A, %dot_general3A_27 : vector<128x512xf32>
      %convert_element_type3A_34 = arith.truncf %mul3A_33 : vector<128x512xf32> to vector<128x512xbf16>
      %dot_general3A_35 = arith.constant dense<0.000000e+00> : vector<128x1024xf32>
      %dot_general3A_36 = tpu.matmul %convert_element_type3A_34, %convert_element_type3A_24, %dot_general3A_35 {dimension_numbers = #tpu.dot_dimension_numbers<[1], [1], [0], [0], [0, 0, 1, 0], [], []>, transpose_lhs_hint = false} : vector<128x512xbf16>, vector<1024x512xbf16>, vector<128x1024xf32> -> vector<128x1024xf32>
      %iota3A = tpu.iota {dimensions = array<i32: 0>} : vector<128x1024xi32>
      %get3A_37 = arith.index_cast %arg0 : i32 to index
      %get3A_38 = memref.load %arg2[%get3A_37] : memref<128xi32, #tpu.memory_space<smem>>
      %lt3A = vector.broadcast %get3A_38 : i32 to vector<128x1024xi32>
      %lt3A_39 = arith.cmpi slt, %iota3A, %lt3A : vector<128x1024xi32>
      %jit3A = arith.constant 0.000000e+00 : f32
      %broadcast_in_dim3A = vector.broadcast %jit3A : f32 to vector<128x1024xf32>
      %select_n3A = arith.select %lt3A_39, %dot_general3A_36, %broadcast_in_dim3A : vector<128x1024xi1>, vector<128x1024xf32>
      %swap3A = arith.constant 0 : index
      %swap3A_40 = arith.constant 0 : index
      %swap3A_41 = vector.load %arg7[%swap3A, %swap3A_40] : memref<128x1024xf32, #tpu.memory_space<vmem>>, vector<128x1024xf32>
      tpu.vector_store %arg7[%swap3A, %swap3A_40], %select_n3A {strides = array<i32>} : memref<128x1024xf32, #tpu.memory_space<vmem>>, vector<128x1024xf32>,
    } else {
    }
    return
  }
  func.func @transform_0(%arg0: i32, %arg1: memref<128xi32, #tpu.memory_space<smem>>, %arg2: memref<128xi32, #tpu.memory_space<smem>>) -> (i32, i32) {
    %get3A = arith.index_cast %arg0 : i32 to index
    %get3A_0 = memref.load %arg2[%get3A] : memref<128xi32, #tpu.memory_space<smem>>
    %gt3A = arith.constant 0 : i32
    %gt3A_1 = arith.cmpi sgt, %get3A_0, %gt3A : i32
    %jit3A = arith.constant 0 : i32
    %select_n3A = arith.select %gt3A_1, %arg0, %jit3A : i32
    %c0_i32 = arith.constant 0 : i32
    %c0_i32_2 = arith.constant 0 : i32
    return %select_n3A, %c0_i32 : i32, i32
  }
  func.func @transform_1(%arg0: i32, %arg1: memref<128xi32, #tpu.memory_space<smem>>, %arg2: memref<128xi32, #tpu.memory_space<smem>>) -> (i32, i32, i32) {
    %get3A = arith.index_cast %arg0 : i32 to index
    %get3A_0 = memref.load %arg1[%get3A] : memref<128xi32, #tpu.memory_space<smem>>
    %c0_i32 = arith.constant 0 : i32
    %c0_i32_1 = arith.constant 0 : i32
    %c0_i32_2 = arith.constant 0 : i32
    return %get3A_0, %c0_i32, %c0_i32_1 : i32, i32, i32
  }
  func.func @transform_2(%arg0: i32, %arg1: memref<128xi32, #tpu.memory_space<smem>>, %arg2: memref<128xi32, #tpu.memory_space<smem>>) -> (i32, i32, i32) {
    %get3A = arith.index_cast %arg0 : i32 to index
    %get3A_0 = memref.load %arg1[%get3A] : memref<128xi32, #tpu.memory_space<smem>>
    %c0_i32 = arith.constant 0 : i32
    %c0_i32_1 = arith.constant 0 : i32
    %c0_i32_2 = arith.constant 0 : i32
    return %get3A_0, %c0_i32, %c0_i32_1 : i32, i32, i32
  }
  func.func @transform_3(%arg0: i32, %arg1: memref<128xi32, #tpu.memory_space<smem>>, %arg2: memref<128xi32, #tpu.memory_space<smem>>) -> (i32, i32, i32) {
    %get3A = arith.index_cast %arg0 : i32 to index
    %get3A_0 = memref.load %arg1[%get3A] : memref<128xi32, #tpu.memory_space<smem>>
    %c0_i32 = arith.constant 0 : i32
    %c0_i32_1 = arith.constant 0 : i32
    %c0_i32_2 = arith.constant 0 : i32
    return %get3A_0, %c0_i32, %c0_i32_1 : i32, i32, i32
  }
  func.func @transform_4(%arg0: i32, %arg1: memref<128xi32, #tpu.memory_space<smem>>, %arg2: memref<128xi32, #tpu.memory_space<smem>>) -> (i32, i32) {
    %c0_i32 = arith.constant 0 : i32
    %c0_i32_0 = arith.constant 0 : i32
    return %arg0, %c0_i32 : i32, i32
  }
}

module attributes {stable_mosaic.version = 14 : i64} {
  func.func @_comb_body(%arg0: i32, %arg1: memref<256x1024xf32, #tpu.memory_space<vmem>>, %arg2: memref<256x1024xf32, #tpu.memory_space<vmem>>, %arg3: memref<256x128xf32, #tpu.memory_space<vmem>>, %arg4: memref<256x1024xf32, #tpu.memory_space<vmem>>) attributes {dimension_semantics = [#tpu.dimension_semantics<arbitrary>], iteration_bounds = array<i64: 16>, scalar_prefetch = 0 : i64, scratch_operands = 0 : i64, tpu.core_type = #tpu.core_type<tc>, window_params = [{transform_indices = @transform_0, window_bounds = array<i64: 256, 1024>}, {transform_indices = @transform_1, window_bounds = array<i64: 256, 1024>}, {transform_indices = @transform_2, window_bounds = array<i64: 256, 128>}, {transform_indices = @transform_3, window_bounds = array<i64: 256, 1024>}]} {
    %get3A = arith.constant 0 : index
    %get3A_0 = arith.constant 0 : index
    %get3A_1 = vector.load %arg3[%get3A, %get3A_0] : memref<256x128xf32, #tpu.memory_space<vmem>>, vector<256x1xf32>
    %get3A_2 = arith.constant 0 : index
    %get3A_3 = arith.constant 1 : index
    %get3A_4 = vector.load %arg3[%get3A_2, %get3A_3] : memref<256x128xf32, #tpu.memory_space<vmem>>, vector<256x1xf32>
    %get3A_5 = arith.constant 0 : index
    %get3A_6 = arith.constant 0 : index
    %get3A_7 = vector.load %arg1[%get3A_5, %get3A_6] : memref<256x1024xf32, #tpu.memory_space<vmem>>, vector<256x1024xf32>
    %mul3A = vector.broadcast %get3A_1 : vector<256x1xf32> to vector<256x1024xf32>
    %mul3A_8 = arith.mulf %get3A_7, %mul3A : vector<256x1024xf32>
    %get3A_9 = arith.constant 0 : index
    %get3A_10 = arith.constant 0 : index
    %get3A_11 = vector.load %arg2[%get3A_9, %get3A_10] : memref<256x1024xf32, #tpu.memory_space<vmem>>, vector<256x1024xf32>
    %mul3A_12 = vector.broadcast %get3A_4 : vector<256x1xf32> to vector<256x1024xf32>
    %mul3A_13 = arith.mulf %get3A_11, %mul3A_12 : vector<256x1024xf32>
    %add3A = arith.addf %mul3A_8, %mul3A_13 : vector<256x1024xf32>
    %swap3A = arith.constant 0 : index
    %swap3A_14 = arith.constant 0 : index
    %swap3A_15 = vector.load %arg4[%swap3A, %swap3A_14] : memref<256x1024xf32, #tpu.memory_space<vmem>>, vector<256x1024xf32>
    tpu.vector_store %arg4[%swap3A, %swap3A_14], %add3A {strides = array<i32>} : memref<256x1024xf32, #tpu.memory_space<vmem>>, vector<256x1024xf32>,
    return
  }
  func.func @transform_0(%arg0: i32) -> (i32, i32) {
    %c0_i32 = arith.constant 0 : i32
    %c0_i32_0 = arith.constant 0 : i32
    return %arg0, %c0_i32 : i32, i32
  }
  func.func @transform_1(%arg0: i32) -> (i32, i32) {
    %c0_i32 = arith.constant 0 : i32
    %c0_i32_0 = arith.constant 0 : i32
    return %arg0, %c0_i32 : i32, i32
  }
  func.func @transform_2(%arg0: i32) -> (i32, i32) {
    %c0_i32 = arith.constant 0 : i32
    %c0_i32_0 = arith.constant 0 : i32
    return %arg0, %c0_i32 : i32, i32
  }
  func.func @transform_3(%arg0: i32) -> (i32, i32) {
    %c0_i32 = arith.constant 0 : i32
    %c0_i32_0 = arith.constant 0 : i32
    return %arg0, %c0_i32 : i32, i32
  }
}

</mosaic_0001>

<sc_bundles>
// kernel: kernel.10.cloned.1.call-start
scs
__scs_entry_jumppad:
0x0: {  	(pc) =	sbr.rel $0x88, $3  }
0x1: {  	(tag) =	ssettag $0x0;
	lr =	simm.s32 $0x1  }
0x2: {  	[smem:$0x3F9C] =	sst lr;
	_ =	strace $0xD0000000  }
0x3: {  	_ = 	snop  }
0x4: {  	_ = 	snop  }
0x5: {  	_ = 	snop  }
0x6: {  	_ = 	snop  }
0x7: {  	_ = 	snop  }
__scs_overlays_trampoline_lowered:
0x8: {  	[smem:$0x3FAB] =	sst s0  }
0x9: {  	[smem:$0x3FAC] =	sst s1  }
0xa: {  	[smem:$0x3FAD] =	sst s2  }
0xb: {  	[smem:$0x3FAE] =	sst s3  }
0xc: {  	[smem:$0x3FAF] =	sst s4  }
0xd: {  	[smem:$0x3FB0] =	sst s5  }
0xe: {  	[smem:$0x3FB1] =	sst s6  }
0xf: {  	[smem:$0x3FB2] =	sst s7  }
0x10: {  	[smem:$0x3FB3] =	sst s8  }
0x11: {  	[smem:$0x3FB4] =	sst s9;
	s0 =	simm.s32 @!p0 $0x0  }
0x12: {  	s1 =	sld [smem:$0x3F9A];
	s0 =	simm.s32 @p0 $0x1  }
0x13: {  	[smem:$0x3FB5] =	sst s0;
	s0 =	simm.s32 @!p1 $0x0  }
0x14: {  	s2 =	sld [smem:$0x3F99];
	s0 =	simm.s32 @p1 $0x1  }
0x15: {  	[smem:$0x3FB6] =	sst s0;
	s0 =	simm.s32 @!p2 $0x0  }
0x16: {  	s3 =	sld [smem:$0x3FDB];
	s0 =	simm.s32 @p2 $0x1  }
0x17: {  	s4 =	simm.s32 $0x1BF5;
	[smem:$0x3FB8] =	sst s0  }
0x18: {  	s0 =	sld [smem:$0x3F9B];
	_ =	swait.ge [sflag:s4], $0x0  }
0x19: {  	s7 =	sld [smem:$0x3F9C]  }
0x1a: {  	s8 =	sadd.s32 $0xFFFFE003, lr  }
0x1b: {  	s9 =	sadd.s32 $0xFFFFFEF7, lr;
	s5 =	simm.s32 $0xFFFFFFFF;
	p2 =	slt.u32 s8, $0xFFFFF086  }
0x1c: {  	p1 =	slt.u32 s9, $0xF7A;
	s5 =	simm.s32 @!p2 $0x0  }
0x1d: {  	s5 =	simm.s32 @p1 $0x1;
	p0 =	seq.s32 s7, s2  }
0x1e: {  	s7 =	smul.u32 @!p0 $0xF7A, s2;
	p2 =	seq.s32 @!p0 s5, $0x0  }
0x1f: {  	s9 =	smul.u32 $0xF7A, s1;
	s8 =	simm.s32 @!p0 $0x1BF5;
	p2 =	por !p2, p0  }
0x20: {  	[sflag:s8] =	ssyncset.s32 @!p0 $0xFFFFF086;
	s6 =	sadd.s32 @!p0 s3, s7;
	s7 =	simm.s32 @!p0 $0x108  }
0x21: {  	s3 =	sadd.s32 s3, s9;
	s6 =	sadd.s32 @!p0 $0x88, s6;
	s7 =	simm.s32 @p2 $0x1082  }
0x22: {  	[simem:s7], [sflag:s8] =	dma.local @!p0 [hbm:s6], $0xF7A  }
0x23: {  	s9 =	sor.u32 $0xD0000000, s2;
	s6 =	simm.s32 $0x108;
	_ =	swait.ge @!p0 [sflag:s8], $0x0  }
0x24: {  	s3 =	sadd.s32 $0x88, s3;
	s6 =	simm.s32 @!p1 $0x1082;
	[sflag:s4] =	ssyncset.s32 $0xFFFFF086  }
0x25: {  	[simem:s6], [sflag:s4] =	dma.local [hbm:s3], $0xF7A  }
0x26: {  	[smem:$0x3F9C] =	sst s1;
	(tag) =	ssettag s2;
	_ =	strace s9  }
0x27: {  	s1 =	sld [smem:$0x3FAC]  }
0x28: {  	s2 =	sld [smem:$0x3FAD]  }
0x29: {  	s4 =	sld [smem:$0x3FAF]  }
0x2a: {  	p0 =	seq.s32 s5, $0x0;
	s5 =	sld [smem:$0x3FB0]  }
0x2b: {  	s6 =	sld [smem:$0x3FB1]  }
0x2c: {  	s7 =	sld [smem:$0x3FB2]  }
0x2d: {  	s3 =	simm.s32 $0x108;
	s8 =	sld [smem:$0x3FB3]  }
0x2e: {  	s3 =	simm.s32 @!p0 $0x1082;
	s9 =	sld [smem:$0x3FB4]  }
0x2f: {  	lr =	sadd.s32 s0, s3;
	s0 =	sld [smem:$0x3FAB]  }
0x30: {  	s3 =	sld [smem:$0x3FAE]  }
0x31: {  	[smem:$0x3FB7] =	sst s10  }
0x32: {  	s10 =	sld [smem:$0x3FB5];
	_ =	sdelay $0x3  }
0x33: {  	p0 =	seq.s32 s10, $0x1;
	s10 =	sld [smem:$0x3FB7];
	_ =	sdelay $0x3  }
0x34: {  	[smem:$0x3FB7] =	sst s10  }
0x35: {  	s10 =	sld [smem:$0x3FB6];
	_ =	sdelay $0x3  }
0x36: {  	p1 =	seq.s32 s10, $0x1;
	s10 =	sld [smem:$0x3FB7];
	_ =	sdelay $0x3  }
0x37: {  	[smem:$0x3FB7] =	sst s10  }
0x38: {  	s10 =	sld [smem:$0x3FB8]  }
0x39: {  	_ = 	snop;
	(pc) =	sbr.ind lr, $3  }
0x3a: {  	_ = 	snop  }
0x3b: {  	_ = 	snop  }
0x3c: {  	p2 =	seq.s32 s10, $0x1;
	s10 =	sld [smem:$0x3FB7]  }
0x3d: {  	_ =	shalt  }
0x3e: {  	_ =	shalt  }
0x3f: {  	_ =	shalt  }
0x40: {  	_ =	shalt  }
0x41: {  	_ =	shalt  }
0x42: {  	_ =	shalt  }
0x43: {  	_ =	shalt  }
0x44: {  	_ =	shalt  }
0x45: {  	_ =	shalt  }
0x46: {  	_ =	shalt  }
0x47: {  	_ =	shalt  }
0x48: {  	_ =	shalt  }
0x49: {  	_ =	shalt  }
0x4a: {  	_ =	shalt  }
0x4b: {  	_ =	shalt  }
0x4c: {  	_ =	shalt  }
0x4d: {  	_ =	shalt  }
0x4e: {  	_ =	shalt  }
0x4f: {  	_ =	shalt  }
0x50: {  	_ =	shalt  }
0x51: {  	_ =	shalt  }
0x52: {  	_ =	shalt  }
0x53: {  	_ =	shalt  }
0x54: {  	_ =	shalt  }
0x55: {  	_ =	shalt  }
0x56: {  	_ =	shalt  }
0x57: {  	_ =	shalt  }
0x58: {  	_ =	shalt  }
0x59: {  	_ =	shalt  }
0x5a: {  	_ =	shalt  }
0x5b: {  	_ =	shalt  }
0x5c: {  	_ =	shalt  }
0x5d: {  	_ =	shalt  }
0x5e: {  	_ =	shalt  }
0x5f: {  	_ =	shalt  }
0x60: {  	_ =	shalt  }
0x61: {  	_ =	shalt  }
0x62: {  	_ =	shalt  }
0x63: {  	_ =	shalt  }
0x64: {  	_ =	shalt  }
0x65: {  	_ =	shalt  }
0x66: {  	_ =	shalt  }
0x67: {  	_ =	shalt  }
0x68: {  	_ =	shalt  }
0x69: {  	_ =	shalt  }
0x6a: {  	_ =	shalt  }
0x6b: {  	_ =	shalt  }
0x6c: {  	_ =	shalt  }
0x6d: {  	_ =	shalt  }
0x6e: {  	_ =	shalt  }
0x6f: {  	_ =	shalt  }
0x70: {  	_ =	shalt  }
0x71: {  	_ =	shalt  }
0x72: {  	_ =	shalt  }
0x73: {  	_ =	shalt  }
0x74: {  	_ =	shalt  }
0x75: {  	_ =	shalt  }
0x76: {  	_ =	shalt  }
0x77: {  	_ =	shalt  }
0x78: {  	_ =	shalt  }
0x79: {  	_ =	shalt  }
0x7a: {  	_ =	shalt  }
0x7b: {  	_ =	shalt  }
0x7c: {  	_ =	shalt  }
0x7d: {  	_ =	shalt  }
0x7e: {  	_ =	shalt  }
0x7f: {  	_ =	shalt  }
0x80: {  	_ =	shalt  }
0x81: {  	_ =	shalt  }
0x82: {  	_ =	shalt  }
0x83: {  	_ =	shalt  }
0x84: {  	_ =	shalt  }
0x85: {  	_ =	shalt  }
0x86: {  	_ =	shalt  }
0x87: {  	_ =	shalt  }
.Lfunc_end0:
.L_simem_size_0:
called_computation.1_lowered:
.L_overlay_start_0:
0x88: {  	s2 =	sld [smem:$0x3FD9]  }
0x89: {  	s3 =	sld [smem:$0x3FFE];
	_ =	sdelay $0x1  }
0x8a: {  	s1 =	srdreg.scid  }
0x8b: {  	s0 =	sand.u32 $0x1, s1  }
0x8c: {  	s17 =	sshll.u32 s0, $0xA;
	s2 =	sadd.s32 s3, s2  }
0x8d: {  	s2 =	sadd.s32 s2, s17  }
0x8e: {  	[smem:$0x3FC3] =	sst s2  }
0x8f: {  	_ = 	snop  }
0x90: {  	s2 =	sld [smem:$0x3FD0];
	(tm) =	ssettm $0x1  }
0x91: {  	s18 =	sld [smem:$0x3FFB];
	_ =	sdelay $0x3  }
0x92: {  	_ =	strace s18  }
0x93: {  	s3 =	sld [smem:$0x3FFC];
	_ =	sdelay $0x3  }
0x94: {  	_ =	strace s3  }
0x95: {  	s3 =	sld [smem:$0x3FFD];
	_ =	sdelay $0x3  }
0x96: {  	_ =	strace s3  }
0x97: {  	_ =	strace $0x8FFFFFFF  }
0x98: {  	s19 =	sld [smem:$0x3FDB];
	_ =	sdelay $0x1  }
0x99: {  	s4 =	simm.s32 $_scs_section_size  }
0x9a: {  	s5 =	simm.s32 $_size__tile_overlayer_lowered;
	s6 =	simm.s32 $_tile_overlayer_lowered  }
0x9b: {  	s22 =	simm.s32 $0x1BFF;
	s21 =	sshll.u32 s6, $0x1;
	s3 =	sadd.s32 s4, s19  }
0x9c: {  	s7 =	simm.s32 $0x0;
	s20 =	sshll.u32 s5, $0x1;
	s5 =	sadd.s32 s21, s3  }
0x9d: {  	[timem:s7], [sflag:s22] =	dma.local [hbm:s5], s20  }
0x9e: {  	_ =	swait.ge [sflag:s22], s20  }
0x9f: {  	s4 =	ssub.s32 $0x0, s20;
	[sflag:s22] =	ssyncset.done $0x0  }
0xa0: {  	[sflag:s22] =	ssyncadd.s32 s4;
	_ =	sdelay $0x1  }
0xa1: {  	s23 =	simm.s32 $0x1B8B  }
0xa2: {  	_ =	swait.ge [sflag:s23], $0x1  }
0xa3: {  	[sflag:s23] =	ssyncset.done $0x0  }
0xa4: {  	s25 =	simm.s32 $0x1B8E;
	s24 =	sld [smem:$0x3FFE];
	[sflag:s23] =	ssyncadd.s32 $0xFFFFFFFF  }
0xa5: {  	s26 =	simm.s32 $execute0_lowered;
	[smem:$0x3FD2] =	sst s25  }
0xa6: {  	s5 =	sshll.u32 s26, $0x1;
	_ =	strace $0x80000049;
	[dreg:$0x1] =	wrdreg $0xFFFFFFFF  }
0xa7: {  	s28 =	simm.s32 $_size_execute0_lowered;
	s3 =	sadd.s32 s3, s5;
	[dreg:$0x0] =	wrdreg $0x0  }
0xa8: {  	s5 =	sshll.u32 s28, $0x1;
	[dreg:$0x2] =	wrdreg s3  }
0xa9: {  	[dreg:$0x3] =	wrdreg s5  }
0xaa: {  	[dreg:$0x4] =	wrdreg $0xC0  }
0xab: {  	_ =	task [dreg:s7], $0x5FFFF  }
0xac: {  	[dreg:$0x1] =	wrdreg $0xFFFFFFFF  }
0xad: {  	[dreg:$0x0] =	wrdreg $0x60  }
0xae: {  	[dreg:$0x2] =	wrdreg s24  }
0xaf: {  	[dreg:$0x3] =	wrdreg s2  }
0xb0: {  	[dreg:$0x4] =	wrdreg $0x9  }
0xb1: {  	_ =	task.clear_ibuf [dreg:s7], $0x5FFFF;
	_ =	strace $0x90000049  }
0xb2: {  	s29 =	simm.s32 $0x9;
	_ =	strace $0x8000004B  }
0xb3: {  	_ =	swait.ge [sflag:s29], $0x1  }
0xb4: {  	[sflag:s29] =	ssyncadd.s32 $0xFFFFFFFF  }
0xb5: {  	_ =	strace $0x9000004B  }
0xb6: {  	_ =	sfence  }
0xb7: {  	s30 =	sld [smem:$0x0];
	_ =	sdelay $0x2  }
0xb8: {  	s31 =	sshll.u32 s1, $0xD;
	s1 =	sshrl.u32 s1, $0x2  }
0xb9: {  	s3 =	sand.u32 $0x4000, s31;
	s1 =	sadd.s32 s1, s30  }
0xba: {  	s0 =	sor.u32 s3, s0;
	s1 =	sshll.u32 s1, $0x11  }
0xbb: {  	s0 =	sor.u32 s1, s0  }
0xbc: {  	s0 =	sadd.s32 $0x8F2B, s0  }
0xbd: {  	[sflag:s0] =	ssyncadd.remote.s32 $0x1  }
0xbe: {  	_ =	sfence.sel $0xFFFF  }
0xbf: {  	[dreg:$0x0] =	wrdreg $0xFFFFFFFF;
	(pc) =	sbr.abs _section_cstart, $3  }
0xc0: {  	[dreg:$0x1] =	wrdreg $0xFFFFFFFF  }
0xc1: {  	_ =	task.clear_ibuf [dreg:s7], $0x2FFFF;
	_ =	strace $0x9FFFFFFF  }
0xc2: {  	(tm) =	ssettm $0x7FFFFFFF  }
0xc3: {  	_ =	shalt  }
tec
execute0_lowered:
.L_overlay_start_1:
0x0: {  	(tag) =	ssettag $0x1  }
0x1: {  	s0 =	rddreg [dreg:$0x0]  }
0x2: {  	s1 =	rddreg [dreg:$0x1];
	s3 =	srdreg.scid;
	s2 =	simm.s32 $0x0  }
0x3: {  	s5 =	stileid.u32;
	s4 =	sand.u32 $0x1, s3;
	[smem:$0x7FF] =	sst s2  }
0x4: {  	s28 =	sshll.u32 s5, $0x8;
	s3 =	sadd.s32 $0x212200, s0;
	s6 =	sadd.s32 $0x212000, s0  }
0x5: {  	s8 =	sadd.s32 $0x211E00, s0;
	s9 =	sadd.s32 $0x11E00, s0;
	s29 =	sshll.u32 s4, $0x7  }
0x6: {  	_ =	strace $0x8000004A;
	s4 =	ssub.s32 $0x2, s4;
	s5 =	sor.u32 s29, s28  }
0x7: {  	s7 =	sshrl.u32 s5, $0x3;
	s30 =	sshll.u32 s5, $0x7;
	s11 =	sor.u32 $0x20, s5  }
0x8: {  	s17 =	sor.u32 $0x40, s5;
	s5 =	sor.u32 $0x60, s5;
	s10 =	sadd.s32 s6, s7  }
0x9: {  	s7 =	sadd.s32 s8, s7;
	s31 =	sadd.s32 s1, s30;
	[dreg:$0x3] =	wrdreg s10  }
0xa: {  	s12 =	sshrl.u32 s11, $0x3;
	s15 =	sshll.u32 s11, $0x7;
	[dreg:$0x4] =	wrdreg s7  }
0xb: {  	s19 =	sshrl.u32 s17, $0x3;
	[dreg:$0x5] =	wrdreg s31;
	s10 =	sadd.s32 s9, s30  }
0xc: {  	s22 =	sshll.u32 s17, $0x7;
	s13 =	sadd.s32 s6, s12;
	[dreg:$0x6] =	wrdreg s10  }
0xd: {  	s25 =	sshrl.u32 s5, $0x3;
	s14 =	sadd.s32 s8, s12;
	[dreg:$0x7] =	wrdreg s13  }
0xe: {  	s16 =	sadd.s32 s1, s15;
	s18 =	sadd.s32 s9, s15;
	[dreg:$0x8] =	wrdreg s14  }
0xf: {  	s12 =	sshrl.u32 s4, $0x1;
	s20 =	sadd.s32 s6, s19;
	[dreg:$0x9] =	wrdreg s16  }
0x10: {  	s21 =	sadd.s32 s8, s19;
	s23 =	sadd.s32 s1, s22;
	[dreg:$0xa] =	wrdreg s18  }
0x11: {  	s24 =	sadd.s32 s9, s22;
	s28 =	sadd.s32 s6, s25;
	[dreg:$0xb] =	wrdreg s20  }
0x12: {  	s29 =	sadd.s32 s8, s25;
	s30 =	sshll.u32 s5, $0x7;
	[dreg:$0xc] =	wrdreg s21  }
0x13: {  	s5 =	sadd.s32 $0x212400, s0;
	s6 =	sadd.s32 $0x212500, s0;
	[dreg:$0xd] =	wrdreg s23  }
0x14: {  	s8 =	simm.s32 $0x3;
	s22 =	simm.s32 $0x100;
	[dreg:$0xe] =	wrdreg s24  }
0x15: {  	s19 =	simm.s32 $0x1;
	s26 =	ssub.s32 s4, s12;
	[dreg:$0xf] =	wrdreg s28  }
0x16: {  	v2 =	vlaneseq.u32;
	s4 =	sadd.s32 $0x212300, s0;
	[dreg:$0x10] =	wrdreg s29;
	s1 =	sadd.s32 s1, s30  }
0x17: {  	vm0 =	vmmov $0xffff;
	v1 =	vshrl.u32 v2, $0x3;
	s31 =	sadd.s32 s9, s30;
	s20 =	simm.s32 $0x2;
	[dreg:$0x11] =	wrdreg s1  }
0x18: {  	v0 =	vand.u32 $0x7, v2;
	v2 =	vor.u32 $0x8, v2;
	v1 =	vmul.u32 $0x8, v1;
	[dreg:$0x12] =	wrdreg s31;
	s7 =	smax.u32 s26, $0x1;
	s26 =	simm.s32 $0x8100  }
.LBB2_1:
0x19: {  	s21 =	rddreg [dreg:$0x3]  }
0x1a: {  	[tilespmem:s2], [sflag:$0x3] =	stream.linear.gather [hbm4b:s21+s2], $0x20, $0x38;
	[tilespmem:$0x10100] =	vst v63  }
0x1b: {  	_ =	swait.ge [sflag:s8], $0x20  }
0x1c: {  	[sflag:s8] =	ssyncset.done $0x0  }
0x1d: {  	s0 =	simm.s32 $0x80;
	s30 =	rddreg [dreg:$0x4];
	[sflag:s8] =	ssyncadd.s32 $0xFFFFFFE0  }
0x1e: {  	[tilespmem:s0], [sflag:$0x3] =	stream.linear.gather [hbm4b:s30+s2], $0x20, $0x38;
	[tilespmem:$0x10100] =	vst v63  }
0x1f: {  	_ =	swait.ge [sflag:s8], $0x20  }
0x20: {  	[sflag:s8] =	ssyncset.done $0x0  }
0x21: {  	[sflag:s8] =	ssyncadd.s32 $0xFFFFFFE0  }
0x22: {  	v3 =	vld [tilespmem:$0x0];
	_ =	sdelay $0x4  }
0x23: {  	v4 =	vshll.u32 v3, $0x3  }
0x24: {  	v3 =	vand.u32 $0x7, v3;
	v4 =	vand.u32 $0xFFFFFFC0, v4  }
0x25: {  	v3 =	vor.u32 v3, v4  }
0x26: {  	v4 =	vperm.xlane v3, v0;
	_ =	sdelay $0x1  }
0x27: {  	v4 =	vadd.s32 v1, v4;
	_ =	sdelay $0x4  }
0x28: {  	[tilespmem:s22], [sflag:$0x1] =	stream.indirect_vreg.gather [hbm4b:s3+s2], $0x80, v4, vm0, $0xb8;
	[tilespmem:$0x10100] =	vst v63  }
0x29: {  	s31 =	simm.s32 $0x900;
	v3 =	vperm.xlane v3, v2  }
0x2a: {  	[tilespmem:s31], [sflag:$0x1] =	stream.indirect_vreg.gather [hbm4b:s4+s2], $0x80, v4, vm0, $0xb8;
	[tilespmem:$0x10100] =	vst v63  }
0x2b: {  	s1 =	simm.s32 $0x1100;
	v3 =	vadd.s32 v1, v3  }
0x2c: {  	[tilespmem:s1], [sflag:$0x1] =	stream.indirect_vreg.gather [hbm4b:s5+s2], $0x80, v4, vm0, $0xb8;
	[tilespmem:$0x10100] =	vst v63  }
0x2d: {  	s9 =	simm.s32 $0x1900  }
0x2e: {  	[tilespmem:s9], [sflag:$0x1] =	stream.indirect_vreg.gather [hbm4b:s6+s2], $0x80, v4, vm0, $0xb8;
	[tilespmem:$0x10100] =	vst v63  }
0x2f: {  	s10 =	simm.s32 $0x2100  }
0x30: {  	[tilespmem:s10], [sflag:$0x1] =	stream.indirect_vreg.gather [hbm4b:s3+s2], $0x80, v3, vm0, $0xb8;
	[tilespmem:$0x10100] =	vst v63  }
0x31: {  	s11 =	simm.s32 $0x2900  }
0x32: {  	[tilespmem:s11], [sflag:$0x1] =	stream.indirect_vreg.gather [hbm4b:s4+s2], $0x80, v3, vm0, $0xb8;
	[tilespmem:$0x10100] =	vst v63  }
0x33: {  	s12 =	simm.s32 $0x3100  }
0x34: {  	[tilespmem:s12], [sflag:$0x1] =	stream.indirect_vreg.gather [hbm4b:s5+s2], $0x80, v3, vm0, $0xb8;
	[tilespmem:$0x10100] =	vst v63  }
0x35: {  	s15 =	simm.s32 $0x3900  }
0x36: {  	[tilespmem:s15], [sflag:$0x1] =	stream.indirect_vreg.gather [hbm4b:s6+s2], $0x80, v3, vm0, $0xb8;
	[tilespmem:$0x10100] =	vst v63  }
0x37: {  	v3 =	vld [tilespmem:$0x10];
	_ =	sdelay $0x4  }
0x38: {  	v49 =	vshll.u32 v3, $0x3  }
0x39: {  	v3 =	vand.u32 $0x7, v3;
	v4 =	vand.u32 $0xFFFFFFC0, v49  }
0x3a: {  	v3 =	vor.u32 v3, v4  }
0x3b: {  	v4 =	vperm.xlane v3, v0;
	_ =	sdelay $0x1  }
0x3c: {  	v4 =	vadd.s32 v1, v4;
	_ =	sdelay $0x3  }
0x3d: {  	s16 =	simm.s32 $0x4100  }
0x3e: {  	[tilespmem:s16], [sflag:$0x1] =	stream.indirect_vreg.gather [hbm4b:s3+s2], $0x80, v4, vm0, $0xb8;
	[tilespmem:$0x10100] =	vst v63  }
0x3f: {  	s17 =	simm.s32 $0x4900;
	v3 =	vperm.xlane v3, v2  }
0x40: {  	[tilespmem:s17], [sflag:$0x1] =	stream.indirect_vreg.gather [hbm4b:s4+s2], $0x80, v4, vm0, $0xb8;
	[tilespmem:$0x10100] =	vst v63  }
0x41: {  	s18 =	simm.s32 $0x5100;
	v3 =	vadd.s32 v1, v3  }
0x42: {  	[tilespmem:s18], [sflag:$0x1] =	stream.indirect_vreg.gather [hbm4b:s5+s2], $0x80, v4, vm0, $0xb8;
	[tilespmem:$0x10100] =	vst v63  }
0x43: {  	s21 =	simm.s32 $0x5900  }
0x44: {  	[tilespmem:s21], [sflag:$0x1] =	stream.indirect_vreg.gather [hbm4b:s6+s2], $0x80, v4, vm0, $0xb8;
	[tilespmem:$0x10100] =	vst v63  }
0x45: {  	s23 =	simm.s32 $0x6100  }
0x46: {  	[tilespmem:s23], [sflag:$0x1] =	stream.indirect_vreg.gather [hbm4b:s3+s2], $0x80, v3, vm0, $0xb8;
	[tilespmem:$0x10100] =	vst v63  }
0x47: {  	s24 =	simm.s32 $0x6900  }
0x48: {  	[tilespmem:s24], [sflag:$0x1] =	stream.indirect_vreg.gather [hbm4b:s4+s2], $0x80, v3, vm0, $0xb8;
	[tilespmem:$0x10100] =	vst v63  }
0x49: {  	s25 =	simm.s32 $0x7100  }
0x4a: {  	[tilespmem:s25], [sflag:$0x1] =	stream.indirect_vreg.gather [hbm4b:s5+s2], $0x80, v3, vm0, $0xb8;
	[tilespmem:$0x10100] =	vst v63  }
0x4b: {  	s28 =	simm.s32 $0x7900  }
0x4c: {  	[tilespmem:s28], [sflag:$0x1] =	stream.indirect_vreg.gather [hbm4b:s6+s2], $0x80, v3, vm0, $0xb8;
	[tilespmem:$0x10100] =	vst v63  }
0x4d: {  	v3 =	vld [tilespmem:$0x80];
	_ =	sdelay $0x4  }
0x4e: {  	v50 =	vshll.u32 v3, $0x3  }
0x4f: {  	v3 =	vand.u32 $0x7, v3;
	v4 =	vand.u32 $0xFFFFFFC0, v50  }
0x50: {  	v3 =	vor.u32 v3, v4  }
0x51: {  	v4 =	vperm.xlane v3, v0;
	_ =	sdelay $0x1  }
0x52: {  	v4 =	vadd.s32 v1, v4;
	_ =	sdelay $0x4  }
0x53: {  	[tilespmem:s26], [sflag:$0x2] =	stream.indirect_vreg.gather [hbm4b:s3+s2], $0x80, v4, vm0, $0xb8;
	[tilespmem:$0x10100] =	vst v63  }
0x54: {  	s29 =	simm.s32 $0x8900;
	v3 =	vperm.xlane v3, v2  }
0x55: {  	[tilespmem:s29], [sflag:$0x2] =	stream.indirect_vreg.gather [hbm4b:s4+s2], $0x80, v4, vm0, $0xb8;
	[tilespmem:$0x10100] =	vst v63  }
0x56: {  	s30 =	simm.s32 $0x9100;
	v3 =	vadd.s32 v1, v3  }
0x57: {  	[tilespmem:s30], [sflag:$0x2] =	stream.indirect_vreg.gather [hbm4b:s5+s2], $0x80, v4, vm0, $0xb8;
	[tilespmem:$0x10100] =	vst v63  }
0x58: {  	s31 =	simm.s32 $0x9900  }
0x59: {  	[tilespmem:s31], [sflag:$0x2] =	stream.indirect_vreg.gather [hbm4b:s6+s2], $0x80, v4, vm0, $0xb8;
	[tilespmem:$0x10100] =	vst v63  }
0x5a: {  	s0 =	simm.s32 $0xA100  }
0x5b: {  	[tilespmem:s0], [sflag:$0x2] =	stream.indirect_vreg.gather [hbm4b:s3+s2], $0x80, v3, vm0, $0xb8;
	[tilespmem:$0x10100] =	vst v63  }
0x5c: {  	s16 =	simm.s32 $0xA900  }
0x5d: {  	[tilespmem:s16], [sflag:$0x2] =	stream.indirect_vreg.gather [hbm4b:s4+s2], $0x80, v3, vm0, $0xb8;
	[tilespmem:$0x10100] =	vst v63  }
0x5e: {  	s17 =	simm.s32 $0xB100  }
0x5f: {  	[tilespmem:s17], [sflag:$0x2] =	stream.indirect_vreg.gather [hbm4b:s5+s2], $0x80, v3, vm0, $0xb8;
	[tilespmem:$0x10100] =	vst v63  }
0x60: {  	s18 =	simm.s32 $0xB900  }
0x61: {  	[tilespmem:s18], [sflag:$0x2] =	stream.indirect_vreg.gather [hbm4b:s6+s2], $0x80, v3, vm0, $0xb8;
	[tilespmem:$0x10100] =	vst v63  }
0x62: {  	v3 =	vld [tilespmem:$0x90];
	_ =	sdelay $0x4  }
0x63: {  	v51 =	vshll.u32 v3, $0x3  }
0x64: {  	v3 =	vand.u32 $0x7, v3;
	v4 =	vand.u32 $0xFFFFFFC0, v51  }
0x65: {  	v3 =	vor.u32 v3, v4  }
0x66: {  	v4 =	vperm.xlane v3, v0;
	_ =	sdelay $0x1  }
0x67: {  	v4 =	vadd.s32 v1, v4;
	_ =	sdelay $0x3  }
0x68: {  	s23 =	simm.s32 $0xC100  }
0x69: {  	[tilespmem:s23], [sflag:$0x2] =	stream.indirect_vreg.gather [hbm4b:s3+s2], $0x80, v4, vm0, $0xb8;
	[tilespmem:$0x10100] =	vst v63  }
0x6a: {  	s24 =	simm.s32 $0xC900;
	v3 =	vperm.xlane v3, v2  }
0x6b: {  	[tilespmem:s24], [sflag:$0x2] =	stream.indirect_vreg.gather [hbm4b:s4+s2], $0x80, v4, vm0, $0xb8;
	[tilespmem:$0x10100] =	vst v63  }
0x6c: {  	s30 =	simm.s32 $0xD100;
	v3 =	vadd.s32 v1, v3  }
0x6d: {  	[tilespmem:s30], [sflag:$0x2] =	stream.indirect_vreg.gather [hbm4b:s5+s2], $0x80, v4, vm0, $0xb8;
	[tilespmem:$0x10100] =	vst v63  }
0x6e: {  	s0 =	simm.s32 $0xD900  }
0x6f: {  	[tilespmem:s0], [sflag:$0x2] =	stream.indirect_vreg.gather [hbm4b:s6+s2], $0x80, v4, vm0, $0xb8;
	[tilespmem:$0x10100] =	vst v63  }
0x70: {  	s16 =	simm.s32 $0xE100  }
0x71: {  	[tilespmem:s16], [sflag:$0x2] =	stream.indirect_vreg.gather [hbm4b:s3+s2], $0x80, v3, vm0, $0xb8;
	[tilespmem:$0x10100] =	vst v63  }
0x72: {  	s24 =	simm.s32 $0xE900  }
0x73: {  	[tilespmem:s24], [sflag:$0x2] =	stream.indirect_vreg.gather [hbm4b:s4+s2], $0x80, v3, vm0, $0xb8;
	[tilespmem:$0x10100] =	vst v63  }
0x74: {  	s30 =	simm.s32 $0xF100  }
0x75: {  	[tilespmem:s30], [sflag:$0x2] =	stream.indirect_vreg.gather [hbm4b:s5+s2], $0x80, v3, vm0, $0xb8;
	[tilespmem:$0x10100] =	vst v63  }
0x76: {  	s0 =	simm.s32 $0xF900  }
0x77: {  	[tilespmem:s0], [sflag:$0x2] =	stream.indirect_vreg.gather [hbm4b:s6+s2], $0x80, v3, vm0, $0xb8;
	[tilespmem:$0x10100] =	vst v63  }
0x78: {  	_ =	swait.ge [sflag:s19], $0x8000  }
0x79: {  	[sflag:s19] =	ssyncset.done $0x0  }
0x7a: {  	s16 =	rddreg [dreg:$0x5];
	[sflag:s19] =	ssyncadd.s32 $0xFFFF8000  }
0x7b: {  	[hbm4b:s16+s2] =	stream.linear.scatter [tilespmem:s22], [sflag:$0x3], $0x8000, $0x38;
	[tilespmem:$0x10100] =	vst v63  }
0x7c: {  	_ =	swait.ge [sflag:s8], $0x8000  }
0x7d: {  	[sflag:s8] =	ssyncset.done $0x0  }
0x7e: {  	[sflag:s8] =	ssyncadd.s32 $0xFFFF8000  }
0x7f: {  	_ =	swait.ge [sflag:s20], $0x8000  }
0x80: {  	[sflag:s20] =	ssyncset.done $0x0  }
0x81: {  	s30 =	rddreg [dreg:$0x6];
	[sflag:s20] =	ssyncadd.s32 $0xFFFF8000  }
0x82: {  	[hbm4b:s30+s2] =	stream.linear.scatter [tilespmem:s26], [sflag:$0x3], $0x8000, $0x38;
	[tilespmem:$0x10100] =	vst v63  }
0x83: {  	_ =	swait.ge [sflag:s8], $0x8000  }
0x84: {  	[sflag:s8] =	ssyncset.done $0x0  }
0x85: {  	s0 =	rddreg [dreg:$0x7];
	[sflag:s8] =	ssyncadd.s32 $0xFFFF8000  }
0x86: {  	[tilespmem:s2], [sflag:$0x3] =	stream.linear.gather [hbm4b:s0+s2], $0x20, $0x38;
	[tilespmem:$0x10100] =	vst v63  }
0x87: {  	_ =	swait.ge [sflag:s8], $0x20  }
0x88: {  	[sflag:s8] =	ssyncset.done $0x0  }
0x89: {  	s13 =	simm.s32 $0x80;
	s16 =	rddreg [dreg:$0x8];
	[sflag:s8] =	ssyncadd.s32 $0xFFFFFFE0  }
0x8a: {  	[tilespmem:s13], [sflag:$0x3] =	stream.linear.gather [hbm4b:s16+s2], $0x20, $0x38;
	[tilespmem:$0x10100] =	vst v63  }
0x8b: {  	_ =	swait.ge [sflag:s8], $0x20  }
0x8c: {  	[sflag:s8] =	ssyncset.done $0x0  }
0x8d: {  	[sflag:s8] =	ssyncadd.s32 $0xFFFFFFE0  }
0x8e: {  	v3 =	vld [tilespmem:$0x0];
	_ =	sdelay $0x4  }
0x8f: {  	v52 =	vshll.u32 v3, $0x3  }
0x90: {  	v3 =	vand.u32 $0x7, v3;
	v4 =	vand.u32 $0xFFFFFFC0, v52  }
0x91: {  	v3 =	vor.u32 v3, v4  }
0x92: {  	v4 =	vperm.xlane v3, v0;
	_ =	sdelay $0x1  }
0x93: {  	v4 =	vadd.s32 v1, v4;
	_ =	sdelay $0x4  }
0x94: {  	[tilespmem:s22], [sflag:$0x1] =	stream.indirect_vreg.gather [hbm4b:s3+s2], $0x80, v4, vm0, $0xb8;
	[tilespmem:$0x10100] =	vst v63  }
0x95: {  	s14 =	simm.s32 $0x900;
	v3 =	vperm.xlane v3, v2  }
0x96: {  	[tilespmem:s14], [sflag:$0x1] =	stream.indirect_vreg.gather [hbm4b:s4+s2], $0x80, v4, vm0, $0xb8;
	[tilespmem:$0x10100] =	vst v63  }
0x97: {  	s1 =	simm.s32 $0x1100;
	v3 =	vadd.s32 v1, v3  }
0x98: {  	[tilespmem:s1], [sflag:$0x1] =	stream.indirect_vreg.gather [hbm4b:s5+s2], $0x80, v4, vm0, $0xb8;
	[tilespmem:$0x10100] =	vst v63  }
0x99: {  	s9 =	simm.s32 $0x1900  }
0x9a: {  	[tilespmem:s9], [sflag:$0x1] =	stream.indirect_vreg.gather [hbm4b:s6+s2], $0x80, v4, vm0, $0xb8;
	[tilespmem:$0x10100] =	vst v63  }
0x9b: {  	s10 =	simm.s32 $0x2100  }
0x9c: {  	[tilespmem:s10], [sflag:$0x1] =	stream.indirect_vreg.gather [hbm4b:s3+s2], $0x80, v3, vm0, $0xb8;
	[tilespmem:$0x10100] =	vst v63  }
0x9d: {  	s11 =	simm.s32 $0x2900  }
0x9e: {  	[tilespmem:s11], [sflag:$0x1] =	stream.indirect_vreg.gather [hbm4b:s4+s2], $0x80, v3, vm0, $0xb8;
	[tilespmem:$0x10100] =	vst v63  }
0x9f: {  	s12 =	simm.s32 $0x3100  }
0xa0: {  	[tilespmem:s12], [sflag:$0x1] =	stream.indirect_vreg.gather [hbm4b:s5+s2], $0x80, v3, vm0, $0xb8;
	[tilespmem:$0x10100] =	vst v63  }
0xa1: {  	s15 =	simm.s32 $0x3900  }
0xa2: {  	[tilespmem:s15], [sflag:$0x1] =	stream.indirect_vreg.gather [hbm4b:s6+s2], $0x80, v3, vm0, $0xb8;
	[tilespmem:$0x10100] =	vst v63  }
0xa3: {  	v3 =	vld [tilespmem:$0x10];
	_ =	sdelay $0x4  }
0xa4: {  	v53 =	vshll.u32 v3, $0x3  }
0xa5: {  	v3 =	vand.u32 $0x7, v3;
	v4 =	vand.u32 $0xFFFFFFC0, v53  }
0xa6: {  	v3 =	vor.u32 v3, v4  }
0xa7: {  	v4 =	vperm.xlane v3, v0;
	_ =	sdelay $0x1  }
0xa8: {  	v4 =	vadd.s32 v1, v4;
	_ =	sdelay $0x3  }
0xa9: {  	s13 =	simm.s32 $0x4100  }
0xaa: {  	[tilespmem:s13], [sflag:$0x1] =	stream.indirect_vreg.gather [hbm4b:s3+s2], $0x80, v4, vm0, $0xb8;
	[tilespmem:$0x10100] =	vst v63  }
0xab: {  	s14 =	simm.s32 $0x4900;
	v3 =	vperm.xlane v3, v2  }
0xac: {  	[tilespmem:s14], [sflag:$0x1] =	stream.indirect_vreg.gather [hbm4b:s4+s2], $0x80, v4, vm0, $0xb8;
	[tilespmem:$0x10100] =	vst v63  }
0xad: {  	s0 =	simm.s32 $0x5100;
	v3 =	vadd.s32 v1, v3  }
0xae: {  	[tilespmem:s0], [sflag:$0x1] =	stream.indirect_vreg.gather [hbm4b:s5+s2], $0x80, v4, vm0, $0xb8;
	[tilespmem:$0x10100] =	vst v63  }
0xaf: {  	s1 =	simm.s32 $0x5900  }
0xb0: {  	[tilespmem:s1], [sflag:$0x1] =	stream.indirect_vreg.gather [hbm4b:s6+s2], $0x80, v4, vm0, $0xb8;
	[tilespmem:$0x10100] =	vst v63  }
0xb1: {  	s9 =	simm.s32 $0x6100  }
0xb2: {  	[tilespmem:s9], [sflag:$0x1] =	stream.indirect_vreg.gather [hbm4b:s3+s2], $0x80, v3, vm0, $0xb8;
	[tilespmem:$0x10100] =	vst v63  }
0xb3: {  	s10 =	simm.s32 $0x6900  }
0xb4: {  	[tilespmem:s10], [sflag:$0x1] =	stream.indirect_vreg.gather [hbm4b:s4+s2], $0x80, v3, vm0, $0xb8;
	[tilespmem:$0x10100] =	vst v63  }
0xb5: {  	s11 =	simm.s32 $0x7100  }
0xb6: {  	[tilespmem:s11], [sflag:$0x1] =	stream.indirect_vreg.gather [hbm4b:s5+s2], $0x80, v3, vm0, $0xb8;
	[tilespmem:$0x10100] =	vst v63  }
0xb7: {  	s15 =	simm.s32 $0x7900  }
0xb8: {  	[tilespmem:s15], [sflag:$0x1] =	stream.indirect_vreg.gather [hbm4b:s6+s2], $0x80, v3, vm0, $0xb8;
	[tilespmem:$0x10100] =	vst v63  }
0xb9: {  	v3 =	vld [tilespmem:$0x80];
	_ =	sdelay $0x4  }
0xba: {  	v54 =	vshll.u32 v3, $0x3  }
0xbb: {  	v3 =	vand.u32 $0x7, v3;
	v4 =	vand.u32 $0xFFFFFFC0, v54  }
0xbc: {  	v3 =	vor.u32 v3, v4  }
0xbd: {  	v4 =	vperm.xlane v3, v0;
	_ =	sdelay $0x1  }
0xbe: {  	v4 =	vadd.s32 v1, v4;
	_ =	sdelay $0x4  }
0xbf: {  	[tilespmem:s26], [sflag:$0x2] =	stream.indirect_vreg.gather [hbm4b:s3+s2], $0x80, v4, vm0, $0xb8;
	[tilespmem:$0x10100] =	vst v63  }
0xc0: {  	s16 =	simm.s32 $0x8900;
	v3 =	vperm.xlane v3, v2  }
0xc1: {  	[tilespmem:s16], [sflag:$0x2] =	stream.indirect_vreg.gather [hbm4b:s4+s2], $0x80, v4, vm0, $0xb8;
	[tilespmem:$0x10100] =	vst v63  }
0xc2: {  	s12 =	simm.s32 $0x9100;
	v3 =	vadd.s32 v1, v3  }
0xc3: {  	[tilespmem:s12], [sflag:$0x2] =	stream.indirect_vreg.gather [hbm4b:s5+s2], $0x80, v4, vm0, $0xb8;
	[tilespmem:$0x10100] =	vst v63  }
0xc4: {  	s25 =	simm.s32 $0x9900  }
0xc5: {  	[tilespmem:s25], [sflag:$0x2] =	stream.indirect_vreg.gather [hbm4b:s6+s2], $0x80, v4, vm0, $0xb8;
	[tilespmem:$0x10100] =	vst v63  }
0xc6: {  	s31 =	simm.s32 $0xA100  }
0xc7: {  	[tilespmem:s31], [sflag:$0x2] =	stream.indirect_vreg.gather [hbm4b:s3+s2], $0x80, v3, vm0, $0xb8;
	[tilespmem:$0x10100] =	vst v63  }
0xc8: {  	s28 =	simm.s32 $0xA900  }
0xc9: {  	[tilespmem:s28], [sflag:$0x2] =	stream.indirect_vreg.gather [hbm4b:s4+s2], $0x80, v3, vm0, $0xb8;
	[tilespmem:$0x10100] =	vst v63  }
0xca: {  	s29 =	simm.s32 $0xB100  }
0xcb: {  	[tilespmem:s29], [sflag:$0x2] =	stream.indirect_vreg.gather [hbm4b:s5+s2], $0x80, v3, vm0, $0xb8;
	[tilespmem:$0x10100] =	vst v63  }
0xcc: {  	s17 =	simm.s32 $0xB900  }
0xcd: {  	[tilespmem:s17], [sflag:$0x2] =	stream.indirect_vreg.gather [hbm4b:s6+s2], $0x80, v3, vm0, $0xb8;
	[tilespmem:$0x10100] =	vst v63  }
0xce: {  	v3 =	vld [tilespmem:$0x90];
	_ =	sdelay $0x4  }
0xcf: {  	v55 =	vshll.u32 v3, $0x3  }
0xd0: {  	v3 =	vand.u32 $0x7, v3;
	v4 =	vand.u32 $0xFFFFFFC0, v55  }
0xd1: {  	v3 =	vor.u32 v3, v4  }
0xd2: {  	v4 =	vperm.xlane v3, v0;
	_ =	sdelay $0x1  }
0xd3: {  	v4 =	vadd.s32 v1, v4;
	_ =	sdelay $0x3  }
0xd4: {  	s18 =	simm.s32 $0xC100  }
0xd5: {  	[tilespmem:s18], [sflag:$0x2] =	stream.indirect_vreg.gather [hbm4b:s3+s2], $0x80, v4, vm0, $0xb8;
	[tilespmem:$0x10100] =	vst v63  }
0xd6: {  	s23 =	simm.s32 $0xC900;
	v3 =	vperm.xlane v3, v2  }
0xd7: {  	[tilespmem:s23], [sflag:$0x2] =	stream.indirect_vreg.gather [hbm4b:s4+s2], $0x80, v4, vm0, $0xb8;
	[tilespmem:$0x10100] =	vst v63  }
0xd8: {  	s21 =	simm.s32 $0xD100;
	v3 =	vadd.s32 v1, v3  }
0xd9: {  	[tilespmem:s21], [sflag:$0x2] =	stream.indirect_vreg.gather [hbm4b:s5+s2], $0x80, v4, vm0, $0xb8;
	[tilespmem:$0x10100] =	vst v63  }
0xda: {  	s23 =	simm.s32 $0xD900  }
0xdb: {  	[tilespmem:s23], [sflag:$0x2] =	stream.indirect_vreg.gather [hbm4b:s6+s2], $0x80, v4, vm0, $0xb8;
	[tilespmem:$0x10100] =	vst v63  }
0xdc: {  	s31 =	simm.s32 $0xE100  }
0xdd: {  	[tilespmem:s31], [sflag:$0x2] =	stream.indirect_vreg.gather [hbm4b:s3+s2], $0x80, v3, vm0, $0xb8;
	[tilespmem:$0x10100] =	vst v63  }
0xde: {  	s21 =	simm.s32 $0xE900  }
0xdf: {  	[tilespmem:s21], [sflag:$0x2] =	stream.indirect_vreg.gather [hbm4b:s4+s2], $0x80, v3, vm0, $0xb8;
	[tilespmem:$0x10100] =	vst v63  }
0xe0: {  	s21 =	simm.s32 $0xF100  }
0xe1: {  	[tilespmem:s21], [sflag:$0x2] =	stream.indirect_vreg.gather [hbm4b:s5+s2], $0x80, v3, vm0, $0xb8;
	[tilespmem:$0x10100] =	vst v63  }
0xe2: {  	s24 =	simm.s32 $0xF900  }
0xe3: {  	[tilespmem:s24], [sflag:$0x2] =	stream.indirect_vreg.gather [hbm4b:s6+s2], $0x80, v3, vm0, $0xb8;
	[tilespmem:$0x10100] =	vst v63  }
0xe4: {  	_ =	swait.ge [sflag:s19], $0x8000  }
0xe5: {  	[sflag:s19] =	ssyncset.done $0x0  }
0xe6: {  	s24 =	rddreg [dreg:$0x9];
	[sflag:s19] =	ssyncadd.s32 $0xFFFF8000  }
0xe7: {  	[hbm4b:s24+s2] =	stream.linear.scatter [tilespmem:s22], [sflag:$0x3], $0x8000, $0x38;
	[tilespmem:$0x10100] =	vst v63  }
0xe8: {  	_ =	swait.ge [sflag:s8], $0x8000  }
0xe9: {  	[sflag:s8] =	ssyncset.done $0x0  }
0xea: {  	[sflag:s8] =	ssyncadd.s32 $0xFFFF8000  }
0xeb: {  	_ =	swait.ge [sflag:s20], $0x8000  }
0xec: {  	[sflag:s20] =	ssyncset.done $0x0  }
0xed: {  	s17 =	rddreg [dreg:$0xa];
	[sflag:s20] =	ssyncadd.s32 $0xFFFF8000  }
0xee: {  	[hbm4b:s17+s2] =	stream.linear.scatter [tilespmem:s26], [sflag:$0x3], $0x8000, $0x38;
	[tilespmem:$0x10100] =	vst v63  }
0xef: {  	_ =	swait.ge [sflag:s8], $0x8000  }
0xf0: {  	[sflag:s8] =	ssyncset.done $0x0  }
0xf1: {  	s24 =	rddreg [dreg:$0xb];
	[sflag:s8] =	ssyncadd.s32 $0xFFFF8000  }
0xf2: {  	[tilespmem:s2], [sflag:$0x3] =	stream.linear.gather [hbm4b:s24+s2], $0x20, $0x38;
	[tilespmem:$0x10100] =	vst v63  }
0xf3: {  	_ =	swait.ge [sflag:s8], $0x20  }
0xf4: {  	[sflag:s8] =	ssyncset.done $0x0  }
0xf5: {  	s24 =	simm.s32 $0x80;
	s17 =	rddreg [dreg:$0xc];
	[sflag:s8] =	ssyncadd.s32 $0xFFFFFFE0  }
0xf6: {  	[tilespmem:s24], [sflag:$0x3] =	stream.linear.gather [hbm4b:s17+s2], $0x20, $0x38;
	[tilespmem:$0x10100] =	vst v63  }
0xf7: {  	_ =	swait.ge [sflag:s8], $0x20  }
0xf8: {  	[sflag:s8] =	ssyncset.done $0x0  }
0xf9: {  	[sflag:s8] =	ssyncadd.s32 $0xFFFFFFE0  }
0xfa: {  	v3 =	vld [tilespmem:$0x0];
	_ =	sdelay $0x4  }
0xfb: {  	v56 =	vshll.u32 v3, $0x3  }
0xfc: {  	v3 =	vand.u32 $0x7, v3;
	v4 =	vand.u32 $0xFFFFFFC0, v56  }
0xfd: {  	v3 =	vor.u32 v3, v4  }
0xfe: {  	v4 =	vperm.xlane v3, v0;
	_ =	sdelay $0x1  }
0xff: {  	v4 =	vadd.s32 v1, v4;
	_ =	sdelay $0x4  }
0x100: {  	[tilespmem:s22], [sflag:$0x1] =	stream.indirect_vreg.gather [hbm4b:s3+s2], $0x80, v4, vm0, $0xb8;
	[tilespmem:$0x10100] =	vst v63  }
0x101: {  	s24 =	simm.s32 $0x900;
	v3 =	vperm.xlane v3, v2  }
0x102: {  	[tilespmem:s24], [sflag:$0x1] =	stream.indirect_vreg.gather [hbm4b:s4+s2], $0x80, v4, vm0, $0xb8;
	[tilespmem:$0x10100] =	vst v63  }
0x103: {  	s21 =	simm.s32 $0x1100;
	v3 =	vadd.s32 v1, v3  }
0x104: {  	[tilespmem:s21], [sflag:$0x1] =	stream.indirect_vreg.gather [hbm4b:s5+s2], $0x80, v4, vm0, $0xb8;
	[tilespmem:$0x10100] =	vst v63  }
0x105: {  	s24 =	simm.s32 $0x1900  }
0x106: {  	[tilespmem:s24], [sflag:$0x1] =	stream.indirect_vreg.gather [hbm4b:s6+s2], $0x80, v4, vm0, $0xb8;
	[tilespmem:$0x10100] =	vst v63  }
0x107: {  	s21 =	simm.s32 $0x2100  }
0x108: {  	[tilespmem:s21], [sflag:$0x1] =	stream.indirect_vreg.gather [hbm4b:s3+s2], $0x80, v3, vm0, $0xb8;
	[tilespmem:$0x10100] =	vst v63  }
0x109: {  	s24 =	simm.s32 $0x2900  }
0x10a: {  	[tilespmem:s24], [sflag:$0x1] =	stream.indirect_vreg.gather [hbm4b:s4+s2], $0x80, v3, vm0, $0xb8;
	[tilespmem:$0x10100] =	vst v63  }
0x10b: {  	s21 =	simm.s32 $0x3100  }
0x10c: {  	[tilespmem:s21], [sflag:$0x1] =	stream.indirect_vreg.gather [hbm4b:s5+s2], $0x80, v3, vm0, $0xb8;
	[tilespmem:$0x10100] =	vst v63  }
0x10d: {  	s24 =	simm.s32 $0x3900  }
0x10e: {  	[tilespmem:s24], [sflag:$0x1] =	stream.indirect_vreg.gather [hbm4b:s6+s2], $0x80, v3, vm0, $0xb8;
	[tilespmem:$0x10100] =	vst v63  }
0x10f: {  	v3 =	vld [tilespmem:$0x10];
	_ =	sdelay $0x4  }
0x110: {  	v57 =	vshll.u32 v3, $0x3  }
0x111: {  	v3 =	vand.u32 $0x7, v3;
	v4 =	vand.u32 $0xFFFFFFC0, v57  }
0x112: {  	v3 =	vor.u32 v3, v4  }
0x113: {  	v4 =	vperm.xlane v3, v0;
	_ =	sdelay $0x1  }
0x114: {  	v4 =	vadd.s32 v1, v4;
	_ =	sdelay $0x4  }
0x115: {  	[tilespmem:s13], [sflag:$0x1] =	stream.indirect_vreg.gather [hbm4b:s3+s2], $0x80, v4, vm0, $0xb8;
	[tilespmem:$0x10100] =	vst v63  }
0x116: {  	v3 =	vperm.xlane v3, v2  }
0x117: {  	[tilespmem:s14], [sflag:$0x1] =	stream.indirect_vreg.gather [hbm4b:s4+s2], $0x80, v4, vm0, $0xb8;
	[tilespmem:$0x10100] =	vst v63  }
0x118: {  	v3 =	vadd.s32 v1, v3  }
0x119: {  	[tilespmem:s0], [sflag:$0x1] =	stream.indirect_vreg.gather [hbm4b:s5+s2], $0x80, v4, vm0, $0xb8;
	[tilespmem:$0x10100] =	vst v63  }
0x11a: {  	_ = 	snop  }
0x11b: {  	[tilespmem:s1], [sflag:$0x1] =	stream.indirect_vreg.gather [hbm4b:s6+s2], $0x80, v4, vm0, $0xb8;
	[tilespmem:$0x10100] =	vst v63  }
0x11c: {  	_ = 	snop  }
0x11d: {  	[tilespmem:s9], [sflag:$0x1] =	stream.indirect_vreg.gather [hbm4b:s3+s2], $0x80, v3, vm0, $0xb8;
	[tilespmem:$0x10100] =	vst v63  }
0x11e: {  	_ = 	snop  }
0x11f: {  	[tilespmem:s10], [sflag:$0x1] =	stream.indirect_vreg.gather [hbm4b:s4+s2], $0x80, v3, vm0, $0xb8;
	[tilespmem:$0x10100] =	vst v63  }
0x120: {  	_ = 	snop  }
0x121: {  	[tilespmem:s11], [sflag:$0x1] =	stream.indirect_vreg.gather [hbm4b:s5+s2], $0x80, v3, vm0, $0xb8;
	[tilespmem:$0x10100] =	vst v63  }
0x122: {  	_ = 	snop  }
0x123: {  	[tilespmem:s15], [sflag:$0x1] =	stream.indirect_vreg.gather [hbm4b:s6+s2], $0x80, v3, vm0, $0xb8;
	[tilespmem:$0x10100] =	vst v63  }
0x124: {  	v3 =	vld [tilespmem:$0x80];
	_ =	sdelay $0x4  }
0x125: {  	v58 =	vshll.u32 v3, $0x3  }
0x126: {  	v3 =	vand.u32 $0x7, v3;
	v4 =	vand.u32 $0xFFFFFFC0, v58  }
0x127: {  	v3 =	vor.u32 v3, v4  }
0x128: {  	v4 =	vperm.xlane v3, v0;
	_ =	sdelay $0x1  }
0x129: {  	v4 =	vadd.s32 v1, v4;
	_ =	sdelay $0x4  }
0x12a: {  	[tilespmem:s26], [sflag:$0x2] =	stream.indirect_vreg.gather [hbm4b:s3+s2], $0x80, v4, vm0, $0xb8;
	[tilespmem:$0x10100] =	vst v63  }
0x12b: {  	v3 =	vperm.xlane v3, v2  }
0x12c: {  	[tilespmem:s16], [sflag:$0x2] =	stream.indirect_vreg.gather [hbm4b:s4+s2], $0x80, v4, vm0, $0xb8;
	[tilespmem:$0x10100] =	vst v63  }
0x12d: {  	v3 =	vadd.s32 v1, v3  }
0x12e: {  	[tilespmem:s12], [sflag:$0x2] =	stream.indirect_vreg.gather [hbm4b:s5+s2], $0x80, v4, vm0, $0xb8;
	[tilespmem:$0x10100] =	vst v63  }
0x12f: {  	s30 =	simm.s32 $0x9900  }
0x130: {  	[tilespmem:s30], [sflag:$0x2] =	stream.indirect_vreg.gather [hbm4b:s6+s2], $0x80, v4, vm0, $0xb8;
	[tilespmem:$0x10100] =	vst v63  }
0x131: {  	s25 =	simm.s32 $0xA100  }
0x132: {  	[tilespmem:s25], [sflag:$0x2] =	stream.indirect_vreg.gather [hbm4b:s3+s2], $0x80, v3, vm0, $0xb8;
	[tilespmem:$0x10100] =	vst v63  }
0x133: {  	s28 =	simm.s32 $0xA900  }
0x134: {  	[tilespmem:s28], [sflag:$0x2] =	stream.indirect_vreg.gather [hbm4b:s4+s2], $0x80, v3, vm0, $0xb8;
	[tilespmem:$0x10100] =	vst v63  }
0x135: {  	s29 =	simm.s32 $0xB100  }
0x136: {  	[tilespmem:s29], [sflag:$0x2] =	stream.indirect_vreg.gather [hbm4b:s5+s2], $0x80, v3, vm0, $0xb8;
	[tilespmem:$0x10100] =	vst v63  }
0x137: {  	s30 =	simm.s32 $0xB900  }
0x138: {  	[tilespmem:s30], [sflag:$0x2] =	stream.indirect_vreg.gather [hbm4b:s6+s2], $0x80, v3, vm0, $0xb8;
	[tilespmem:$0x10100] =	vst v63  }
0x139: {  	v3 =	vld [tilespmem:$0x90];
	_ =	sdelay $0x4  }
0x13a: {  	v59 =	vshll.u32 v3, $0x3  }
0x13b: {  	v3 =	vand.u32 $0x7, v3;
	v4 =	vand.u32 $0xFFFFFFC0, v59  }
0x13c: {  	v3 =	vor.u32 v3, v4  }
0x13d: {  	v4 =	vperm.xlane v3, v0;
	_ =	sdelay $0x1  }
0x13e: {  	v4 =	vadd.s32 v1, v4;
	_ =	sdelay $0x3  }
0x13f: {  	s0 =	simm.s32 $0xC100  }
0x140: {  	[tilespmem:s0], [sflag:$0x2] =	stream.indirect_vreg.gather [hbm4b:s3+s2], $0x80, v4, vm0, $0xb8;
	[tilespmem:$0x10100] =	vst v63  }
0x141: {  	s29 =	simm.s32 $0xC900;
	v3 =	vperm.xlane v3, v2  }
0x142: {  	[tilespmem:s29], [sflag:$0x2] =	stream.indirect_vreg.gather [hbm4b:s4+s2], $0x80, v4, vm0, $0xb8;
	[tilespmem:$0x10100] =	vst v63  }
0x143: {  	s18 =	simm.s32 $0xD100;
	v3 =	vadd.s32 v1, v3  }
0x144: {  	[tilespmem:s18], [sflag:$0x2] =	stream.indirect_vreg.gather [hbm4b:s5+s2], $0x80, v4, vm0, $0xb8;
	[tilespmem:$0x10100] =	vst v63  }
0x145: {  	s23 =	simm.s32 $0xD900  }
0x146: {  	[tilespmem:s23], [sflag:$0x2] =	stream.indirect_vreg.gather [hbm4b:s6+s2], $0x80, v4, vm0, $0xb8;
	[tilespmem:$0x10100] =	vst v63  }
0x147: {  	s31 =	simm.s32 $0xE100  }
0x148: {  	[tilespmem:s31], [sflag:$0x2] =	stream.indirect_vreg.gather [hbm4b:s3+s2], $0x80, v3, vm0, $0xb8;
	[tilespmem:$0x10100] =	vst v63  }
0x149: {  	s30 =	simm.s32 $0xE900  }
0x14a: {  	[tilespmem:s30], [sflag:$0x2] =	stream.indirect_vreg.gather [hbm4b:s4+s2], $0x80, v3, vm0, $0xb8;
	[tilespmem:$0x10100] =	vst v63  }
0x14b: {  	s31 =	simm.s32 $0xF100  }
0x14c: {  	[tilespmem:s31], [sflag:$0x2] =	stream.indirect_vreg.gather [hbm4b:s5+s2], $0x80, v3, vm0, $0xb8;
	[tilespmem:$0x10100] =	vst v63  }
0x14d: {  	s0 =	simm.s32 $0xF900  }
0x14e: {  	[tilespmem:s0], [sflag:$0x2] =	stream.indirect_vreg.gather [hbm4b:s6+s2], $0x80, v3, vm0, $0xb8;
	[tilespmem:$0x10100] =	vst v63  }
0x14f: {  	_ =	swait.ge [sflag:s19], $0x8000  }
0x150: {  	[sflag:s19] =	ssyncset.done $0x0  }
0x151: {  	s0 =	rddreg [dreg:$0xd];
	[sflag:s19] =	ssyncadd.s32 $0xFFFF8000  }
0x152: {  	[hbm4b:s0+s2] =	stream.linear.scatter [tilespmem:s22], [sflag:$0x3], $0x8000, $0x38;
	[tilespmem:$0x10100] =	vst v63  }
0x153: {  	_ =	swait.ge [sflag:s8], $0x8000  }
0x154: {  	[sflag:s8] =	ssyncset.done $0x0  }
0x155: {  	[sflag:s8] =	ssyncadd.s32 $0xFFFF8000  }
0x156: {  	_ =	swait.ge [sflag:s20], $0x8000  }
0x157: {  	[sflag:s20] =	ssyncset.done $0x0  }
0x158: {  	s0 =	rddreg [dreg:$0xe];
	[sflag:s20] =	ssyncadd.s32 $0xFFFF8000  }
0x159: {  	[hbm4b:s0+s2] =	stream.linear.scatter [tilespmem:s26], [sflag:$0x3], $0x8000, $0x38;
	[tilespmem:$0x10100] =	vst v63  }
0x15a: {  	_ =	swait.ge [sflag:s8], $0x8000  }
0x15b: {  	[sflag:s8] =	ssyncset.done $0x0  }
0x15c: {  	s0 =	rddreg [dreg:$0xf];
	[sflag:s8] =	ssyncadd.s32 $0xFFFF8000  }
0x15d: {  	[tilespmem:s2], [sflag:$0x3] =	stream.linear.gather [hbm4b:s0+s2], $0x20, $0x38;
	[tilespmem:$0x10100] =	vst v63  }
0x15e: {  	_ =	swait.ge [sflag:s8], $0x20  }
0x15f: {  	[sflag:s8] =	ssyncset.done $0x0  }
0x160: {  	s0 =	simm.s32 $0x80;
	s21 =	rddreg [dreg:$0x10];
	[sflag:s8] =	ssyncadd.s32 $0xFFFFFFE0  }
0x161: {  	[tilespmem:s0], [sflag:$0x3] =	stream.linear.gather [hbm4b:s21+s2], $0x20, $0x38;
	[tilespmem:$0x10100] =	vst v63  }
0x162: {  	_ =	swait.ge [sflag:s8], $0x20  }
0x163: {  	[sflag:s8] =	ssyncset.done $0x0  }
0x164: {  	[sflag:s8] =	ssyncadd.s32 $0xFFFFFFE0  }
0x165: {  	v3 =	vld [tilespmem:$0x0];
	_ =	sdelay $0x4  }
0x166: {  	v60 =	vshll.u32 v3, $0x3  }
0x167: {  	v3 =	vand.u32 $0x7, v3;
	v4 =	vand.u32 $0xFFFFFFC0, v60  }
0x168: {  	v3 =	vor.u32 v3, v4  }
0x169: {  	v4 =	vperm.xlane v3, v0;
	_ =	sdelay $0x1  }
0x16a: {  	v4 =	vadd.s32 v1, v4;
	_ =	sdelay $0x4  }
0x16b: {  	[tilespmem:s22], [sflag:$0x1] =	stream.indirect_vreg.gather [hbm4b:s3+s2], $0x80, v4, vm0, $0xb8;
	[tilespmem:$0x10100] =	vst v63  }
0x16c: {  	s21 =	simm.s32 $0x900;
	v3 =	vperm.xlane v3, v2  }
0x16d: {  	[tilespmem:s21], [sflag:$0x1] =	stream.indirect_vreg.gather [hbm4b:s4+s2], $0x80, v4, vm0, $0xb8;
	[tilespmem:$0x10100] =	vst v63  }
0x16e: {  	s0 =	simm.s32 $0x1100;
	v3 =	vadd.s32 v1, v3  }
0x16f: {  	[tilespmem:s0], [sflag:$0x1] =	stream.indirect_vreg.gather [hbm4b:s5+s2], $0x80, v4, vm0, $0xb8;
	[tilespmem:$0x10100] =	vst v63  }
0x170: {  	s0 =	simm.s32 $0x1900  }
0x171: {  	[tilespmem:s0], [sflag:$0x1] =	stream.indirect_vreg.gather [hbm4b:s6+s2], $0x80, v4, vm0, $0xb8;
	[tilespmem:$0x10100] =	vst v63  }
0x172: {  	s0 =	simm.s32 $0x2100  }
0x173: {  	[tilespmem:s0], [sflag:$0x1] =	stream.indirect_vreg.gather [hbm4b:s3+s2], $0x80, v3, vm0, $0xb8;
	[tilespmem:$0x10100] =	vst v63  }
0x174: {  	s0 =	simm.s32 $0x2900  }
0x175: {  	[tilespmem:s0], [sflag:$0x1] =	stream.indirect_vreg.gather [hbm4b:s4+s2], $0x80, v3, vm0, $0xb8;
	[tilespmem:$0x10100] =	vst v63  }
0x176: {  	s0 =	simm.s32 $0x3100  }
0x177: {  	[tilespmem:s0], [sflag:$0x1] =	stream.indirect_vreg.gather [hbm4b:s5+s2], $0x80, v3, vm0, $0xb8;
	[tilespmem:$0x10100] =	vst v63  }
0x178: {  	s21 =	simm.s32 $0x3900  }
0x179: {  	[tilespmem:s21], [sflag:$0x1] =	stream.indirect_vreg.gather [hbm4b:s6+s2], $0x80, v3, vm0, $0xb8;
	[tilespmem:$0x10100] =	vst v63  }
0x17a: {  	v3 =	vld [tilespmem:$0x10];
	_ =	sdelay $0x4  }
0x17b: {  	v61 =	vshll.u32 v3, $0x3  }
0x17c: {  	v3 =	vand.u32 $0x7, v3;
	v4 =	vand.u32 $0xFFFFFFC0, v61  }
0x17d: {  	v3 =	vor.u32 v3, v4  }
0x17e: {  	v4 =	vperm.xlane v3, v0;
	_ =	sdelay $0x1  }
0x17f: {  	v4 =	vadd.s32 v1, v4;
	_ =	sdelay $0x3  }
0x180: {  	s13 =	simm.s32 $0x4100  }
0x181: {  	[tilespmem:s13], [sflag:$0x1] =	stream.indirect_vreg.gather [hbm4b:s3+s2], $0x80, v4, vm0, $0xb8;
	[tilespmem:$0x10100] =	vst v63  }
0x182: {  	s14 =	simm.s32 $0x4900;
	v3 =	vperm.xlane v3, v2  }
0x183: {  	[tilespmem:s14], [sflag:$0x1] =	stream.indirect_vreg.gather [hbm4b:s4+s2], $0x80, v4, vm0, $0xb8;
	[tilespmem:$0x10100] =	vst v63  }
0x184: {  	s21 =	simm.s32 $0x5100;
	v3 =	vadd.s32 v1, v3  }
0x185: {  	[tilespmem:s21], [sflag:$0x1] =	stream.indirect_vreg.gather [hbm4b:s5+s2], $0x80, v4, vm0, $0xb8;
	[tilespmem:$0x10100] =	vst v63  }
0x186: {  	s1 =	simm.s32 $0x5900  }
0x187: {  	[tilespmem:s1], [sflag:$0x1] =	stream.indirect_vreg.gather [hbm4b:s6+s2], $0x80, v4, vm0, $0xb8;
	[tilespmem:$0x10100] =	vst v63  }
0x188: {  	s9 =	simm.s32 $0x6100  }
0x189: {  	[tilespmem:s9], [sflag:$0x1] =	stream.indirect_vreg.gather [hbm4b:s3+s2], $0x80, v3, vm0, $0xb8;
	[tilespmem:$0x10100] =	vst v63  }
0x18a: {  	s10 =	simm.s32 $0x6900  }
0x18b: {  	[tilespmem:s10], [sflag:$0x1] =	stream.indirect_vreg.gather [hbm4b:s4+s2], $0x80, v3, vm0, $0xb8;
	[tilespmem:$0x10100] =	vst v63  }
0x18c: {  	s11 =	simm.s32 $0x7100  }
0x18d: {  	[tilespmem:s11], [sflag:$0x1] =	stream.indirect_vreg.gather [hbm4b:s5+s2], $0x80, v3, vm0, $0xb8;
	[tilespmem:$0x10100] =	vst v63  }
0x18e: {  	s15 =	simm.s32 $0x7900  }
0x18f: {  	[tilespmem:s15], [sflag:$0x1] =	stream.indirect_vreg.gather [hbm4b:s6+s2], $0x80, v3, vm0, $0xb8;
	[tilespmem:$0x10100] =	vst v63  }
0x190: {  	v3 =	vld [tilespmem:$0x80];
	_ =	sdelay $0x4  }
0x191: {  	v62 =	vshll.u32 v3, $0x3  }
0x192: {  	v3 =	vand.u32 $0x7, v3;
	v4 =	vand.u32 $0xFFFFFFC0, v62  }
0x193: {  	v3 =	vor.u32 v3, v4  }
0x194: {  	v4 =	vperm.xlane v3, v0;
	_ =	sdelay $0x1  }
0x195: {  	v4 =	vadd.s32 v1, v4;
	_ =	sdelay $0x4  }
0x196: {  	[tilespmem:s26], [sflag:$0x2] =	stream.indirect_vreg.gather [hbm4b:s3+s2], $0x80, v4, vm0, $0xb8;
	[tilespmem:$0x10100] =	vst v63  }
0x197: {  	s16 =	simm.s32 $0x8900;
	v3 =	vperm.xlane v3, v2  }
0x198: {  	[tilespmem:s16], [sflag:$0x2] =	stream.indirect_vreg.gather [hbm4b:s4+s2], $0x80, v4, vm0, $0xb8;
	[tilespmem:$0x10100] =	vst v63  }
0x199: {  	s12 =	simm.s32 $0x9100;
	v3 =	vadd.s32 v1, v3  }
0x19a: {  	[tilespmem:s12], [sflag:$0x2] =	stream.indirect_vreg.gather [hbm4b:s5+s2], $0x80, v4, vm0, $0xb8;
	[tilespmem:$0x10100] =	vst v63  }
0x19b: {  	s17 =	simm.s32 $0x9900  }
0x19c: {  	[tilespmem:s17], [sflag:$0x2] =	stream.indirect_vreg.gather [hbm4b:s6+s2], $0x80, v4, vm0, $0xb8;
	[tilespmem:$0x10100] =	vst v63  }
0x19d: {  	s24 =	simm.s32 $0xA100  }
0x19e: {  	[tilespmem:s24], [sflag:$0x2] =	stream.indirect_vreg.gather [hbm4b:s3+s2], $0x80, v3, vm0, $0xb8;
	[tilespmem:$0x10100] =	vst v63  }
0x19f: {  	s25 =	simm.s32 $0xA900  }
0x1a0: {  	[tilespmem:s25], [sflag:$0x2] =	stream.indirect_vreg.gather [hbm4b:s4+s2], $0x80, v3, vm0, $0xb8;
	[tilespmem:$0x10100] =	vst v63  }
0x1a1: {  	s28 =	simm.s32 $0xB100  }
0x1a2: {  	[tilespmem:s28], [sflag:$0x2] =	stream.indirect_vreg.gather [hbm4b:s5+s2], $0x80, v3, vm0, $0xb8;
	[tilespmem:$0x10100] =	vst v63  }
0x1a3: {  	s24 =	simm.s32 $0xB900  }
0x1a4: {  	[tilespmem:s24], [sflag:$0x2] =	stream.indirect_vreg.gather [hbm4b:s6+s2], $0x80, v3, vm0, $0xb8;
	[tilespmem:$0x10100] =	vst v63  }
0x1a5: {  	v3 =	vld [tilespmem:$0x90];
	_ =	sdelay $0x4  }
0x1a6: {  	v63 =	vshll.u32 v3, $0x3  }
0x1a7: {  	v3 =	vand.u32 $0x7, v3;
	v4 =	vand.u32 $0xFFFFFFC0, v63  }
0x1a8: {  	v3 =	vor.u32 v3, v4  }
0x1a9: {  	v4 =	vperm.xlane v3, v0;
	_ =	sdelay $0x1  }
0x1aa: {  	v4 =	vadd.s32 v1, v4;
	_ =	sdelay $0x3  }
0x1ab: {  	s25 =	simm.s32 $0xC100  }
0x1ac: {  	[tilespmem:s25], [sflag:$0x2] =	stream.indirect_vreg.gather [hbm4b:s3+s2], $0x80, v4, vm0, $0xb8;
	[tilespmem:$0x10100] =	vst v63  }
0x1ad: {  	s28 =	simm.s32 $0xC900;
	v3 =	vperm.xlane v3, v2  }
0x1ae: {  	[tilespmem:s28], [sflag:$0x2] =	stream.indirect_vreg.gather [hbm4b:s4+s2], $0x80, v4, vm0, $0xb8;
	[tilespmem:$0x10100] =	vst v63  }
0x1af: {  	s29 =	simm.s32 $0xD100;
	v3 =	vadd.s32 v1, v3  }
0x1b0: {  	[tilespmem:s29], [sflag:$0x2] =	stream.indirect_vreg.gather [hbm4b:s5+s2], $0x80, v4, vm0, $0xb8;
	[tilespmem:$0x10100] =	vst v63  }
0x1b1: {  	s18 =	simm.s32 $0xD900  }
0x1b2: {  	[tilespmem:s18], [sflag:$0x2] =	stream.indirect_vreg.gather [hbm4b:s6+s2], $0x80, v4, vm0, $0xb8;
	[tilespmem:$0x10100] =	vst v63  }
0x1b3: {  	s23 =	simm.s32 $0xE100  }
0x1b4: {  	[tilespmem:s23], [sflag:$0x2] =	stream.indirect_vreg.gather [hbm4b:s3+s2], $0x80, v3, vm0, $0xb8;
	[tilespmem:$0x10100] =	vst v63  }
0x1b5: {  	s30 =	simm.s32 $0xE900  }
0x1b6: {  	[tilespmem:s30], [sflag:$0x2] =	stream.indirect_vreg.gather [hbm4b:s4+s2], $0x80, v3, vm0, $0xb8;
	[tilespmem:$0x10100] =	vst v63  }
0x1b7: {  	s31 =	simm.s32 $0xF100  }
0x1b8: {  	[tilespmem:s31], [sflag:$0x2] =	stream.indirect_vreg.gather [hbm4b:s5+s2], $0x80, v3, vm0, $0xb8;
	[tilespmem:$0x10100] =	vst v63  }
0x1b9: {  	s29 =	simm.s32 $0xF900  }
0x1ba: {  	[tilespmem:s29], [sflag:$0x2] =	stream.indirect_vreg.gather [hbm4b:s6+s2], $0x80, v3, vm0, $0xb8;
	[tilespmem:$0x10100] =	vst v63  }
0x1bb: {  	_ =	swait.ge [sflag:s19], $0x8000  }
0x1bc: {  	[sflag:s19] =	ssyncset.done $0x0  }
0x1bd: {  	s30 =	rddreg [dreg:$0x11];
	[sflag:s19] =	ssyncadd.s32 $0xFFFF8000  }
0x1be: {  	[hbm4b:s30+s2] =	stream.linear.scatter [tilespmem:s22], [sflag:$0x3], $0x8000, $0x38;
	[tilespmem:$0x10100] =	vst v63  }
0x1bf: {  	_ =	swait.ge [sflag:s8], $0x8000  }
0x1c0: {  	[sflag:s8] =	ssyncset.done $0x0  }
0x1c1: {  	[sflag:s8] =	ssyncadd.s32 $0xFFFF8000  }
0x1c2: {  	_ =	swait.ge [sflag:s20], $0x8000  }
0x1c3: {  	p0 =	sne.s32 s7, $0x1;
	[sflag:s20] =	ssyncset.done $0x0  }
.Ltmp0:
0x1c4: {  	s31 =	rddreg [dreg:$0x12];
	[sflag:s20] =	ssyncadd.s32 $0xFFFF8000;
	(pc) =	sbr.rel @p0 .LBB2_1-.Ltmp0, $4  }
0x1c5: {  	[hbm4b:s31+s2] =	stream.linear.scatter [tilespmem:s26], [sflag:$0x3], $0x8000, $0x38;
	[tilespmem:$0x10100] =	vst v63  }
0x1c6: {  	_ =	swait.ge [sflag:s8], $0x8000  }
0x1c7: {  	[sflag:s8] =	ssyncset.done $0x0  }
0x1c8: {  	s7 =	sadd.s32 $0xFFFFFFFF, s7;
	[sflag:s8] =	ssyncadd.s32 $0xFFFF8000  }
0x1c9: {  	_ =	sfence.sel $0x180000  }
0x1ca: {  	[bflag:$0x0] =	sbarrier.arrive $0xFFFF  }
0x1cb: {  	_ =	strace $0x9000004A  }
0x1cc: {  	s0 =	stileid.u32;
	[bflag:$0x2] =	sbarrier.arrive $0xFFFF  }
0x1cd: {  	p0 =	sne.s32 s0, $0x0;
	s0 =	rddreg [dreg:$0x2]  }
0x1ce: {  	s0 =	sadd.s32 @!p0 $0x100000, s0  }
0x1cf: {  	[sflag:s0] =	ssyncadd.tile.s32 @!p0 $0x1;
	_ =	shalt  }
.Lfunc_end2:
_tile_overlayer_lowered:
.L_overlay_start_2:
0x1d0: {  	(tag) =	ssettag $0x2  }
0x1d1: {  	s0 =	rddreg [dreg:$0x0];
	s2 =	stileid.u32  }
0x1d2: {  	s1 =	rddreg [dreg:$0x1];
	p0 =	sne.s32 s2, $0x0  }
0x1d3: {  	s3 =	rddreg [dreg:$0x2];
	[bflag:$0x3] =	sbarrier.arrive $0xFFFF;
	s2 =	simm.s32 @!p0 $0x1C03  }
0x1d4: {  	[timem:s3], [sflag:s2] =	dma.local @!p0 [hbm:s0], s1  }
0x1d5: {  	s0 =	simm.s32 @!p0 $0x3  }
0x1d6: {  	_ =	swait.ge @!p0 [sflag:s0], s1  }
0x1d7: {  	s1 =	ssub.s32 @!p0 $0x0, s1;
	[sflag:s0] =	ssyncset.done @!p0 $0x0  }
0x1d8: {  	[sflag:s0] =	ssyncadd.s32 @!p0 s1  }
0x1d9: {  	[bflag:$0x3] =	sbarrier.arrive $0xFFFF  }
0x1da: {  	_ =	shalt  }

// kernel: kernel.7.cloned.1.call-start
scs
__scs_entry_jumppad:
0x0: {  	(pc) =	sbr.rel $0x88, $3  }
0x1: {  	(tag) =	ssettag $0x0;
	lr =	simm.s32 $0x1  }
0x2: {  	[smem:$0x3F9C] =	sst lr;
	_ =	strace $0xD0000000  }
0x3: {  	_ = 	snop  }
0x4: {  	_ = 	snop  }
0x5: {  	_ = 	snop  }
0x6: {  	_ = 	snop  }
0x7: {  	_ = 	snop  }
__scs_overlays_trampoline_lowered:
0x8: {  	[smem:$0x3FAB] =	sst s0  }
0x9: {  	[smem:$0x3FAC] =	sst s1  }
0xa: {  	[smem:$0x3FAD] =	sst s2  }
0xb: {  	[smem:$0x3FAE] =	sst s3  }
0xc: {  	[smem:$0x3FAF] =	sst s4  }
0xd: {  	[smem:$0x3FB0] =	sst s5  }
0xe: {  	[smem:$0x3FB1] =	sst s6  }
0xf: {  	[smem:$0x3FB2] =	sst s7  }
0x10: {  	[smem:$0x3FB3] =	sst s8  }
0x11: {  	[smem:$0x3FB4] =	sst s9;
	s0 =	simm.s32 @!p0 $0x0  }
0x12: {  	s1 =	sld [smem:$0x3F9A];
	s0 =	simm.s32 @p0 $0x1  }
0x13: {  	[smem:$0x3FB5] =	sst s0;
	s0 =	simm.s32 @!p1 $0x0  }
0x14: {  	s2 =	sld [smem:$0x3F99];
	s0 =	simm.s32 @p1 $0x1  }
0x15: {  	[smem:$0x3FB6] =	sst s0;
	s0 =	simm.s32 @!p2 $0x0  }
0x16: {  	s3 =	sld [smem:$0x3FDB];
	s0 =	simm.s32 @p2 $0x1  }
0x17: {  	s4 =	simm.s32 $0x1BF5;
	[smem:$0x3FB8] =	sst s0  }
0x18: {  	s0 =	sld [smem:$0x3F9B];
	_ =	swait.ge [sflag:s4], $0x0  }
0x19: {  	s7 =	sld [smem:$0x3F9C]  }
0x1a: {  	s8 =	sadd.s32 $0xFFFFE003, lr  }
0x1b: {  	s9 =	sadd.s32 $0xFFFFFEF7, lr;
	s5 =	simm.s32 $0xFFFFFFFF;
	p2 =	slt.u32 s8, $0xFFFFF086  }
0x1c: {  	p1 =	slt.u32 s9, $0xF7A;
	s5 =	simm.s32 @!p2 $0x0  }
0x1d: {  	s5 =	simm.s32 @p1 $0x1;
	p0 =	seq.s32 s7, s2  }
0x1e: {  	s7 =	smul.u32 @!p0 $0xF7A, s2;
	p2 =	seq.s32 @!p0 s5, $0x0  }
0x1f: {  	s9 =	smul.u32 $0xF7A, s1;
	s8 =	simm.s32 @!p0 $0x1BF5;
	p2 =	por !p2, p0  }
0x20: {  	[sflag:s8] =	ssyncset.s32 @!p0 $0xFFFFF086;
	s6 =	sadd.s32 @!p0 s3, s7;
	s7 =	simm.s32 @!p0 $0x108  }
0x21: {  	s3 =	sadd.s32 s3, s9;
	s6 =	sadd.s32 @!p0 $0x88, s6;
	s7 =	simm.s32 @p2 $0x1082  }
0x22: {  	[simem:s7], [sflag:s8] =	dma.local @!p0 [hbm:s6], $0xF7A  }
0x23: {  	s9 =	sor.u32 $0xD0000000, s2;
	s6 =	simm.s32 $0x108;
	_ =	swait.ge @!p0 [sflag:s8], $0x0  }
0x24: {  	s3 =	sadd.s32 $0x88, s3;
	s6 =	simm.s32 @!p1 $0x1082;
	[sflag:s4] =	ssyncset.s32 $0xFFFFF086  }
0x25: {  	[simem:s6], [sflag:s4] =	dma.local [hbm:s3], $0xF7A  }
0x26: {  	[smem:$0x3F9C] =	sst s1;
	(tag) =	ssettag s2;
	_ =	strace s9  }
0x27: {  	s1 =	sld [smem:$0x3FAC]  }
0x28: {  	s2 =	sld [smem:$0x3FAD]  }
0x29: {  	s4 =	sld [smem:$0x3FAF]  }
0x2a: {  	p0 =	seq.s32 s5, $0x0;
	s5 =	sld [smem:$0x3FB0]  }
0x2b: {  	s6 =	sld [smem:$0x3FB1]  }
0x2c: {  	s7 =	sld [smem:$0x3FB2]  }
0x2d: {  	s3 =	simm.s32 $0x108;
	s8 =	sld [smem:$0x3FB3]  }
0x2e: {  	s3 =	simm.s32 @!p0 $0x1082;
	s9 =	sld [smem:$0x3FB4]  }
0x2f: {  	lr =	sadd.s32 s0, s3;
	s0 =	sld [smem:$0x3FAB]  }
0x30: {  	s3 =	sld [smem:$0x3FAE]  }
0x31: {  	[smem:$0x3FB7] =	sst s10  }
0x32: {  	s10 =	sld [smem:$0x3FB5];
	_ =	sdelay $0x3  }
0x33: {  	p0 =	seq.s32 s10, $0x1;
	s10 =	sld [smem:$0x3FB7];
	_ =	sdelay $0x3  }
0x34: {  	[smem:$0x3FB7] =	sst s10  }
0x35: {  	s10 =	sld [smem:$0x3FB6];
	_ =	sdelay $0x3  }
0x36: {  	p1 =	seq.s32 s10, $0x1;
	s10 =	sld [smem:$0x3FB7];
	_ =	sdelay $0x3  }
0x37: {  	[smem:$0x3FB7] =	sst s10  }
0x38: {  	s10 =	sld [smem:$0x3FB8]  }
0x39: {  	_ = 	snop;
	(pc) =	sbr.ind lr, $3  }
0x3a: {  	_ = 	snop  }
0x3b: {  	_ = 	snop  }
0x3c: {  	p2 =	seq.s32 s10, $0x1;
	s10 =	sld [smem:$0x3FB7]  }
0x3d: {  	_ =	shalt  }
0x3e: {  	_ =	shalt  }
0x3f: {  	_ =	shalt  }
0x40: {  	_ =	shalt  }
0x41: {  	_ =	shalt  }
0x42: {  	_ =	shalt  }
0x43: {  	_ =	shalt  }
0x44: {  	_ =	shalt  }
0x45: {  	_ =	shalt  }
0x46: {  	_ =	shalt  }
0x47: {  	_ =	shalt  }
0x48: {  	_ =	shalt  }
0x49: {  	_ =	shalt  }
0x4a: {  	_ =	shalt  }
0x4b: {  	_ =	shalt  }
0x4c: {  	_ =	shalt  }
0x4d: {  	_ =	shalt  }
0x4e: {  	_ =	shalt  }
0x4f: {  	_ =	shalt  }
0x50: {  	_ =	shalt  }
0x51: {  	_ =	shalt  }
0x52: {  	_ =	shalt  }
0x53: {  	_ =	shalt  }
0x54: {  	_ =	shalt  }
0x55: {  	_ =	shalt  }
0x56: {  	_ =	shalt  }
0x57: {  	_ =	shalt  }
0x58: {  	_ =	shalt  }
0x59: {  	_ =	shalt  }
0x5a: {  	_ =	shalt  }
0x5b: {  	_ =	shalt  }
0x5c: {  	_ =	shalt  }
0x5d: {  	_ =	shalt  }
0x5e: {  	_ =	shalt  }
0x5f: {  	_ =	shalt  }
0x60: {  	_ =	shalt  }
0x61: {  	_ =	shalt  }
0x62: {  	_ =	shalt  }
0x63: {  	_ =	shalt  }
0x64: {  	_ =	shalt  }
0x65: {  	_ =	shalt  }
0x66: {  	_ =	shalt  }
0x67: {  	_ =	shalt  }
0x68: {  	_ =	shalt  }
0x69: {  	_ =	shalt  }
0x6a: {  	_ =	shalt  }
0x6b: {  	_ =	shalt  }
0x6c: {  	_ =	shalt  }
0x6d: {  	_ =	shalt  }
0x6e: {  	_ =	shalt  }
0x6f: {  	_ =	shalt  }
0x70: {  	_ =	shalt  }
0x71: {  	_ =	shalt  }
0x72: {  	_ =	shalt  }
0x73: {  	_ =	shalt  }
0x74: {  	_ =	shalt  }
0x75: {  	_ =	shalt  }
0x76: {  	_ =	shalt  }
0x77: {  	_ =	shalt  }
0x78: {  	_ =	shalt  }
0x79: {  	_ =	shalt  }
0x7a: {  	_ =	shalt  }
0x7b: {  	_ =	shalt  }
0x7c: {  	_ =	shalt  }
0x7d: {  	_ =	shalt  }
0x7e: {  	_ =	shalt  }
0x7f: {  	_ =	shalt  }
0x80: {  	_ =	shalt  }
0x81: {  	_ =	shalt  }
0x82: {  	_ =	shalt  }
0x83: {  	_ =	shalt  }
0x84: {  	_ =	shalt  }
0x85: {  	_ =	shalt  }
0x86: {  	_ =	shalt  }
0x87: {  	_ =	shalt  }
.Lfunc_end0:
.L_simem_size_0:
called_computation_lowered:
.L_overlay_start_0:
0x88: {  	s2 =	sld [smem:$0x3FD9]  }
0x89: {  	s3 =	sld [smem:$0x3FFE];
	_ =	sdelay $0x1  }
0x8a: {  	s1 =	srdreg.scid  }
0x8b: {  	s0 =	sand.u32 $0x1, s1  }
0x8c: {  	s17 =	sshll.u32 s0, $0xA;
	s2 =	sadd.s32 s3, s2  }
0x8d: {  	s2 =	sadd.s32 s2, s17  }
0x8e: {  	[smem:$0x3FC3] =	sst s2  }
0x8f: {  	_ = 	snop  }
0x90: {  	s2 =	sld [smem:$0x3FC9]  }
0x91: {  	s18 =	sld [smem:$0x3FD0];
	(tm) =	ssettm $0x1  }
0x92: {  	s4 =	sld [smem:$0x3FFB];
	_ =	sdelay $0x3  }
0x93: {  	_ =	strace s4  }
0x94: {  	s4 =	sld [smem:$0x3FFC];
	_ =	sdelay $0x3  }
0x95: {  	_ =	strace s4  }
0x96: {  	s4 =	sld [smem:$0x3FFD];
	_ =	sdelay $0x3  }
0x97: {  	_ =	strace s4  }
0x98: {  	_ =	strace $0x8FFFFFFF  }
0x99: {  	s19 =	sld [smem:$0x3FDB];
	_ =	sdelay $0x1  }
0x9a: {  	s5 =	simm.s32 $_scs_section_size  }
0x9b: {  	s6 =	simm.s32 $_size__tile_overlayer_lowered;
	s7 =	simm.s32 $_tile_overlayer_lowered  }
0x9c: {  	s22 =	simm.s32 $0x1BFF;
	s21 =	sshll.u32 s7, $0x1;
	s4 =	sadd.s32 s5, s19  }
0x9d: {  	s8 =	simm.s32 $0x0;
	s20 =	sshll.u32 s6, $0x1;
	s6 =	sadd.s32 s21, s4  }
0x9e: {  	[timem:s8], [sflag:s22] =	dma.local [hbm:s6], s20  }
0x9f: {  	_ =	swait.ge [sflag:s22], s20  }
0xa0: {  	s5 =	ssub.s32 $0x0, s20;
	[sflag:s22] =	ssyncset.done $0x0  }
0xa1: {  	[sflag:s22] =	ssyncadd.s32 s5;
	_ =	sdelay $0x1  }
0xa2: {  	s23 =	simm.s32 $0x1B8B  }
0xa3: {  	_ =	swait.ge [sflag:s23], $0x1  }
0xa4: {  	[sflag:s23] =	ssyncset.done $0x0  }
0xa5: {  	s25 =	simm.s32 $0x1B8E;
	s24 =	sld [smem:$0x3FFE];
	[sflag:s23] =	ssyncadd.s32 $0xFFFFFFFF  }
0xa6: {  	s26 =	simm.s32 $execute0_lowered;
	[smem:$0x3FD2] =	sst s25  }
0xa7: {  	s6 =	sshll.u32 s26, $0x1;
	_ =	strace $0x80000046;
	[dreg:$0x1] =	wrdreg $0xFFFFFFFF  }
0xa8: {  	s28 =	simm.s32 $_size_execute0_lowered;
	s4 =	sadd.s32 s4, s6;
	[dreg:$0x0] =	wrdreg $0x0  }
0xa9: {  	s6 =	sshll.u32 s28, $0x1;
	[dreg:$0x2] =	wrdreg s4  }
0xaa: {  	[dreg:$0x3] =	wrdreg s6  }
0xab: {  	[dreg:$0x4] =	wrdreg $0xC0  }
0xac: {  	_ =	task [dreg:s8], $0x5FFFF  }
0xad: {  	[dreg:$0x1] =	wrdreg $0xFFFFFFFF  }
0xae: {  	[dreg:$0x0] =	wrdreg $0x60  }
0xaf: {  	[dreg:$0x2] =	wrdreg s2  }
0xb0: {  	[dreg:$0x3] =	wrdreg s18  }
0xb1: {  	[dreg:$0x4] =	wrdreg s24  }
0xb2: {  	[dreg:$0x5] =	wrdreg $0x9  }
0xb3: {  	_ =	task.clear_ibuf [dreg:s8], $0x6FFFF;
	_ =	strace $0x90000046  }
0xb4: {  	s29 =	simm.s32 $0x9;
	_ =	strace $0x80000048  }
0xb5: {  	_ =	swait.ge [sflag:s29], $0x1  }
0xb6: {  	[sflag:s29] =	ssyncadd.s32 $0xFFFFFFFF  }
0xb7: {  	_ =	strace $0x90000048  }
0xb8: {  	_ =	sfence  }
0xb9: {  	s30 =	sld [smem:$0x0];
	_ =	sdelay $0x2  }
0xba: {  	s31 =	sshll.u32 s1, $0xD;
	s1 =	sshrl.u32 s1, $0x2  }
0xbb: {  	s3 =	sand.u32 $0x4000, s31;
	s1 =	sadd.s32 s1, s30  }
0xbc: {  	s0 =	sor.u32 s3, s0;
	s1 =	sshll.u32 s1, $0x11  }
0xbd: {  	s0 =	sor.u32 s1, s0  }
0xbe: {  	s0 =	sadd.s32 $0x8F2B, s0  }
0xbf: {  	[sflag:s0] =	ssyncadd.remote.s32 $0x1  }
0xc0: {  	_ =	sfence.sel $0xFFFF  }
0xc1: {  	[dreg:$0x0] =	wrdreg $0xFFFFFFFF;
	(pc) =	sbr.abs _section_cstart, $3  }
0xc2: {  	[dreg:$0x1] =	wrdreg $0xFFFFFFFF  }
0xc3: {  	_ =	task.clear_ibuf [dreg:s8], $0x2FFFF;
	_ =	strace $0x9FFFFFFF  }
0xc4: {  	(tm) =	ssettm $0x7FFFFFFF  }
0xc5: {  	_ =	shalt  }
tec
execute0_lowered:
.L_overlay_start_1:
0x0: {  	(tag) =	ssettag $0x1  }
0x1: {  	s0 =	rddreg [dreg:$0x0]  }
0x2: {  	s11 =	rddreg [dreg:$0x1]  }
0x3: {  	s6 =	rddreg [dreg:$0x2]  }
0x4: {  	s2 =	srdreg.scid;
	s1 =	stileid.u32  }
0x5: {  	s28 =	simm.s32 $0x6080;
	s29 =	simm.s32 $0x6880;
	s30 =	simm.s32 $0x7080  }
0x6: {  	s31 =	simm.s32 $0x7880;
	s3 =	sand.u32 $0x1, s2;
	s2 =	simm.s32 $0x0  }
0x7: {  	s4 =	sshll.u32 s1, $0x9;
	s5 =	sshll.u32 s3, $0x8;
	[smem:$0x7FF] =	sst s2  }
0x8: {  	s7 =	ssub.s32 $0x2, s3;
	s3 =	sadd.s32 $0x11E00, s6;
	s9 =	sor.u32 s5, s4  }
0x9: {  	_ =	strace $0x80000047;
	s25 =	sshrl.u32 s7, $0x1;
	s4 =	sshrl.u32 s9, $0x3  }
0xa: {  	s5 =	sshll.u32 s9, $0x7;
	s13 =	ssub.s32 s7, s25;
	s26 =	sor.u32 $0x20, s9  }
0xb: {  	s10 =	sor.u32 $0x40, s9;
	s15 =	sor.u32 $0x60, s9;
	s19 =	sor.u32 $0x80, s9  }
0xc: {  	s21 =	sor.u32 $0xA0, s9;
	s25 =	sor.u32 $0xC0, s9;
	s23 =	sadd.s32 s11, s4  }
0xd: {  	s24 =	sand.u32 $0x78000, s5;
	s5 =	sadd.s32 $0x12000, s6;
	s8 =	sshrl.u32 s26, $0x3  }
0xe: {  	s7 =	sshll.u32 s26, $0x7;
	s1 =	sshrl.u32 s10, $0x3;
	s12 =	sshll.u32 s10, $0x7  }
0xf: {  	s16 =	sshrl.u32 s15, $0x3;
	s20 =	sshrl.u32 s19, $0x3;
	s10 =	sshll.u32 s25, $0x7  }
0x10: {  	s13 =	smax.u32 s13, $0x1;
	[dreg:$0x4] =	wrdreg s23;
	s4 =	sadd.s32 s0, s24  }
0x11: {  	s8 =	sadd.s32 s11, s8;
	s7 =	sand.u32 $0x79000, s7;
	s14 =	sand.u32 $0x7A000, s12  }
0x12: {  	s17 =	sadd.s32 s11, s16;
	s23 =	sshll.u32 s21, $0x7;
	s24 =	sshrl.u32 s21, $0x3  }
0x13: {  	s12 =	sshrl.u32 s25, $0x3;
	s10 =	sand.u32 $0x7E000, s10;
	s16 =	simm.s32 $0x880  }
0x14: {  	s21 =	simm.s32 $0x3080;
	s25 =	simm.s32 $0x5080;
	[dreg:$0x5] =	wrdreg s4  }
0x15: {  	s4 =	sadd.s32 $0x11F00, s6;
	s6 =	sadd.s32 $0x12100, s6;
	[dreg:$0x6] =	wrdreg s8  }
0x16: {  	s7 =	sadd.s32 s0, s7;
	s8 =	sadd.s32 s11, s1;
	[dreg:$0xa] =	wrdreg s17  }
0x17: {  	s10 =	sadd.s32 s0, s10;
	s17 =	simm.s32 $0x1080;
	[dreg:$0x7] =	wrdreg s7  }
0x18: {  	[dreg:$0x8] =	wrdreg s8;
	s7 =	sadd.s32 s0, s14;
	s8 =	sshll.u32 s15, $0x7  }
0x19: {  	s14 =	sor.u32 $0xE0, s9;
	s9 =	sadd.s32 s11, s12;
	s15 =	simm.s32 $0x80  }
0x1a: {  	[dreg:$0x9] =	wrdreg s7;
	s8 =	sand.u32 $0x7B000, s8;
	s7 =	sadd.s32 s11, s20  }
0x1b: {  	s26 =	sshll.u32 s14, $0x7;
	s14 =	sshrl.u32 s14, $0x3;
	s20 =	simm.s32 $0x2880  }
0x1c: {  	s18 =	sadd.s32 s0, s8;
	s8 =	sshll.u32 s19, $0x7;
	[dreg:$0xc] =	wrdreg s7  }
0x1d: {  	s7 =	sadd.s32 s11, s24;
	s12 =	sand.u32 $0x7F000, s26;
	s11 =	sadd.s32 s11, s14  }
0x1e: {  	s14 =	simm.s32 $0x2;
	s19 =	simm.s32 $0x2080;
	s24 =	simm.s32 $0x4880  }
0x1f: {  	s26 =	simm.s32 $0x5880;
	[dreg:$0xb] =	wrdreg s18;
	s8 =	sand.u32 $0x7C000, s8  }
0x20: {  	v2 =	vlaneseq.u32;
	s12 =	sadd.s32 s0, s12;
	s18 =	simm.s32 $0x1880;
	s22 =	sadd.s32 s0, s8  }
0x21: {  	vm0 =	vmmov $0xffff;
	v1 =	vshrl.u32 v2, $0x3;
	s8 =	sand.u32 $0x7D000, s23;
	s23 =	simm.s32 $0x4080;
	[dreg:$0xd] =	wrdreg s22  }
0x22: {  	v0 =	vand.u32 $0x7, v2;
	v2 =	vor.u32 $0x8, v2;
	v1 =	vmul.u32 $0x8, v1;
	s8 =	sadd.s32 s0, s8;
	s22 =	simm.s32 $0x3880;
	s0 =	simm.s32 $0x1  }
.LBB2_1:
0x23: {  	s1 =	rddreg [dreg:$0x4]  }
0x24: {  	[tilespmem:s2], [sflag:$0x2] =	stream.linear.gather [hbm4b:s1+s2], $0x20, $0x38;
	[tilespmem:$0x8080] =	vst v63  }
0x25: {  	_ =	swait.ge [sflag:s14], $0x20  }
0x26: {  	[sflag:s14] =	ssyncset.done $0x0  }
0x27: {  	s1 =	rddreg [dreg:$0x5];
	[sflag:s14] =	ssyncadd.s32 $0xFFFFFFE0  }
0x28: {  	[tilespmem:s15], [sflag:$0x2] =	stream.linear.gather [hbm4b:s1+s2], $0x8000, $0x38;
	[tilespmem:$0x8080] =	vst v63  }
0x29: {  	_ =	swait.ge [sflag:s14], $0x8000  }
0x2a: {  	[sflag:s14] =	ssyncset.done $0x0  }
0x2b: {  	[sflag:s14] =	ssyncadd.s32 $0xFFFF8000  }
0x2c: {  	v3 =	vld [tilespmem:$0x0];
	_ =	sdelay $0x4  }
0x2d: {  	v4 =	vshll.u32 v3, $0x3  }
0x2e: {  	v3 =	vand.u32 $0x7, v3;
	v4 =	vand.u32 $0xFFFFFFC0, v4  }
0x2f: {  	v3 =	vor.u32 v3, v4  }
0x30: {  	v4 =	vperm.xlane v3, v0;
	_ =	sdelay $0x1  }
0x31: {  	v4 =	vadd.s32 v1, v4;
	_ =	sdelay $0x4  }
0x32: {  	[hbm4b:s3+s2] =	stream.indirect_vreg.scatter [tilespmem:s15], [sflag:$0x1], $0x80, v4, vm0, $0xb8;
	[tilespmem:$0x8080] =	vst v63  }
0x33: {  	v3 =	vperm.xlane v3, v2  }
0x34: {  	[hbm4b:s4+s2] =	stream.indirect_vreg.scatter [tilespmem:s16], [sflag:$0x1], $0x80, v4, vm0, $0xb8;
	[tilespmem:$0x8080] =	vst v63  }
0x35: {  	v3 =	vadd.s32 v1, v3  }
0x36: {  	[hbm4b:s5+s2] =	stream.indirect_vreg.scatter [tilespmem:s17], [sflag:$0x1], $0x80, v4, vm0, $0xb8;
	[tilespmem:$0x8080] =	vst v63  }
0x37: {  	_ = 	snop  }
0x38: {  	[hbm4b:s6+s2] =	stream.indirect_vreg.scatter [tilespmem:s18], [sflag:$0x1], $0x80, v4, vm0, $0xb8;
	[tilespmem:$0x8080] =	vst v63  }
0x39: {  	_ = 	snop  }
0x3a: {  	[hbm4b:s3+s2] =	stream.indirect_vreg.scatter [tilespmem:s19], [sflag:$0x1], $0x80, v3, vm0, $0xb8;
	[tilespmem:$0x8080] =	vst v63  }
0x3b: {  	_ = 	snop  }
0x3c: {  	[hbm4b:s4+s2] =	stream.indirect_vreg.scatter [tilespmem:s20], [sflag:$0x1], $0x80, v3, vm0, $0xb8;
	[tilespmem:$0x8080] =	vst v63  }
0x3d: {  	_ = 	snop  }
0x3e: {  	[hbm4b:s5+s2] =	stream.indirect_vreg.scatter [tilespmem:s21], [sflag:$0x1], $0x80, v3, vm0, $0xb8;
	[tilespmem:$0x8080] =	vst v63  }
0x3f: {  	_ = 	snop  }
0x40: {  	[hbm4b:s6+s2] =	stream.indirect_vreg.scatter [tilespmem:s22], [sflag:$0x1], $0x80, v3, vm0, $0xb8;
	[tilespmem:$0x8080] =	vst v63  }
0x41: {  	v3 =	vld [tilespmem:$0x10];
	_ =	sdelay $0x4  }
0x42: {  	v49 =	vshll.u32 v3, $0x3  }
0x43: {  	v3 =	vand.u32 $0x7, v3;
	v4 =	vand.u32 $0xFFFFFFC0, v49  }
0x44: {  	v3 =	vor.u32 v3, v4  }
0x45: {  	v4 =	vperm.xlane v3, v0;
	_ =	sdelay $0x1  }
0x46: {  	v4 =	vadd.s32 v1, v4;
	_ =	sdelay $0x4  }
0x47: {  	[hbm4b:s3+s2] =	stream.indirect_vreg.scatter [tilespmem:s23], [sflag:$0x1], $0x80, v4, vm0, $0xb8;
	[tilespmem:$0x8080] =	vst v63  }
0x48: {  	v3 =	vperm.xlane v3, v2  }
0x49: {  	[hbm4b:s4+s2] =	stream.indirect_vreg.scatter [tilespmem:s24], [sflag:$0x1], $0x80, v4, vm0, $0xb8;
	[tilespmem:$0x8080] =	vst v63  }
0x4a: {  	v3 =	vadd.s32 v1, v3  }
0x4b: {  	[hbm4b:s5+s2] =	stream.indirect_vreg.scatter [tilespmem:s25], [sflag:$0x1], $0x80, v4, vm0, $0xb8;
	[tilespmem:$0x8080] =	vst v63  }
0x4c: {  	_ = 	snop  }
0x4d: {  	[hbm4b:s6+s2] =	stream.indirect_vreg.scatter [tilespmem:s26], [sflag:$0x1], $0x80, v4, vm0, $0xb8;
	[tilespmem:$0x8080] =	vst v63  }
0x4e: {  	_ = 	snop  }
0x4f: {  	[hbm4b:s3+s2] =	stream.indirect_vreg.scatter [tilespmem:s28], [sflag:$0x1], $0x80, v3, vm0, $0xb8;
	[tilespmem:$0x8080] =	vst v63  }
0x50: {  	_ = 	snop  }
0x51: {  	[hbm4b:s4+s2] =	stream.indirect_vreg.scatter [tilespmem:s29], [sflag:$0x1], $0x80, v3, vm0, $0xb8;
	[tilespmem:$0x8080] =	vst v63  }
0x52: {  	_ = 	snop  }
0x53: {  	[hbm4b:s5+s2] =	stream.indirect_vreg.scatter [tilespmem:s30], [sflag:$0x1], $0x80, v3, vm0, $0xb8;
	[tilespmem:$0x8080] =	vst v63  }
0x54: {  	_ = 	snop  }
0x55: {  	[hbm4b:s6+s2] =	stream.indirect_vreg.scatter [tilespmem:s31], [sflag:$0x1], $0x80, v3, vm0, $0xb8;
	[tilespmem:$0x8080] =	vst v63  }
0x56: {  	_ =	swait.ge [sflag:s0], $0x8000  }
0x57: {  	[sflag:s0] =	ssyncset.done $0x0  }
0x58: {  	s1 =	rddreg [dreg:$0x6];
	[sflag:s0] =	ssyncadd.s32 $0xFFFF8000  }
0x59: {  	[tilespmem:s2], [sflag:$0x2] =	stream.linear.gather [hbm4b:s1+s2], $0x20, $0x38;
	[tilespmem:$0x8080] =	vst v63  }
0x5a: {  	_ =	swait.ge [sflag:s14], $0x20  }
0x5b: {  	[sflag:s14] =	ssyncset.done $0x0  }
0x5c: {  	s1 =	rddreg [dreg:$0x7];
	[sflag:s14] =	ssyncadd.s32 $0xFFFFFFE0  }
0x5d: {  	[tilespmem:s15], [sflag:$0x2] =	stream.linear.gather [hbm4b:s1+s2], $0x8000, $0x38;
	[tilespmem:$0x8080] =	vst v63  }
0x5e: {  	_ =	swait.ge [sflag:s14], $0x8000  }
0x5f: {  	[sflag:s14] =	ssyncset.done $0x0  }
0x60: {  	[sflag:s14] =	ssyncadd.s32 $0xFFFF8000  }
0x61: {  	v3 =	vld [tilespmem:$0x0];
	_ =	sdelay $0x4  }
0x62: {  	v50 =	vshll.u32 v3, $0x3  }
0x63: {  	v3 =	vand.u32 $0x7, v3;
	v4 =	vand.u32 $0xFFFFFFC0, v50  }
0x64: {  	v3 =	vor.u32 v3, v4  }
0x65: {  	v4 =	vperm.xlane v3, v0;
	_ =	sdelay $0x1  }
0x66: {  	v4 =	vadd.s32 v1, v4;
	_ =	sdelay $0x4  }
0x67: {  	[hbm4b:s3+s2] =	stream.indirect_vreg.scatter [tilespmem:s15], [sflag:$0x1], $0x80, v4, vm0, $0xb8;
	[tilespmem:$0x8080] =	vst v63  }
0x68: {  	v3 =	vperm.xlane v3, v2  }
0x69: {  	[hbm4b:s4+s2] =	stream.indirect_vreg.scatter [tilespmem:s16], [sflag:$0x1], $0x80, v4, vm0, $0xb8;
	[tilespmem:$0x8080] =	vst v63  }
0x6a: {  	v3 =	vadd.s32 v1, v3  }
0x6b: {  	[hbm4b:s5+s2] =	stream.indirect_vreg.scatter [tilespmem:s17], [sflag:$0x1], $0x80, v4, vm0, $0xb8;
	[tilespmem:$0x8080] =	vst v63  }
0x6c: {  	_ = 	snop  }
0x6d: {  	[hbm4b:s6+s2] =	stream.indirect_vreg.scatter [tilespmem:s18], [sflag:$0x1], $0x80, v4, vm0, $0xb8;
	[tilespmem:$0x8080] =	vst v63  }
0x6e: {  	_ = 	snop  }
0x6f: {  	[hbm4b:s3+s2] =	stream.indirect_vreg.scatter [tilespmem:s19], [sflag:$0x1], $0x80, v3, vm0, $0xb8;
	[tilespmem:$0x8080] =	vst v63  }
0x70: {  	_ = 	snop  }
0x71: {  	[hbm4b:s4+s2] =	stream.indirect_vreg.scatter [tilespmem:s20], [sflag:$0x1], $0x80, v3, vm0, $0xb8;
	[tilespmem:$0x8080] =	vst v63  }
0x72: {  	_ = 	snop  }
0x73: {  	[hbm4b:s5+s2] =	stream.indirect_vreg.scatter [tilespmem:s21], [sflag:$0x1], $0x80, v3, vm0, $0xb8;
	[tilespmem:$0x8080] =	vst v63  }
0x74: {  	_ = 	snop  }
0x75: {  	[hbm4b:s6+s2] =	stream.indirect_vreg.scatter [tilespmem:s22], [sflag:$0x1], $0x80, v3, vm0, $0xb8;
	[tilespmem:$0x8080] =	vst v63  }
0x76: {  	v3 =	vld [tilespmem:$0x10];
	_ =	sdelay $0x4  }
0x77: {  	v51 =	vshll.u32 v3, $0x3  }
0x78: {  	v3 =	vand.u32 $0x7, v3;
	v4 =	vand.u32 $0xFFFFFFC0, v51  }
0x79: {  	v3 =	vor.u32 v3, v4  }
0x7a: {  	v4 =	vperm.xlane v3, v0;
	_ =	sdelay $0x1  }
0x7b: {  	v4 =	vadd.s32 v1, v4;
	_ =	sdelay $0x4  }
0x7c: {  	[hbm4b:s3+s2] =	stream.indirect_vreg.scatter [tilespmem:s23], [sflag:$0x1], $0x80, v4, vm0, $0xb8;
	[tilespmem:$0x8080] =	vst v63  }
0x7d: {  	v3 =	vperm.xlane v3, v2  }
0x7e: {  	[hbm4b:s4+s2] =	stream.indirect_vreg.scatter [tilespmem:s24], [sflag:$0x1], $0x80, v4, vm0, $0xb8;
	[tilespmem:$0x8080] =	vst v63  }
0x7f: {  	v3 =	vadd.s32 v1, v3  }
0x80: {  	[hbm4b:s5+s2] =	stream.indirect_vreg.scatter [tilespmem:s25], [sflag:$0x1], $0x80, v4, vm0, $0xb8;
	[tilespmem:$0x8080] =	vst v63  }
0x81: {  	_ = 	snop  }
0x82: {  	[hbm4b:s6+s2] =	stream.indirect_vreg.scatter [tilespmem:s26], [sflag:$0x1], $0x80, v4, vm0, $0xb8;
	[tilespmem:$0x8080] =	vst v63  }
0x83: {  	_ = 	snop  }
0x84: {  	[hbm4b:s3+s2] =	stream.indirect_vreg.scatter [tilespmem:s28], [sflag:$0x1], $0x80, v3, vm0, $0xb8;
	[tilespmem:$0x8080] =	vst v63  }
0x85: {  	_ = 	snop  }
0x86: {  	[hbm4b:s4+s2] =	stream.indirect_vreg.scatter [tilespmem:s29], [sflag:$0x1], $0x80, v3, vm0, $0xb8;
	[tilespmem:$0x8080] =	vst v63  }
0x87: {  	_ = 	snop  }
0x88: {  	[hbm4b:s5+s2] =	stream.indirect_vreg.scatter [tilespmem:s30], [sflag:$0x1], $0x80, v3, vm0, $0xb8;
	[tilespmem:$0x8080] =	vst v63  }
0x89: {  	_ = 	snop  }
0x8a: {  	[hbm4b:s6+s2] =	stream.indirect_vreg.scatter [tilespmem:s31], [sflag:$0x1], $0x80, v3, vm0, $0xb8;
	[tilespmem:$0x8080] =	vst v63  }
0x8b: {  	_ =	swait.ge [sflag:s0], $0x8000  }
0x8c: {  	[sflag:s0] =	ssyncset.done $0x0  }
0x8d: {  	s1 =	rddreg [dreg:$0x8];
	[sflag:s0] =	ssyncadd.s32 $0xFFFF8000  }
0x8e: {  	[tilespmem:s2], [sflag:$0x2] =	stream.linear.gather [hbm4b:s1+s2], $0x20, $0x38;
	[tilespmem:$0x8080] =	vst v63  }
0x8f: {  	_ =	swait.ge [sflag:s14], $0x20  }
0x90: {  	[sflag:s14] =	ssyncset.done $0x0  }
0x91: {  	s1 =	rddreg [dreg:$0x9];
	[sflag:s14] =	ssyncadd.s32 $0xFFFFFFE0  }
0x92: {  	[tilespmem:s15], [sflag:$0x2] =	stream.linear.gather [hbm4b:s1+s2], $0x8000, $0x38;
	[tilespmem:$0x8080] =	vst v63  }
0x93: {  	_ =	swait.ge [sflag:s14], $0x8000  }
0x94: {  	[sflag:s14] =	ssyncset.done $0x0  }
0x95: {  	[sflag:s14] =	ssyncadd.s32 $0xFFFF8000  }
0x96: {  	v3 =	vld [tilespmem:$0x0];
	_ =	sdelay $0x4  }
0x97: {  	v52 =	vshll.u32 v3, $0x3  }
0x98: {  	v3 =	vand.u32 $0x7, v3;
	v4 =	vand.u32 $0xFFFFFFC0, v52  }
0x99: {  	v3 =	vor.u32 v3, v4  }
0x9a: {  	v4 =	vperm.xlane v3, v0;
	_ =	sdelay $0x1  }
0x9b: {  	v4 =	vadd.s32 v1, v4;
	_ =	sdelay $0x4  }
0x9c: {  	[hbm4b:s3+s2] =	stream.indirect_vreg.scatter [tilespmem:s15], [sflag:$0x1], $0x80, v4, vm0, $0xb8;
	[tilespmem:$0x8080] =	vst v63  }
0x9d: {  	v3 =	vperm.xlane v3, v2  }
0x9e: {  	[hbm4b:s4+s2] =	stream.indirect_vreg.scatter [tilespmem:s16], [sflag:$0x1], $0x80, v4, vm0, $0xb8;
	[tilespmem:$0x8080] =	vst v63  }
0x9f: {  	v3 =	vadd.s32 v1, v3  }
0xa0: {  	[hbm4b:s5+s2] =	stream.indirect_vreg.scatter [tilespmem:s17], [sflag:$0x1], $0x80, v4, vm0, $0xb8;
	[tilespmem:$0x8080] =	vst v63  }
0xa1: {  	_ = 	snop  }
0xa2: {  	[hbm4b:s6+s2] =	stream.indirect_vreg.scatter [tilespmem:s18], [sflag:$0x1], $0x80, v4, vm0, $0xb8;
	[tilespmem:$0x8080] =	vst v63  }
0xa3: {  	_ = 	snop  }
0xa4: {  	[hbm4b:s3+s2] =	stream.indirect_vreg.scatter [tilespmem:s19], [sflag:$0x1], $0x80, v3, vm0, $0xb8;
	[tilespmem:$0x8080] =	vst v63  }
0xa5: {  	_ = 	snop  }
0xa6: {  	[hbm4b:s4+s2] =	stream.indirect_vreg.scatter [tilespmem:s20], [sflag:$0x1], $0x80, v3, vm0, $0xb8;
	[tilespmem:$0x8080] =	vst v63  }
0xa7: {  	_ = 	snop  }
0xa8: {  	[hbm4b:s5+s2] =	stream.indirect_vreg.scatter [tilespmem:s21], [sflag:$0x1], $0x80, v3, vm0, $0xb8;
	[tilespmem:$0x8080] =	vst v63  }
0xa9: {  	_ = 	snop  }
0xaa: {  	[hbm4b:s6+s2] =	stream.indirect_vreg.scatter [tilespmem:s22], [sflag:$0x1], $0x80, v3, vm0, $0xb8;
	[tilespmem:$0x8080] =	vst v63  }
0xab: {  	v3 =	vld [tilespmem:$0x10];
	_ =	sdelay $0x4  }
0xac: {  	v53 =	vshll.u32 v3, $0x3  }
0xad: {  	v3 =	vand.u32 $0x7, v3;
	v4 =	vand.u32 $0xFFFFFFC0, v53  }
0xae: {  	v3 =	vor.u32 v3, v4  }
0xaf: {  	v4 =	vperm.xlane v3, v0;
	_ =	sdelay $0x1  }
0xb0: {  	v4 =	vadd.s32 v1, v4;
	_ =	sdelay $0x4  }
0xb1: {  	[hbm4b:s3+s2] =	stream.indirect_vreg.scatter [tilespmem:s23], [sflag:$0x1], $0x80, v4, vm0, $0xb8;
	[tilespmem:$0x8080] =	vst v63  }
0xb2: {  	v3 =	vperm.xlane v3, v2  }
0xb3: {  	[hbm4b:s4+s2] =	stream.indirect_vreg.scatter [tilespmem:s24], [sflag:$0x1], $0x80, v4, vm0, $0xb8;
	[tilespmem:$0x8080] =	vst v63  }
0xb4: {  	v3 =	vadd.s32 v1, v3  }
0xb5: {  	[hbm4b:s5+s2] =	stream.indirect_vreg.scatter [tilespmem:s25], [sflag:$0x1], $0x80, v4, vm0, $0xb8;
	[tilespmem:$0x8080] =	vst v63  }
0xb6: {  	_ = 	snop  }
0xb7: {  	[hbm4b:s6+s2] =	stream.indirect_vreg.scatter [tilespmem:s26], [sflag:$0x1], $0x80, v4, vm0, $0xb8;
	[tilespmem:$0x8080] =	vst v63  }
0xb8: {  	_ = 	snop  }
0xb9: {  	[hbm4b:s3+s2] =	stream.indirect_vreg.scatter [tilespmem:s28], [sflag:$0x1], $0x80, v3, vm0, $0xb8;
	[tilespmem:$0x8080] =	vst v63  }
0xba: {  	_ = 	snop  }
0xbb: {  	[hbm4b:s4+s2] =	stream.indirect_vreg.scatter [tilespmem:s29], [sflag:$0x1], $0x80, v3, vm0, $0xb8;
	[tilespmem:$0x8080] =	vst v63  }
0xbc: {  	_ = 	snop  }
0xbd: {  	[hbm4b:s5+s2] =	stream.indirect_vreg.scatter [tilespmem:s30], [sflag:$0x1], $0x80, v3, vm0, $0xb8;
	[tilespmem:$0x8080] =	vst v63  }
0xbe: {  	_ = 	snop  }
0xbf: {  	[hbm4b:s6+s2] =	stream.indirect_vreg.scatter [tilespmem:s31], [sflag:$0x1], $0x80, v3, vm0, $0xb8;
	[tilespmem:$0x8080] =	vst v63  }
0xc0: {  	_ =	swait.ge [sflag:s0], $0x8000  }
0xc1: {  	[sflag:s0] =	ssyncset.done $0x0  }
0xc2: {  	s1 =	rddreg [dreg:$0xa];
	[sflag:s0] =	ssyncadd.s32 $0xFFFF8000  }
0xc3: {  	[tilespmem:s2], [sflag:$0x2] =	stream.linear.gather [hbm4b:s1+s2], $0x20, $0x38;
	[tilespmem:$0x8080] =	vst v63  }
0xc4: {  	_ =	swait.ge [sflag:s14], $0x20  }
0xc5: {  	[sflag:s14] =	ssyncset.done $0x0  }
0xc6: {  	s1 =	rddreg [dreg:$0xb];
	[sflag:s14] =	ssyncadd.s32 $0xFFFFFFE0  }
0xc7: {  	[tilespmem:s15], [sflag:$0x2] =	stream.linear.gather [hbm4b:s1+s2], $0x8000, $0x38;
	[tilespmem:$0x8080] =	vst v63  }
0xc8: {  	_ =	swait.ge [sflag:s14], $0x8000  }
0xc9: {  	[sflag:s14] =	ssyncset.done $0x0  }
0xca: {  	[sflag:s14] =	ssyncadd.s32 $0xFFFF8000  }
0xcb: {  	v3 =	vld [tilespmem:$0x0];
	_ =	sdelay $0x4  }
0xcc: {  	v54 =	vshll.u32 v3, $0x3  }
0xcd: {  	v3 =	vand.u32 $0x7, v3;
	v4 =	vand.u32 $0xFFFFFFC0, v54  }
0xce: {  	v3 =	vor.u32 v3, v4  }
0xcf: {  	v4 =	vperm.xlane v3, v0;
	_ =	sdelay $0x1  }
0xd0: {  	v4 =	vadd.s32 v1, v4;
	_ =	sdelay $0x4  }
0xd1: {  	[hbm4b:s3+s2] =	stream.indirect_vreg.scatter [tilespmem:s15], [sflag:$0x1], $0x80, v4, vm0, $0xb8;
	[tilespmem:$0x8080] =	vst v63  }
0xd2: {  	v3 =	vperm.xlane v3, v2  }
0xd3: {  	[hbm4b:s4+s2] =	stream.indirect_vreg.scatter [tilespmem:s16], [sflag:$0x1], $0x80, v4, vm0, $0xb8;
	[tilespmem:$0x8080] =	vst v63  }
0xd4: {  	v3 =	vadd.s32 v1, v3  }
0xd5: {  	[hbm4b:s5+s2] =	stream.indirect_vreg.scatter [tilespmem:s17], [sflag:$0x1], $0x80, v4, vm0, $0xb8;
	[tilespmem:$0x8080] =	vst v63  }
0xd6: {  	_ = 	snop  }
0xd7: {  	[hbm4b:s6+s2] =	stream.indirect_vreg.scatter [tilespmem:s18], [sflag:$0x1], $0x80, v4, vm0, $0xb8;
	[tilespmem:$0x8080] =	vst v63  }
0xd8: {  	_ = 	snop  }
0xd9: {  	[hbm4b:s3+s2] =	stream.indirect_vreg.scatter [tilespmem:s19], [sflag:$0x1], $0x80, v3, vm0, $0xb8;
	[tilespmem:$0x8080] =	vst v63  }
0xda: {  	_ = 	snop  }
0xdb: {  	[hbm4b:s4+s2] =	stream.indirect_vreg.scatter [tilespmem:s20], [sflag:$0x1], $0x80, v3, vm0, $0xb8;
	[tilespmem:$0x8080] =	vst v63  }
0xdc: {  	_ = 	snop  }
0xdd: {  	[hbm4b:s5+s2] =	stream.indirect_vreg.scatter [tilespmem:s21], [sflag:$0x1], $0x80, v3, vm0, $0xb8;
	[tilespmem:$0x8080] =	vst v63  }
0xde: {  	_ = 	snop  }
0xdf: {  	[hbm4b:s6+s2] =	stream.indirect_vreg.scatter [tilespmem:s22], [sflag:$0x1], $0x80, v3, vm0, $0xb8;
	[tilespmem:$0x8080] =	vst v63  }
0xe0: {  	v3 =	vld [tilespmem:$0x10];
	_ =	sdelay $0x4  }
0xe1: {  	v55 =	vshll.u32 v3, $0x3  }
0xe2: {  	v3 =	vand.u32 $0x7, v3;
	v4 =	vand.u32 $0xFFFFFFC0, v55  }
0xe3: {  	v3 =	vor.u32 v3, v4  }
0xe4: {  	v4 =	vperm.xlane v3, v0;
	_ =	sdelay $0x1  }
0xe5: {  	v4 =	vadd.s32 v1, v4;
	_ =	sdelay $0x4  }
0xe6: {  	[hbm4b:s3+s2] =	stream.indirect_vreg.scatter [tilespmem:s23], [sflag:$0x1], $0x80, v4, vm0, $0xb8;
	[tilespmem:$0x8080] =	vst v63  }
0xe7: {  	v3 =	vperm.xlane v3, v2  }
0xe8: {  	[hbm4b:s4+s2] =	stream.indirect_vreg.scatter [tilespmem:s24], [sflag:$0x1], $0x80, v4, vm0, $0xb8;
	[tilespmem:$0x8080] =	vst v63  }
0xe9: {  	v3 =	vadd.s32 v1, v3  }
0xea: {  	[hbm4b:s5+s2] =	stream.indirect_vreg.scatter [tilespmem:s25], [sflag:$0x1], $0x80, v4, vm0, $0xb8;
	[tilespmem:$0x8080] =	vst v63  }
0xeb: {  	_ = 	snop  }
0xec: {  	[hbm4b:s6+s2] =	stream.indirect_vreg.scatter [tilespmem:s26], [sflag:$0x1], $0x80, v4, vm0, $0xb8;
	[tilespmem:$0x8080] =	vst v63  }
0xed: {  	_ = 	snop  }
0xee: {  	[hbm4b:s3+s2] =	stream.indirect_vreg.scatter [tilespmem:s28], [sflag:$0x1], $0x80, v3, vm0, $0xb8;
	[tilespmem:$0x8080] =	vst v63  }
0xef: {  	_ = 	snop  }
0xf0: {  	[hbm4b:s4+s2] =	stream.indirect_vreg.scatter [tilespmem:s29], [sflag:$0x1], $0x80, v3, vm0, $0xb8;
	[tilespmem:$0x8080] =	vst v63  }
0xf1: {  	_ = 	snop  }
0xf2: {  	[hbm4b:s5+s2] =	stream.indirect_vreg.scatter [tilespmem:s30], [sflag:$0x1], $0x80, v3, vm0, $0xb8;
	[tilespmem:$0x8080] =	vst v63  }
0xf3: {  	_ = 	snop  }
0xf4: {  	[hbm4b:s6+s2] =	stream.indirect_vreg.scatter [tilespmem:s31], [sflag:$0x1], $0x80, v3, vm0, $0xb8;
	[tilespmem:$0x8080] =	vst v63  }
0xf5: {  	_ =	swait.ge [sflag:s0], $0x8000  }
0xf6: {  	[sflag:s0] =	ssyncset.done $0x0  }
0xf7: {  	s1 =	rddreg [dreg:$0xc];
	[sflag:s0] =	ssyncadd.s32 $0xFFFF8000  }
0xf8: {  	[tilespmem:s2], [sflag:$0x2] =	stream.linear.gather [hbm4b:s1+s2], $0x20, $0x38;
	[tilespmem:$0x8080] =	vst v63  }
0xf9: {  	_ =	swait.ge [sflag:s14], $0x20  }
0xfa: {  	[sflag:s14] =	ssyncset.done $0x0  }
0xfb: {  	s1 =	rddreg [dreg:$0xd];
	[sflag:s14] =	ssyncadd.s32 $0xFFFFFFE0  }
0xfc: {  	[tilespmem:s15], [sflag:$0x2] =	stream.linear.gather [hbm4b:s1+s2], $0x8000, $0x38;
	[tilespmem:$0x8080] =	vst v63  }
0xfd: {  	_ =	swait.ge [sflag:s14], $0x8000  }
0xfe: {  	[sflag:s14] =	ssyncset.done $0x0  }
0xff: {  	[sflag:s14] =	ssyncadd.s32 $0xFFFF8000  }
0x100: {  	v3 =	vld [tilespmem:$0x0];
	_ =	sdelay $0x4  }
0x101: {  	v56 =	vshll.u32 v3, $0x3  }
0x102: {  	v3 =	vand.u32 $0x7, v3;
	v4 =	vand.u32 $0xFFFFFFC0, v56  }
0x103: {  	v3 =	vor.u32 v3, v4  }
0x104: {  	v4 =	vperm.xlane v3, v0;
	_ =	sdelay $0x1  }
0x105: {  	v4 =	vadd.s32 v1, v4;
	_ =	sdelay $0x4  }
0x106: {  	[hbm4b:s3+s2] =	stream.indirect_vreg.scatter [tilespmem:s15], [sflag:$0x1], $0x80, v4, vm0, $0xb8;
	[tilespmem:$0x8080] =	vst v63  }
0x107: {  	v3 =	vperm.xlane v3, v2  }
0x108: {  	[hbm4b:s4+s2] =	stream.indirect_vreg.scatter [tilespmem:s16], [sflag:$0x1], $0x80, v4, vm0, $0xb8;
	[tilespmem:$0x8080] =	vst v63  }
0x109: {  	v3 =	vadd.s32 v1, v3  }
0x10a: {  	[hbm4b:s5+s2] =	stream.indirect_vreg.scatter [tilespmem:s17], [sflag:$0x1], $0x80, v4, vm0, $0xb8;
	[tilespmem:$0x8080] =	vst v63  }
0x10b: {  	_ = 	snop  }
0x10c: {  	[hbm4b:s6+s2] =	stream.indirect_vreg.scatter [tilespmem:s18], [sflag:$0x1], $0x80, v4, vm0, $0xb8;
	[tilespmem:$0x8080] =	vst v63  }
0x10d: {  	_ = 	snop  }
0x10e: {  	[hbm4b:s3+s2] =	stream.indirect_vreg.scatter [tilespmem:s19], [sflag:$0x1], $0x80, v3, vm0, $0xb8;
	[tilespmem:$0x8080] =	vst v63  }
0x10f: {  	_ = 	snop  }
0x110: {  	[hbm4b:s4+s2] =	stream.indirect_vreg.scatter [tilespmem:s20], [sflag:$0x1], $0x80, v3, vm0, $0xb8;
	[tilespmem:$0x8080] =	vst v63  }
0x111: {  	_ = 	snop  }
0x112: {  	[hbm4b:s5+s2] =	stream.indirect_vreg.scatter [tilespmem:s21], [sflag:$0x1], $0x80, v3, vm0, $0xb8;
	[tilespmem:$0x8080] =	vst v63  }
0x113: {  	_ = 	snop  }
0x114: {  	[hbm4b:s6+s2] =	stream.indirect_vreg.scatter [tilespmem:s22], [sflag:$0x1], $0x80, v3, vm0, $0xb8;
	[tilespmem:$0x8080] =	vst v63  }
0x115: {  	v3 =	vld [tilespmem:$0x10];
	_ =	sdelay $0x4  }
0x116: {  	v57 =	vshll.u32 v3, $0x3  }
0x117: {  	v3 =	vand.u32 $0x7, v3;
	v4 =	vand.u32 $0xFFFFFFC0, v57  }
0x118: {  	v3 =	vor.u32 v3, v4  }
0x119: {  	v4 =	vperm.xlane v3, v0;
	_ =	sdelay $0x1  }
0x11a: {  	v4 =	vadd.s32 v1, v4;
	_ =	sdelay $0x4  }
0x11b: {  	[hbm4b:s3+s2] =	stream.indirect_vreg.scatter [tilespmem:s23], [sflag:$0x1], $0x80, v4, vm0, $0xb8;
	[tilespmem:$0x8080] =	vst v63  }
0x11c: {  	v3 =	vperm.xlane v3, v2  }
0x11d: {  	[hbm4b:s4+s2] =	stream.indirect_vreg.scatter [tilespmem:s24], [sflag:$0x1], $0x80, v4, vm0, $0xb8;
	[tilespmem:$0x8080] =	vst v63  }
0x11e: {  	v3 =	vadd.s32 v1, v3  }
0x11f: {  	[hbm4b:s5+s2] =	stream.indirect_vreg.scatter [tilespmem:s25], [sflag:$0x1], $0x80, v4, vm0, $0xb8;
	[tilespmem:$0x8080] =	vst v63  }
0x120: {  	_ = 	snop  }
0x121: {  	[hbm4b:s6+s2] =	stream.indirect_vreg.scatter [tilespmem:s26], [sflag:$0x1], $0x80, v4, vm0, $0xb8;
	[tilespmem:$0x8080] =	vst v63  }
0x122: {  	_ = 	snop  }
0x123: {  	[hbm4b:s3+s2] =	stream.indirect_vreg.scatter [tilespmem:s28], [sflag:$0x1], $0x80, v3, vm0, $0xb8;
	[tilespmem:$0x8080] =	vst v63  }
0x124: {  	_ = 	snop  }
0x125: {  	[hbm4b:s4+s2] =	stream.indirect_vreg.scatter [tilespmem:s29], [sflag:$0x1], $0x80, v3, vm0, $0xb8;
	[tilespmem:$0x8080] =	vst v63  }
0x126: {  	_ = 	snop  }
0x127: {  	[hbm4b:s5+s2] =	stream.indirect_vreg.scatter [tilespmem:s30], [sflag:$0x1], $0x80, v3, vm0, $0xb8;
	[tilespmem:$0x8080] =	vst v63  }
0x128: {  	_ = 	snop  }
0x129: {  	[hbm4b:s6+s2] =	stream.indirect_vreg.scatter [tilespmem:s31], [sflag:$0x1], $0x80, v3, vm0, $0xb8;
	[tilespmem:$0x8080] =	vst v63  }
0x12a: {  	_ =	swait.ge [sflag:s0], $0x8000  }
0x12b: {  	[sflag:s0] =	ssyncset.done $0x0  }
0x12c: {  	[sflag:s0] =	ssyncadd.s32 $0xFFFF8000  }
0x12d: {  	[tilespmem:s2], [sflag:$0x2] =	stream.linear.gather [hbm4b:s7+s2], $0x20, $0x38;
	[tilespmem:$0x8080] =	vst v63  }
0x12e: {  	_ =	swait.ge [sflag:s14], $0x20  }
0x12f: {  	[sflag:s14] =	ssyncset.done $0x0  }
0x130: {  	[sflag:s14] =	ssyncadd.s32 $0xFFFFFFE0  }
0x131: {  	[tilespmem:s15], [sflag:$0x2] =	stream.linear.gather [hbm4b:s8+s2], $0x8000, $0x38;
	[tilespmem:$0x8080] =	vst v63  }
0x132: {  	_ =	swait.ge [sflag:s14], $0x8000  }
0x133: {  	[sflag:s14] =	ssyncset.done $0x0  }
0x134: {  	[sflag:s14] =	ssyncadd.s32 $0xFFFF8000  }
0x135: {  	v3 =	vld [tilespmem:$0x0];
	_ =	sdelay $0x4  }
0x136: {  	v58 =	vshll.u32 v3, $0x3  }
0x137: {  	v3 =	vand.u32 $0x7, v3;
	v4 =	vand.u32 $0xFFFFFFC0, v58  }
0x138: {  	v3 =	vor.u32 v3, v4  }
0x139: {  	v4 =	vperm.xlane v3, v0;
	_ =	sdelay $0x1  }
0x13a: {  	v4 =	vadd.s32 v1, v4;
	_ =	sdelay $0x4  }
0x13b: {  	[hbm4b:s3+s2] =	stream.indirect_vreg.scatter [tilespmem:s15], [sflag:$0x1], $0x80, v4, vm0, $0xb8;
	[tilespmem:$0x8080] =	vst v63  }
0x13c: {  	v3 =	vperm.xlane v3, v2  }
0x13d: {  	[hbm4b:s4+s2] =	stream.indirect_vreg.scatter [tilespmem:s16], [sflag:$0x1], $0x80, v4, vm0, $0xb8;
	[tilespmem:$0x8080] =	vst v63  }
0x13e: {  	v3 =	vadd.s32 v1, v3  }
0x13f: {  	[hbm4b:s5+s2] =	stream.indirect_vreg.scatter [tilespmem:s17], [sflag:$0x1], $0x80, v4, vm0, $0xb8;
	[tilespmem:$0x8080] =	vst v63  }
0x140: {  	_ = 	snop  }
0x141: {  	[hbm4b:s6+s2] =	stream.indirect_vreg.scatter [tilespmem:s18], [sflag:$0x1], $0x80, v4, vm0, $0xb8;
	[tilespmem:$0x8080] =	vst v63  }
0x142: {  	_ = 	snop  }
0x143: {  	[hbm4b:s3+s2] =	stream.indirect_vreg.scatter [tilespmem:s19], [sflag:$0x1], $0x80, v3, vm0, $0xb8;
	[tilespmem:$0x8080] =	vst v63  }
0x144: {  	_ = 	snop  }
0x145: {  	[hbm4b:s4+s2] =	stream.indirect_vreg.scatter [tilespmem:s20], [sflag:$0x1], $0x80, v3, vm0, $0xb8;
	[tilespmem:$0x8080] =	vst v63  }
0x146: {  	_ = 	snop  }
0x147: {  	[hbm4b:s5+s2] =	stream.indirect_vreg.scatter [tilespmem:s21], [sflag:$0x1], $0x80, v3, vm0, $0xb8;
	[tilespmem:$0x8080] =	vst v63  }
0x148: {  	_ = 	snop  }
0x149: {  	[hbm4b:s6+s2] =	stream.indirect_vreg.scatter [tilespmem:s22], [sflag:$0x1], $0x80, v3, vm0, $0xb8;
	[tilespmem:$0x8080] =	vst v63  }
0x14a: {  	v3 =	vld [tilespmem:$0x10];
	_ =	sdelay $0x4  }
0x14b: {  	v59 =	vshll.u32 v3, $0x3  }
0x14c: {  	v3 =	vand.u32 $0x7, v3;
	v4 =	vand.u32 $0xFFFFFFC0, v59  }
0x14d: {  	v3 =	vor.u32 v3, v4  }
0x14e: {  	v4 =	vperm.xlane v3, v0;
	_ =	sdelay $0x1  }
0x14f: {  	v4 =	vadd.s32 v1, v4;
	_ =	sdelay $0x4  }
0x150: {  	[hbm4b:s3+s2] =	stream.indirect_vreg.scatter [tilespmem:s23], [sflag:$0x1], $0x80, v4, vm0, $0xb8;
	[tilespmem:$0x8080] =	vst v63  }
0x151: {  	v3 =	vperm.xlane v3, v2  }
0x152: {  	[hbm4b:s4+s2] =	stream.indirect_vreg.scatter [tilespmem:s24], [sflag:$0x1], $0x80, v4, vm0, $0xb8;
	[tilespmem:$0x8080] =	vst v63  }
0x153: {  	v3 =	vadd.s32 v1, v3  }
0x154: {  	[hbm4b:s5+s2] =	stream.indirect_vreg.scatter [tilespmem:s25], [sflag:$0x1], $0x80, v4, vm0, $0xb8;
	[tilespmem:$0x8080] =	vst v63  }
0x155: {  	_ = 	snop  }
0x156: {  	[hbm4b:s6+s2] =	stream.indirect_vreg.scatter [tilespmem:s26], [sflag:$0x1], $0x80, v4, vm0, $0xb8;
	[tilespmem:$0x8080] =	vst v63  }
0x157: {  	_ = 	snop  }
0x158: {  	[hbm4b:s3+s2] =	stream.indirect_vreg.scatter [tilespmem:s28], [sflag:$0x1], $0x80, v3, vm0, $0xb8;
	[tilespmem:$0x8080] =	vst v63  }
0x159: {  	_ = 	snop  }
0x15a: {  	[hbm4b:s4+s2] =	stream.indirect_vreg.scatter [tilespmem:s29], [sflag:$0x1], $0x80, v3, vm0, $0xb8;
	[tilespmem:$0x8080] =	vst v63  }
0x15b: {  	_ = 	snop  }
0x15c: {  	[hbm4b:s5+s2] =	stream.indirect_vreg.scatter [tilespmem:s30], [sflag:$0x1], $0x80, v3, vm0, $0xb8;
	[tilespmem:$0x8080] =	vst v63  }
0x15d: {  	_ = 	snop  }
0x15e: {  	[hbm4b:s6+s2] =	stream.indirect_vreg.scatter [tilespmem:s31], [sflag:$0x1], $0x80, v3, vm0, $0xb8;
	[tilespmem:$0x8080] =	vst v63  }
0x15f: {  	_ =	swait.ge [sflag:s0], $0x8000  }
0x160: {  	[sflag:s0] =	ssyncset.done $0x0  }
0x161: {  	[sflag:s0] =	ssyncadd.s32 $0xFFFF8000  }
0x162: {  	[tilespmem:s2], [sflag:$0x2] =	stream.linear.gather [hbm4b:s9+s2], $0x20, $0x38;
	[tilespmem:$0x8080] =	vst v63  }
0x163: {  	_ =	swait.ge [sflag:s14], $0x20  }
0x164: {  	[sflag:s14] =	ssyncset.done $0x0  }
0x165: {  	[sflag:s14] =	ssyncadd.s32 $0xFFFFFFE0  }
0x166: {  	[tilespmem:s15], [sflag:$0x2] =	stream.linear.gather [hbm4b:s10+s2], $0x8000, $0x38;
	[tilespmem:$0x8080] =	vst v63  }
0x167: {  	_ =	swait.ge [sflag:s14], $0x8000  }
0x168: {  	[sflag:s14] =	ssyncset.done $0x0  }
0x169: {  	[sflag:s14] =	ssyncadd.s32 $0xFFFF8000  }
0x16a: {  	v3 =	vld [tilespmem:$0x0];
	_ =	sdelay $0x4  }
0x16b: {  	v60 =	vshll.u32 v3, $0x3  }
0x16c: {  	v3 =	vand.u32 $0x7, v3;
	v4 =	vand.u32 $0xFFFFFFC0, v60  }
0x16d: {  	v3 =	vor.u32 v3, v4  }
0x16e: {  	v4 =	vperm.xlane v3, v0;
	_ =	sdelay $0x1  }
0x16f: {  	v4 =	vadd.s32 v1, v4;
	_ =	sdelay $0x4  }
0x170: {  	[hbm4b:s3+s2] =	stream.indirect_vreg.scatter [tilespmem:s15], [sflag:$0x1], $0x80, v4, vm0, $0xb8;
	[tilespmem:$0x8080] =	vst v63  }
0x171: {  	v3 =	vperm.xlane v3, v2  }
0x172: {  	[hbm4b:s4+s2] =	stream.indirect_vreg.scatter [tilespmem:s16], [sflag:$0x1], $0x80, v4, vm0, $0xb8;
	[tilespmem:$0x8080] =	vst v63  }
0x173: {  	v3 =	vadd.s32 v1, v3  }
0x174: {  	[hbm4b:s5+s2] =	stream.indirect_vreg.scatter [tilespmem:s17], [sflag:$0x1], $0x80, v4, vm0, $0xb8;
	[tilespmem:$0x8080] =	vst v63  }
0x175: {  	_ = 	snop  }
0x176: {  	[hbm4b:s6+s2] =	stream.indirect_vreg.scatter [tilespmem:s18], [sflag:$0x1], $0x80, v4, vm0, $0xb8;
	[tilespmem:$0x8080] =	vst v63  }
0x177: {  	_ = 	snop  }
0x178: {  	[hbm4b:s3+s2] =	stream.indirect_vreg.scatter [tilespmem:s19], [sflag:$0x1], $0x80, v3, vm0, $0xb8;
	[tilespmem:$0x8080] =	vst v63  }
0x179: {  	_ = 	snop  }
0x17a: {  	[hbm4b:s4+s2] =	stream.indirect_vreg.scatter [tilespmem:s20], [sflag:$0x1], $0x80, v3, vm0, $0xb8;
	[tilespmem:$0x8080] =	vst v63  }
0x17b: {  	_ = 	snop  }
0x17c: {  	[hbm4b:s5+s2] =	stream.indirect_vreg.scatter [tilespmem:s21], [sflag:$0x1], $0x80, v3, vm0, $0xb8;
	[tilespmem:$0x8080] =	vst v63  }
0x17d: {  	_ = 	snop  }
0x17e: {  	[hbm4b:s6+s2] =	stream.indirect_vreg.scatter [tilespmem:s22], [sflag:$0x1], $0x80, v3, vm0, $0xb8;
	[tilespmem:$0x8080] =	vst v63  }
0x17f: {  	v3 =	vld [tilespmem:$0x10];
	_ =	sdelay $0x4  }
0x180: {  	v61 =	vshll.u32 v3, $0x3  }
0x181: {  	v3 =	vand.u32 $0x7, v3;
	v4 =	vand.u32 $0xFFFFFFC0, v61  }
0x182: {  	v3 =	vor.u32 v3, v4  }
0x183: {  	v4 =	vperm.xlane v3, v0;
	_ =	sdelay $0x1  }
0x184: {  	v4 =	vadd.s32 v1, v4;
	_ =	sdelay $0x4  }
0x185: {  	[hbm4b:s3+s2] =	stream.indirect_vreg.scatter [tilespmem:s23], [sflag:$0x1], $0x80, v4, vm0, $0xb8;
	[tilespmem:$0x8080] =	vst v63  }
0x186: {  	v3 =	vperm.xlane v3, v2  }
0x187: {  	[hbm4b:s4+s2] =	stream.indirect_vreg.scatter [tilespmem:s24], [sflag:$0x1], $0x80, v4, vm0, $0xb8;
	[tilespmem:$0x8080] =	vst v63  }
0x188: {  	v3 =	vadd.s32 v1, v3  }
0x189: {  	[hbm4b:s5+s2] =	stream.indirect_vreg.scatter [tilespmem:s25], [sflag:$0x1], $0x80, v4, vm0, $0xb8;
	[tilespmem:$0x8080] =	vst v63  }
0x18a: {  	_ = 	snop  }
0x18b: {  	[hbm4b:s6+s2] =	stream.indirect_vreg.scatter [tilespmem:s26], [sflag:$0x1], $0x80, v4, vm0, $0xb8;
	[tilespmem:$0x8080] =	vst v63  }
0x18c: {  	_ = 	snop  }
0x18d: {  	[hbm4b:s3+s2] =	stream.indirect_vreg.scatter [tilespmem:s28], [sflag:$0x1], $0x80, v3, vm0, $0xb8;
	[tilespmem:$0x8080] =	vst v63  }
0x18e: {  	_ = 	snop  }
0x18f: {  	[hbm4b:s4+s2] =	stream.indirect_vreg.scatter [tilespmem:s29], [sflag:$0x1], $0x80, v3, vm0, $0xb8;
	[tilespmem:$0x8080] =	vst v63  }
0x190: {  	_ = 	snop  }
0x191: {  	[hbm4b:s5+s2] =	stream.indirect_vreg.scatter [tilespmem:s30], [sflag:$0x1], $0x80, v3, vm0, $0xb8;
	[tilespmem:$0x8080] =	vst v63  }
0x192: {  	_ = 	snop  }
0x193: {  	[hbm4b:s6+s2] =	stream.indirect_vreg.scatter [tilespmem:s31], [sflag:$0x1], $0x80, v3, vm0, $0xb8;
	[tilespmem:$0x8080] =	vst v63  }
0x194: {  	_ =	swait.ge [sflag:s0], $0x8000  }
0x195: {  	[sflag:s0] =	ssyncset.done $0x0  }
0x196: {  	[sflag:s0] =	ssyncadd.s32 $0xFFFF8000  }
0x197: {  	[tilespmem:s2], [sflag:$0x2] =	stream.linear.gather [hbm4b:s11+s2], $0x20, $0x38;
	[tilespmem:$0x8080] =	vst v63  }
0x198: {  	_ =	swait.ge [sflag:s14], $0x20  }
0x199: {  	[sflag:s14] =	ssyncset.done $0x0  }
0x19a: {  	[sflag:s14] =	ssyncadd.s32 $0xFFFFFFE0  }
0x19b: {  	[tilespmem:s15], [sflag:$0x2] =	stream.linear.gather [hbm4b:s12+s2], $0x8000, $0x38;
	[tilespmem:$0x8080] =	vst v63  }
0x19c: {  	_ =	swait.ge [sflag:s14], $0x8000  }
0x19d: {  	[sflag:s14] =	ssyncset.done $0x0  }
0x19e: {  	[sflag:s14] =	ssyncadd.s32 $0xFFFF8000  }
0x19f: {  	v3 =	vld [tilespmem:$0x0];
	_ =	sdelay $0x4  }
0x1a0: {  	v62 =	vshll.u32 v3, $0x3  }
0x1a1: {  	v3 =	vand.u32 $0x7, v3;
	v4 =	vand.u32 $0xFFFFFFC0, v62  }
0x1a2: {  	v3 =	vor.u32 v3, v4  }
0x1a3: {  	v4 =	vperm.xlane v3, v0;
	_ =	sdelay $0x1  }
0x1a4: {  	v4 =	vadd.s32 v1, v4;
	_ =	sdelay $0x4  }
0x1a5: {  	[hbm4b:s3+s2] =	stream.indirect_vreg.scatter [tilespmem:s15], [sflag:$0x1], $0x80, v4, vm0, $0xb8;
	[tilespmem:$0x8080] =	vst v63  }
0x1a6: {  	v3 =	vperm.xlane v3, v2  }
0x1a7: {  	[hbm4b:s4+s2] =	stream.indirect_vreg.scatter [tilespmem:s16], [sflag:$0x1], $0x80, v4, vm0, $0xb8;
	[tilespmem:$0x8080] =	vst v63  }
0x1a8: {  	v3 =	vadd.s32 v1, v3  }
0x1a9: {  	[hbm4b:s5+s2] =	stream.indirect_vreg.scatter [tilespmem:s17], [sflag:$0x1], $0x80, v4, vm0, $0xb8;
	[tilespmem:$0x8080] =	vst v63  }
0x1aa: {  	_ = 	snop  }
0x1ab: {  	[hbm4b:s6+s2] =	stream.indirect_vreg.scatter [tilespmem:s18], [sflag:$0x1], $0x80, v4, vm0, $0xb8;
	[tilespmem:$0x8080] =	vst v63  }
0x1ac: {  	_ = 	snop  }
0x1ad: {  	[hbm4b:s3+s2] =	stream.indirect_vreg.scatter [tilespmem:s19], [sflag:$0x1], $0x80, v3, vm0, $0xb8;
	[tilespmem:$0x8080] =	vst v63  }
0x1ae: {  	_ = 	snop  }
0x1af: {  	[hbm4b:s4+s2] =	stream.indirect_vreg.scatter [tilespmem:s20], [sflag:$0x1], $0x80, v3, vm0, $0xb8;
	[tilespmem:$0x8080] =	vst v63  }
0x1b0: {  	_ = 	snop  }
0x1b1: {  	[hbm4b:s5+s2] =	stream.indirect_vreg.scatter [tilespmem:s21], [sflag:$0x1], $0x80, v3, vm0, $0xb8;
	[tilespmem:$0x8080] =	vst v63  }
0x1b2: {  	_ = 	snop  }
0x1b3: {  	[hbm4b:s6+s2] =	stream.indirect_vreg.scatter [tilespmem:s22], [sflag:$0x1], $0x80, v3, vm0, $0xb8;
	[tilespmem:$0x8080] =	vst v63  }
0x1b4: {  	v3 =	vld [tilespmem:$0x10];
	_ =	sdelay $0x4  }
0x1b5: {  	v63 =	vshll.u32 v3, $0x3  }
0x1b6: {  	v3 =	vand.u32 $0x7, v3;
	v4 =	vand.u32 $0xFFFFFFC0, v63  }
0x1b7: {  	v3 =	vor.u32 v3, v4  }
0x1b8: {  	v4 =	vperm.xlane v3, v0;
	_ =	sdelay $0x1  }
0x1b9: {  	v4 =	vadd.s32 v1, v4;
	_ =	sdelay $0x4  }
0x1ba: {  	[hbm4b:s3+s2] =	stream.indirect_vreg.scatter [tilespmem:s23], [sflag:$0x1], $0x80, v4, vm0, $0xb8;
	[tilespmem:$0x8080] =	vst v63  }
0x1bb: {  	v3 =	vperm.xlane v3, v2  }
0x1bc: {  	[hbm4b:s4+s2] =	stream.indirect_vreg.scatter [tilespmem:s24], [sflag:$0x1], $0x80, v4, vm0, $0xb8;
	[tilespmem:$0x8080] =	vst v63  }
0x1bd: {  	v3 =	vadd.s32 v1, v3  }
0x1be: {  	[hbm4b:s5+s2] =	stream.indirect_vreg.scatter [tilespmem:s25], [sflag:$0x1], $0x80, v4, vm0, $0xb8;
	[tilespmem:$0x8080] =	vst v63  }
0x1bf: {  	_ = 	snop  }
0x1c0: {  	[hbm4b:s6+s2] =	stream.indirect_vreg.scatter [tilespmem:s26], [sflag:$0x1], $0x80, v4, vm0, $0xb8;
	[tilespmem:$0x8080] =	vst v63  }
0x1c1: {  	_ = 	snop  }
0x1c2: {  	[hbm4b:s3+s2] =	stream.indirect_vreg.scatter [tilespmem:s28], [sflag:$0x1], $0x80, v3, vm0, $0xb8;
	[tilespmem:$0x8080] =	vst v63  }
0x1c3: {  	_ = 	snop  }
0x1c4: {  	[hbm4b:s4+s2] =	stream.indirect_vreg.scatter [tilespmem:s29], [sflag:$0x1], $0x80, v3, vm0, $0xb8;
	[tilespmem:$0x8080] =	vst v63  }
0x1c5: {  	p0 =	sne.s32 s13, $0x1  }
0x1c6: {  	[hbm4b:s5+s2] =	stream.indirect_vreg.scatter [tilespmem:s30], [sflag:$0x1], $0x80, v3, vm0, $0xb8;
	[tilespmem:$0x8080] =	vst v63  }
.Ltmp0:
0x1c7: {  	_ = 	snop;
	(pc) =	sbr.rel @p0 .LBB2_1-.Ltmp0, $4  }
0x1c8: {  	[hbm4b:s6+s2] =	stream.indirect_vreg.scatter [tilespmem:s31], [sflag:$0x1], $0x80, v3, vm0, $0xb8;
	[tilespmem:$0x8080] =	vst v63  }
0x1c9: {  	_ =	swait.ge [sflag:s0], $0x8000  }
0x1ca: {  	[sflag:s0] =	ssyncset.done $0x0  }
0x1cb: {  	s13 =	sadd.s32 $0xFFFFFFFF, s13;
	[sflag:s0] =	ssyncadd.s32 $0xFFFF8000  }
0x1cc: {  	_ =	sfence.sel $0x180000  }
0x1cd: {  	[bflag:$0x0] =	sbarrier.arrive $0xFFFF  }
0x1ce: {  	_ =	strace $0x90000047  }
0x1cf: {  	s0 =	stileid.u32;
	[bflag:$0x2] =	sbarrier.arrive $0xFFFF  }
0x1d0: {  	p0 =	sne.s32 s0, $0x0;
	s0 =	rddreg [dreg:$0x3]  }
0x1d1: {  	s0 =	sadd.s32 @!p0 $0x100000, s0  }
0x1d2: {  	[sflag:s0] =	ssyncadd.tile.s32 @!p0 $0x1;
	_ =	shalt  }
.Lfunc_end2:
_tile_overlayer_lowered:
.L_overlay_start_2:
0x1d3: {  	(tag) =	ssettag $0x2  }
0x1d4: {  	s0 =	rddreg [dreg:$0x0];
	s2 =	stileid.u32  }
0x1d5: {  	s1 =	rddreg [dreg:$0x1];
	p0 =	sne.s32 s2, $0x0  }
0x1d6: {  	s3 =	rddreg [dreg:$0x2];
	[bflag:$0x3] =	sbarrier.arrive $0xFFFF;
	s2 =	simm.s32 @!p0 $0x1C02  }
0x1d7: {  	[timem:s3], [sflag:s2] =	dma.local @!p0 [hbm:s0], s1  }
0x1d8: {  	s0 =	simm.s32 @!p0 $0x2  }
0x1d9: {  	_ =	swait.ge @!p0 [sflag:s0], s1  }
0x1da: {  	s1 =	ssub.s32 @!p0 $0x0, s1;
	[sflag:s0] =	ssyncset.done @!p0 $0x0  }
0x1db: {  	[sflag:s0] =	ssyncadd.s32 @!p0 s1  }
0x1dc: {  	[bflag:$0x3] =	sbarrier.arrive $0xFFFF  }
0x1dd: {  	_ =	shalt  }

</sc_bundles>
